<compile_context>
chip_gen: v7x
topology: tpu7x:2x2x1
jax: 0.10.2.dev20260603
libtpu: 0.0.44.dev20260713+nightly
codegen_flags: <defaults>
</compile_context>

<pallas_src>
import functools

import jax
import jax.numpy as jnp
from jax import lax
from jax.experimental import pallas as pl
from jax.experimental.pallas import tpu as pltpu
from jax.experimental.pallas import tpu_sc as plsc

M = 2048
N = 16384
K = 16
NC, NS, L = 2, 16, 16
NW = NC * NS
QPW = N // NW
CHUNKS = QPW // L
U = 2
SB = 2048


def _rank_body(krow_ref, out_ref):
    i0 = pl.program_id(0)
    krow = krow_ref[...]
    kcol = jnp.transpose(krow_ref[:, pl.ds(i0 * SB, SB)], (1, 0))
    lt = krow < kcol
    eq = krow == kcol
    j = lax.broadcasted_iota(jnp.int32, (SB, M), 1)
    i = lax.broadcasted_iota(jnp.int32, (SB, M), 0) + i0 * SB
    before = jnp.logical_or(lt, jnp.logical_and(eq, j < i))
    bf = jnp.where(before, 1.0, 0.0).astype(jnp.float32)
    rank = jax.lax.dot_general(
        bf, jnp.ones((M, 1), jnp.float32),
        (((1,), (0,)), ((), ())),
        preferred_element_type=jnp.float32,
    )
    out_ref[...] = jnp.transpose(rank, (1, 0)).astype(jnp.int32)


def _rank_keys(xm):
    out = pl.pallas_call(
        _rank_body,
        grid=(M // SB,),
        in_specs=[pl.BlockSpec((1, M), lambda i: (0, 0))],
        out_specs=pl.BlockSpec((1, SB), lambda i: (0, i)),
        out_shape=jax.ShapeDtypeStruct((1, M), jnp.int32),
    )(xm.reshape(1, M))
    return out.reshape(M)


def _knn_body(
    x_hbm, keys_hbm, ranks_hbm, out_hbm,
    keys_v, raw_v, rk_v, xq_v, out_v, sem_k, sem_r, sem_x,
):
    wid = lax.axis_index("s") * NC + lax.axis_index("c")
    base = wid * QPW
    cp_k = pltpu.make_async_copy(keys_hbm, raw_v, sem_k)
    cp_r = pltpu.make_async_copy(ranks_hbm, rk_v, sem_r)
    cp_x = pltpu.make_async_copy(x_hbm.at[pl.ds(base, QPW)], xq_v, sem_x)
    cp_k.start()
    cp_r.start()
    cp_x.start()
    keys_v[pl.ds(0, L)] = jnp.full((L,), -jnp.inf, jnp.float32)
    keys_v[pl.ds(M + K, L)] = jnp.full((L,), jnp.inf, jnp.float32)
    cp_k.wait()
    cp_r.wait()
    cp_x.wait()
    lanes = lax.iota(jnp.int32, L)
    half = M // 2

    @plsc.parallel_loop(0, M // L, unroll=4)
    def _place(pi):
        o = pi * L
        plsc.store_scatter(
            keys_v, [rk_v[pl.ds(o, L)] + K], raw_v[pl.ds(o, L)]
        )

    @plsc.parallel_loop(0, CHUNKS, unroll=U)
    def _chunk(ci):
        off = ci * L
        xq = xq_v[pl.ds(off, L)]
        rows = off + lanes
        kv = plsc.load_gather(keys_v, [jnp.full((L,), K + half - 1, jnp.int32)])
        posK = jnp.where(kv < xq, K + half, K)
        b = half // 2
        while b >= 1:
            kv = plsc.load_gather(keys_v, [posK + (b - 1)])
            posK = jnp.where(kv < xq, posK + b, posK)
            b //= 2
        kv = plsc.load_gather(keys_v, [posK])
        posK = jnp.where(kv < xq, posK + 1, posK)
        plsc.store_scatter(out_v, [rows, jnp.zeros((L,), jnp.int32)], xq)
        l = posK - 1
        r = posK
        dl = jnp.abs(xq - plsc.load_gather(keys_v, [l]))
        dr = jnp.abs(plsc.load_gather(keys_v, [r]) - xq)
        for t in range(K):
            tk = dl < dr
            d = jnp.where(tk, dl, dr)
            plsc.store_scatter(out_v, [rows, jnp.full((L,), t + 1, jnp.int32)], d)
            if t < K - 1:
                l = jnp.where(tk, l - 1, l)
                r = jnp.where(tk, r, r + 1)
                nd = jnp.abs(xq - plsc.load_gather(keys_v, [jnp.where(tk, l, r)]))
                dl = jnp.where(tk, nd, dl)
                dr = jnp.where(tk, dr, nd)

    pltpu.sync_copy(out_v, out_hbm.at[pl.ds(base, QPW)])


@functools.cache
def _make_knn():
    mesh = plsc.VectorSubcoreMesh(
        core_axis_name="c", subcore_axis_name="s", num_cores=NC, num_subcores=NS
    )
    return pl.kernel(
        _knn_body,
        out_type=jax.ShapeDtypeStruct((N, K + 1), jnp.float32),
        mesh=mesh,
        scratch_types=[
            pltpu.VMEM((M + 2 * K,), jnp.float32),
            pltpu.VMEM((M,), jnp.float32),
            pltpu.VMEM((M,), jnp.int32),
            pltpu.VMEM((QPW,), jnp.float32),
            pltpu.VMEM((QPW, K + 1), jnp.float32),
            pltpu.SemaphoreType.DMA,
            pltpu.SemaphoreType.DMA,
            pltpu.SemaphoreType.DMA,
        ],
        compiler_params=pltpu.CompilerParams(needs_layout_passes=False),
    )


def kernel(x, x_measured):
    ranks = _rank_keys(x_measured)
    return _make_knn()(x, x_measured, ranks)

# --- scband reference (transcript-rebuilt; emitter-appended) ---
"""Pipeline reference for scband-sldasnet-19095424598565 (READ-ONLY COPY).

The authoritative reference and input builder live on the scoring server;
editing this copy changes nothing except your own understanding.
"""

import jax, jax.numpy as jnp
import numpy as np

N_NEIGHBORS = 16

def setup_inputs(seed: int = 0) -> dict:
    key = jax.random.key(seed)
    k1, k2 = jax.random.split(key)
    x = jax.random.normal(k1, (16384,), dtype=jnp.float32)
    x_measured = jax.random.normal(k2, (2048,), dtype=jnp.float32)
    return {"x": x, "x_measured": x_measured}

def reference(x, x_measured):
    # generate_k_nearest_neighbor_distance_feature
    dists = jnp.abs(x.reshape(-1, 1) - x_measured)  # [N, M]
    dists = jnp.sort(dists, axis=1)
    dists = jnp.nan_to_num(dists, nan=1.0)
    # M (=2048) >= n_neighbors (=16), so no replicate-padding branch
    feat_knn_dists = dists[:, :N_NEIGHBORS]
    # generate_features: concat raw value with kNN distance features
    xc = x.reshape(-1, 1)
    feat = jnp.concatenate([xc, feat_knn_dists], axis=1)  # [N, 1 + n_neighbors]
    return feat

if __name__ == "__main__":
    import jax
    _d = setup_inputs()
    print(jax.jit(kernel)(*tuple(_d.values())))

</pallas_src>

<mosaic_0001>
#map = affine_map<(d0, d1) -> (0)>
#map1 = affine_map<(d0, d1) -> (0, 0)>
module attributes {stable_mosaic.version = 14 : i64} {
  func.func @_knn_body(%arg0: i32, %arg1: i32, %arg2: memref<16384xf32, #tpu.memory_space<hbm>>, %arg3: memref<2048xf32, #tpu.memory_space<hbm>>, %arg4: memref<2048xi32, #tpu.memory_space<hbm>>, %arg5: memref<16384x17xf32, #tpu.memory_space<hbm>>, %arg6: memref<2080xf32, #tpu.memory_space<vmem>>, %arg7: memref<2048xf32, #tpu.memory_space<vmem>>, %arg8: memref<2048xi32, #tpu.memory_space<vmem>>, %arg9: memref<512xf32, #tpu.memory_space<vmem>>, %arg10: memref<512x17xf32, #tpu.memory_space<vmem>>, %arg11: memref<!tpu.dma_semaphore, #tpu.memory_space<semaphore_mem>>, %arg12: memref<!tpu.dma_semaphore, #tpu.memory_space<semaphore_mem>>, %arg13: memref<!tpu.dma_semaphore, #tpu.memory_space<semaphore_mem>>) attributes {dimension_semantics = [#tpu.dimension_semantics<core_parallel>, #tpu.dimension_semantics<subcore_parallel>], iteration_bounds = array<i64: 2, 16>, scalar_prefetch = 0 : i64, scratch_operands = 8 : i64, tpu.core_type = #tpu.core_type<sc_vector_subcore>, window_params = [{transform_indices = #map}, {transform_indices = #map}, {transform_indices = #map}, {transform_indices = #map1}]} {
    %mul3A = arith.constant 2 : i32
    %mul3A_0 = arith.muli %arg1, %mul3A : i32
    %add3A = arith.addi %mul3A_0, %arg0 : i32
    %mul3A_1 = arith.constant 512 : i32
    %mul3A_2 = arith.muli %add3A, %mul3A_1 : i32
    tpu.enqueue_dma source(%arg3 : memref<2048xf32, #tpu.memory_space<hbm>>) target(%arg7 : memref<2048xf32, #tpu.memory_space<vmem>>) target_semaphore(%arg11 : memref<!tpu.dma_semaphore, #tpu.memory_space<semaphore_mem>>)
    tpu.enqueue_dma source(%arg4 : memref<2048xi32, #tpu.memory_space<hbm>>) target(%arg8 : memref<2048xi32, #tpu.memory_space<vmem>>) target_semaphore(%arg12 : memref<!tpu.dma_semaphore, #tpu.memory_space<semaphore_mem>>)
    %dma_start3A = tpu.memref_slice %arg2[%mul3A_2] : memref<16384xf32, #tpu.memory_space<hbm>> -> memref<512xf32, #tpu.memory_space<hbm>>
    %dma_start3A_3 = tpu.memref_slice %arg2[%mul3A_2] : memref<16384xf32, #tpu.memory_space<hbm>> -> memref<512xf32, #tpu.memory_space<hbm>>
    tpu.enqueue_dma source(%dma_start3A_3 : memref<512xf32, #tpu.memory_space<hbm>>) target(%arg9 : memref<512xf32, #tpu.memory_space<vmem>>) target_semaphore(%arg13 : memref<!tpu.dma_semaphore, #tpu.memory_space<semaphore_mem>>)
    %broadcast_in_dim3A = arith.constant 0xFF800000 : f32
    %broadcast_in_dim3A_4 = vector.broadcast %broadcast_in_dim3A : f32 to vector<16xf32>
    %swap3A = arith.constant 0 : index
    %swap3A_5 = tpu.vector_load %arg6[%swap3A] {strides = array<i32>} : memref<2080xf32, #tpu.memory_space<vmem>>, vector<16xf32>,
    tpu.vector_store %arg6[%swap3A], %broadcast_in_dim3A_4 {strides = array<i32>} : memref<2080xf32, #tpu.memory_space<vmem>>, vector<16xf32>,
    %broadcast_in_dim3A_6 = arith.constant 0x7F800000 : f32
    %broadcast_in_dim3A_7 = vector.broadcast %broadcast_in_dim3A_6 : f32 to vector<16xf32>
    %swap3A_8 = arith.constant 2064 : index
    %swap3A_9 = tpu.vector_load %arg6[%swap3A_8] {strides = array<i32>} : memref<2080xf32, #tpu.memory_space<vmem>>, vector<16xf32>,
    tpu.vector_store %arg6[%swap3A_8], %broadcast_in_dim3A_7 {strides = array<i32>} : memref<2080xf32, #tpu.memory_space<vmem>>, vector<16xf32>,
    tpu.wait_dma2 semaphore(%arg11 : memref<!tpu.dma_semaphore, #tpu.memory_space<semaphore_mem>>) src(%arg3 : memref<2048xf32, #tpu.memory_space<hbm>>) dst(%arg7 : memref<2048xf32, #tpu.memory_space<vmem>>)
    tpu.wait_dma2 semaphore(%arg12 : memref<!tpu.dma_semaphore, #tpu.memory_space<semaphore_mem>>) src(%arg4 : memref<2048xi32, #tpu.memory_space<hbm>>) dst(%arg8 : memref<2048xi32, #tpu.memory_space<vmem>>)
    %dma_wait3A = tpu.memref_slice %arg2[%mul3A_2] : memref<16384xf32, #tpu.memory_space<hbm>> -> memref<512xf32, #tpu.memory_space<hbm>>
    %dma_wait3A_10 = tpu.memref_slice %arg2[%mul3A_2] : memref<16384xf32, #tpu.memory_space<hbm>> -> memref<512xf32, #tpu.memory_space<hbm>>
    tpu.wait_dma2 semaphore(%arg13 : memref<!tpu.dma_semaphore, #tpu.memory_space<semaphore_mem>>) src(%dma_wait3A_10 : memref<512xf32, #tpu.memory_space<hbm>>) dst(%arg9 : memref<512xf32, #tpu.memory_space<vmem>>)
    %iota3A = tpu.iota {dimensions = array<i32: 0>} : vector<16xi32>
    %parallel_loop3A = arith.constant 0 : i32
    %parallel_loop3A_11 = arith.constant 128 : i32
    %parallel_loop3A_12 = arith.constant 1 : i32
    scf.for %parallel_loop3A_16 = %parallel_loop3A to %parallel_loop3A_11 step %parallel_loop3A_12  : i32 {
      %parallel_loop3A_17 = arith.constant 16 : i32
      %parallel_loop3A_18 = arith.muli %parallel_loop3A_16, %parallel_loop3A_17 : i32
      %parallel_loop3A_19 = arith.index_cast %parallel_loop3A_18 : i32 to index
      %parallel_loop3A_20 = tpu.vector_load %arg8[%parallel_loop3A_19] {strides = array<i32>} : memref<2048xi32, #tpu.memory_space<vmem>>, vector<16xi32>,
      %parallel_loop3A_21 = arith.constant 16 : i32
      %parallel_loop3A_22 = vector.broadcast %parallel_loop3A_21 : i32 to vector<16xi32>
      %parallel_loop3A_23 = arith.addi %parallel_loop3A_20, %parallel_loop3A_22 : vector<16xi32>
      %parallel_loop3A_24 = arith.index_cast %parallel_loop3A_18 : i32 to index
      %parallel_loop3A_25 = tpu.vector_load %arg7[%parallel_loop3A_24] {strides = array<i32>} : memref<2048xf32, #tpu.memory_space<vmem>>, vector<16xf32>,
      tpu.vector_store_idx %arg6[%parallel_loop3A_23], %parallel_loop3A_25 : memref<2080xf32, #tpu.memory_space<vmem>>[vector<16xi32>], vector<16xf32>,
    } {sc.loop_unroll_factor = 4 : i64, sc.parallel_access}
    %parallel_loop3A_13 = arith.constant 0 : i32
    %parallel_loop3A_14 = arith.constant 32 : i32
    %parallel_loop3A_15 = arith.constant 1 : i32
    scf.for %parallel_loop3A_16 = %parallel_loop3A_13 to %parallel_loop3A_14 step %parallel_loop3A_15  : i32 {
      %parallel_loop3A_17 = arith.constant 16 : i32
      %parallel_loop3A_18 = arith.muli %parallel_loop3A_16, %parallel_loop3A_17 : i32
      %parallel_loop3A_19 = arith.index_cast %parallel_loop3A_18 : i32 to index
      %parallel_loop3A_20 = tpu.vector_load %arg9[%parallel_loop3A_19] {strides = array<i32>} : memref<512xf32, #tpu.memory_space<vmem>>, vector<16xf32>,
      %parallel_loop3A_21 = vector.broadcast %parallel_loop3A_18 : i32 to vector<16xi32>
      %parallel_loop3A_22 = arith.addi %parallel_loop3A_21, %iota3A : vector<16xi32>
      %parallel_loop3A_23 = arith.constant 1039 : i32
      %parallel_loop3A_24 = vector.broadcast %parallel_loop3A_23 : i32 to vector<16xi32>
      %parallel_loop3A_25 = tpu.vector_load_idx %arg6[%parallel_loop3A_24] : memref<2080xf32, #tpu.memory_space<vmem>>[vector<16xi32>], vector<16xf32>,
      %parallel_loop3A_26 = arith.cmpf olt, %parallel_loop3A_25, %parallel_loop3A_20 : vector<16xf32>
      %parallel_loop3A_27 = arith.constant 1040 : i32
      %parallel_loop3A_28 = arith.constant 16 : i32
      %parallel_loop3A_29 = vector.broadcast %parallel_loop3A_27 : i32 to vector<16xi32>
      %parallel_loop3A_30 = vector.broadcast %parallel_loop3A_28 : i32 to vector<16xi32>
      %parallel_loop3A_31 = arith.select %parallel_loop3A_26, %parallel_loop3A_29, %parallel_loop3A_30 : vector<16xi1>, vector<16xi32>
      %parallel_loop3A_32 = arith.constant 511 : i32
      %parallel_loop3A_33 = vector.broadcast %parallel_loop3A_32 : i32 to vector<16xi32>
      %parallel_loop3A_34 = arith.addi %parallel_loop3A_31, %parallel_loop3A_33 : vector<16xi32>
      %parallel_loop3A_35 = tpu.vector_load_idx %arg6[%parallel_loop3A_34] : memref<2080xf32, #tpu.memory_space<vmem>>[vector<16xi32>], vector<16xf32>,
      %parallel_loop3A_36 = arith.cmpf olt, %parallel_loop3A_35, %parallel_loop3A_20 : vector<16xf32>
      %parallel_loop3A_37 = arith.constant 512 : i32
      %parallel_loop3A_38 = vector.broadcast %parallel_loop3A_37 : i32 to vector<16xi32>
      %parallel_loop3A_39 = arith.addi %parallel_loop3A_31, %parallel_loop3A_38 : vector<16xi32>
      %parallel_loop3A_40 = arith.select %parallel_loop3A_36, %parallel_loop3A_39, %parallel_loop3A_31 : vector<16xi1>, vector<16xi32>
      %parallel_loop3A_41 = arith.constant 255 : i32
      %parallel_loop3A_42 = vector.broadcast %parallel_loop3A_41 : i32 to vector<16xi32>
      %parallel_loop3A_43 = arith.addi %parallel_loop3A_40, %parallel_loop3A_42 : vector<16xi32>
      %parallel_loop3A_44 = tpu.vector_load_idx %arg6[%parallel_loop3A_43] : memref<2080xf32, #tpu.memory_space<vmem>>[vector<16xi32>], vector<16xf32>,
      %parallel_loop3A_45 = arith.cmpf olt, %parallel_loop3A_44, %parallel_loop3A_20 : vector<16xf32>
      %parallel_loop3A_46 = arith.constant 256 : i32
      %parallel_loop3A_47 = vector.broadcast %parallel_loop3A_46 : i32 to vector<16xi32>
      %parallel_loop3A_48 = arith.addi %parallel_loop3A_40, %parallel_loop3A_47 : vector<16xi32>
      %parallel_loop3A_49 = arith.select %parallel_loop3A_45, %parallel_loop3A_48, %parallel_loop3A_40 : vector<16xi1>, vector<16xi32>
      %parallel_loop3A_50 = arith.constant 127 : i32
      %parallel_loop3A_51 = vector.broadcast %parallel_loop3A_50 : i32 to vector<16xi32>
      %parallel_loop3A_52 = arith.addi %parallel_loop3A_49, %parallel_loop3A_51 : vector<16xi32>
      %parallel_loop3A_53 = tpu.vector_load_idx %arg6[%parallel_loop3A_52] : memref<2080xf32, #tpu.memory_space<vmem>>[vector<16xi32>], vector<16xf32>,
      %parallel_loop3A_54 = arith.cmpf olt, %parallel_loop3A_53, %parallel_loop3A_20 : vector<16xf32>
      %parallel_loop3A_55 = arith.constant 128 : i32
      %parallel_loop3A_56 = vector.broadcast %parallel_loop3A_55 : i32 to vector<16xi32>
      %parallel_loop3A_57 = arith.addi %parallel_loop3A_49, %parallel_loop3A_56 : vector<16xi32>
      %parallel_loop3A_58 = arith.select %parallel_loop3A_54, %parallel_loop3A_57, %parallel_loop3A_49 : vector<16xi1>, vector<16xi32>
      %parallel_loop3A_59 = arith.constant 63 : i32
      %parallel_loop3A_60 = vector.broadcast %parallel_loop3A_59 : i32 to vector<16xi32>
      %parallel_loop3A_61 = arith.addi %parallel_loop3A_58, %parallel_loop3A_60 : vector<16xi32>
      %parallel_loop3A_62 = tpu.vector_load_idx %arg6[%parallel_loop3A_61] : memref<2080xf32, #tpu.memory_space<vmem>>[vector<16xi32>], vector<16xf32>,
      %parallel_loop3A_63 = arith.cmpf olt, %parallel_loop3A_62, %parallel_loop3A_20 : vector<16xf32>
      %parallel_loop3A_64 = arith.constant 64 : i32
      %parallel_loop3A_65 = vector.broadcast %parallel_loop3A_64 : i32 to vector<16xi32>
      %parallel_loop3A_66 = arith.addi %parallel_loop3A_58, %parallel_loop3A_65 : vector<16xi32>
      %parallel_loop3A_67 = arith.select %parallel_loop3A_63, %parallel_loop3A_66, %parallel_loop3A_58 : vector<16xi1>, vector<16xi32>
      %parallel_loop3A_68 = arith.constant 31 : i32
      %parallel_loop3A_69 = vector.broadcast %parallel_loop3A_68 : i32 to vector<16xi32>
      %parallel_loop3A_70 = arith.addi %parallel_loop3A_67, %parallel_loop3A_69 : vector<16xi32>
      %parallel_loop3A_71 = tpu.vector_load_idx %arg6[%parallel_loop3A_70] : memref<2080xf32, #tpu.memory_space<vmem>>[vector<16xi32>], vector<16xf32>,
      %parallel_loop3A_72 = arith.cmpf olt, %parallel_loop3A_71, %parallel_loop3A_20 : vector<16xf32>
      %parallel_loop3A_73 = arith.constant 32 : i32
      %parallel_loop3A_74 = vector.broadcast %parallel_loop3A_73 : i32 to vector<16xi32>
      %parallel_loop3A_75 = arith.addi %parallel_loop3A_67, %parallel_loop3A_74 : vector<16xi32>
      %parallel_loop3A_76 = arith.select %parallel_loop3A_72, %parallel_loop3A_75, %parallel_loop3A_67 : vector<16xi1>, vector<16xi32>
      %parallel_loop3A_77 = arith.constant 15 : i32
      %parallel_loop3A_78 = vector.broadcast %parallel_loop3A_77 : i32 to vector<16xi32>
      %parallel_loop3A_79 = arith.addi %parallel_loop3A_76, %parallel_loop3A_78 : vector<16xi32>
      %parallel_loop3A_80 = tpu.vector_load_idx %arg6[%parallel_loop3A_79] : memref<2080xf32, #tpu.memory_space<vmem>>[vector<16xi32>], vector<16xf32>,
      %parallel_loop3A_81 = arith.cmpf olt, %parallel_loop3A_80, %parallel_loop3A_20 : vector<16xf32>
      %parallel_loop3A_82 = arith.constant 16 : i32
      %parallel_loop3A_83 = vector.broadcast %parallel_loop3A_82 : i32 to vector<16xi32>
      %parallel_loop3A_84 = arith.addi %parallel_loop3A_76, %parallel_loop3A_83 : vector<16xi32>
      %parallel_loop3A_85 = arith.select %parallel_loop3A_81, %parallel_loop3A_84, %parallel_loop3A_76 : vector<16xi1>, vector<16xi32>
      %parallel_loop3A_86 = arith.constant 7 : i32
      %parallel_loop3A_87 = vector.broadcast %parallel_loop3A_86 : i32 to vector<16xi32>
      %parallel_loop3A_88 = arith.addi %parallel_loop3A_85, %parallel_loop3A_87 : vector<16xi32>
      %parallel_loop3A_89 = tpu.vector_load_idx %arg6[%parallel_loop3A_88] : memref<2080xf32, #tpu.memory_space<vmem>>[vector<16xi32>], vector<16xf32>,
      %parallel_loop3A_90 = arith.cmpf olt, %parallel_loop3A_89, %parallel_loop3A_20 : vector<16xf32>
      %parallel_loop3A_91 = arith.constant 8 : i32
      %parallel_loop3A_92 = vector.broadcast %parallel_loop3A_91 : i32 to vector<16xi32>
      %parallel_loop3A_93 = arith.addi %parallel_loop3A_85, %parallel_loop3A_92 : vector<16xi32>
      %parallel_loop3A_94 = arith.select %parallel_loop3A_90, %parallel_loop3A_93, %parallel_loop3A_85 : vector<16xi1>, vector<16xi32>
      %parallel_loop3A_95 = arith.constant 3 : i32
      %parallel_loop3A_96 = vector.broadcast %parallel_loop3A_95 : i32 to vector<16xi32>
      %parallel_loop3A_97 = arith.addi %parallel_loop3A_94, %parallel_loop3A_96 : vector<16xi32>
      %parallel_loop3A_98 = tpu.vector_load_idx %arg6[%parallel_loop3A_97] : memref<2080xf32, #tpu.memory_space<vmem>>[vector<16xi32>], vector<16xf32>,
      %parallel_loop3A_99 = arith.cmpf olt, %parallel_loop3A_98, %parallel_loop3A_20 : vector<16xf32>
      %parallel_loop3A_100 = arith.constant 4 : i32
      %parallel_loop3A_101 = vector.broadcast %parallel_loop3A_100 : i32 to vector<16xi32>
      %parallel_loop3A_102 = arith.addi %parallel_loop3A_94, %parallel_loop3A_101 : vector<16xi32>
      %parallel_loop3A_103 = arith.select %parallel_loop3A_99, %parallel_loop3A_102, %parallel_loop3A_94 : vector<16xi1>, vector<16xi32>
      %parallel_loop3A_104 = arith.constant 1 : i32
      %parallel_loop3A_105 = vector.broadcast %parallel_loop3A_104 : i32 to vector<16xi32>
      %parallel_loop3A_106 = arith.addi %parallel_loop3A_103, %parallel_loop3A_105 : vector<16xi32>
      %parallel_loop3A_107 = tpu.vector_load_idx %arg6[%parallel_loop3A_106] : memref<2080xf32, #tpu.memory_space<vmem>>[vector<16xi32>], vector<16xf32>,
      %parallel_loop3A_108 = arith.cmpf olt, %parallel_loop3A_107, %parallel_loop3A_20 : vector<16xf32>
      %parallel_loop3A_109 = arith.constant 2 : i32
      %parallel_loop3A_110 = vector.broadcast %parallel_loop3A_109 : i32 to vector<16xi32>
      %parallel_loop3A_111 = arith.addi %parallel_loop3A_103, %parallel_loop3A_110 : vector<16xi32>
      %parallel_loop3A_112 = arith.select %parallel_loop3A_108, %parallel_loop3A_111, %parallel_loop3A_103 : vector<16xi1>, vector<16xi32>
      %parallel_loop3A_113 = arith.constant 0 : i32
      %parallel_loop3A_114 = vector.broadcast %parallel_loop3A_113 : i32 to vector<16xi32>
      %parallel_loop3A_115 = arith.addi %parallel_loop3A_112, %parallel_loop3A_114 : vector<16xi32>
      %parallel_loop3A_116 = tpu.vector_load_idx %arg6[%parallel_loop3A_115] : memref<2080xf32, #tpu.memory_space<vmem>>[vector<16xi32>], vector<16xf32>,
      %parallel_loop3A_117 = arith.cmpf olt, %parallel_loop3A_116, %parallel_loop3A_20 : vector<16xf32>
      %parallel_loop3A_118 = arith.constant 1 : i32
      %parallel_loop3A_119 = vector.broadcast %parallel_loop3A_118 : i32 to vector<16xi32>
      %parallel_loop3A_120 = arith.addi %parallel_loop3A_112, %parallel_loop3A_119 : vector<16xi32>
      %parallel_loop3A_121 = arith.select %parallel_loop3A_117, %parallel_loop3A_120, %parallel_loop3A_112 : vector<16xi1>, vector<16xi32>
      %parallel_loop3A_122 = tpu.vector_load_idx %arg6[%parallel_loop3A_121] : memref<2080xf32, #tpu.memory_space<vmem>>[vector<16xi32>], vector<16xf32>,
      %parallel_loop3A_123 = arith.cmpf olt, %parallel_loop3A_122, %parallel_loop3A_20 : vector<16xf32>
      %parallel_loop3A_124 = arith.constant 1 : i32
      %parallel_loop3A_125 = vector.broadcast %parallel_loop3A_124 : i32 to vector<16xi32>
      %parallel_loop3A_126 = arith.addi %parallel_loop3A_121, %parallel_loop3A_125 : vector<16xi32>
      %parallel_loop3A_127 = arith.select %parallel_loop3A_123, %parallel_loop3A_126, %parallel_loop3A_121 : vector<16xi1>, vector<16xi32>
      %parallel_loop3A_128 = arith.constant 0 : i32
      %parallel_loop3A_129 = vector.broadcast %parallel_loop3A_128 : i32 to vector<16xi32>
      tpu.vector_store_idx %arg10[%parallel_loop3A_22, %parallel_loop3A_129], %parallel_loop3A_20 : memref<512x17xf32, #tpu.memory_space<vmem>>[vector<16xi32>, vector<16xi32>], vector<16xf32>,
      %parallel_loop3A_130 = arith.constant 1 : i32
      %parallel_loop3A_131 = vector.broadcast %parallel_loop3A_130 : i32 to vector<16xi32>
      %parallel_loop3A_132 = arith.subi %parallel_loop3A_127, %parallel_loop3A_131 : vector<16xi32>
      %parallel_loop3A_133 = tpu.vector_load_idx %arg6[%parallel_loop3A_132] : memref<2080xf32, #tpu.memory_space<vmem>>[vector<16xi32>], vector<16xf32>,
      %parallel_loop3A_134 = arith.subf %parallel_loop3A_20, %parallel_loop3A_133 : vector<16xf32>
      %parallel_loop3A_135 = math.absf %parallel_loop3A_134 : vector<16xf32>
      %parallel_loop3A_136 = tpu.vector_load_idx %arg6[%parallel_loop3A_127] : memref<2080xf32, #tpu.memory_space<vmem>>[vector<16xi32>], vector<16xf32>,
      %parallel_loop3A_137 = arith.subf %parallel_loop3A_136, %parallel_loop3A_20 : vector<16xf32>
      %parallel_loop3A_138 = math.absf %parallel_loop3A_137 : vector<16xf32>
      %parallel_loop3A_139 = arith.cmpf olt, %parallel_loop3A_135, %parallel_loop3A_138 : vector<16xf32>
      %parallel_loop3A_140 = arith.select %parallel_loop3A_139, %parallel_loop3A_135, %parallel_loop3A_138 : vector<16xi1>, vector<16xf32>
      %parallel_loop3A_141 = arith.constant 1 : i32
      %parallel_loop3A_142 = vector.broadcast %parallel_loop3A_141 : i32 to vector<16xi32>
      tpu.vector_store_idx %arg10[%parallel_loop3A_22, %parallel_loop3A_142], %parallel_loop3A_140 : memref<512x17xf32, #tpu.memory_space<vmem>>[vector<16xi32>, vector<16xi32>], vector<16xf32>,
      %parallel_loop3A_143 = arith.constant 1 : i32
      %parallel_loop3A_144 = vector.broadcast %parallel_loop3A_143 : i32 to vector<16xi32>
      %parallel_loop3A_145 = arith.subi %parallel_loop3A_132, %parallel_loop3A_144 : vector<16xi32>
      %parallel_loop3A_146 = arith.select %parallel_loop3A_139, %parallel_loop3A_145, %parallel_loop3A_132 : vector<16xi1>, vector<16xi32>
      %parallel_loop3A_147 = arith.constant 1 : i32
      %parallel_loop3A_148 = vector.broadcast %parallel_loop3A_147 : i32 to vector<16xi32>
      %parallel_loop3A_149 = arith.addi %parallel_loop3A_127, %parallel_loop3A_148 : vector<16xi32>
      %parallel_loop3A_150 = arith.select %parallel_loop3A_139, %parallel_loop3A_127, %parallel_loop3A_149 : vector<16xi1>, vector<16xi32>
      %parallel_loop3A_151 = arith.select %parallel_loop3A_139, %parallel_loop3A_146, %parallel_loop3A_150 : vector<16xi1>, vector<16xi32>
      %parallel_loop3A_152 = tpu.vector_load_idx %arg6[%parallel_loop3A_151] : memref<2080xf32, #tpu.memory_space<vmem>>[vector<16xi32>], vector<16xf32>,
      %parallel_loop3A_153 = arith.subf %parallel_loop3A_20, %parallel_loop3A_152 : vector<16xf32>
      %parallel_loop3A_154 = math.absf %parallel_loop3A_153 : vector<16xf32>
      %parallel_loop3A_155 = arith.select %parallel_loop3A_139, %parallel_loop3A_154, %parallel_loop3A_135 : vector<16xi1>, vector<16xf32>
      %parallel_loop3A_156 = arith.select %parallel_loop3A_139, %parallel_loop3A_138, %parallel_loop3A_154 : vector<16xi1>, vector<16xf32>
      %parallel_loop3A_157 = arith.cmpf olt, %parallel_loop3A_155, %parallel_loop3A_156 : vector<16xf32>
      %parallel_loop3A_158 = arith.select %parallel_loop3A_157, %parallel_loop3A_155, %parallel_loop3A_156 : vector<16xi1>, vector<16xf32>
      %parallel_loop3A_159 = arith.constant 2 : i32
      %parallel_loop3A_160 = vector.broadcast %parallel_loop3A_159 : i32 to vector<16xi32>
      tpu.vector_store_idx %arg10[%parallel_loop3A_22, %parallel_loop3A_160], %parallel_loop3A_158 : memref<512x17xf32, #tpu.memory_space<vmem>>[vector<16xi32>, vector<16xi32>], vector<16xf32>,
      %parallel_loop3A_161 = arith.constant 1 : i32
      %parallel_loop3A_162 = vector.broadcast %parallel_loop3A_161 : i32 to vector<16xi32>
      %parallel_loop3A_163 = arith.subi %parallel_loop3A_146, %parallel_loop3A_162 : vector<16xi32>
      %parallel_loop3A_164 = arith.select %parallel_loop3A_157, %parallel_loop3A_163, %parallel_loop3A_146 : vector<16xi1>, vector<16xi32>
      %parallel_loop3A_165 = arith.constant 1 : i32
      %parallel_loop3A_166 = vector.broadcast %parallel_loop3A_165 : i32 to vector<16xi32>
      %parallel_loop3A_167 = arith.addi %parallel_loop3A_150, %parallel_loop3A_166 : vector<16xi32>
      %parallel_loop3A_168 = arith.select %parallel_loop3A_157, %parallel_loop3A_150, %parallel_loop3A_167 : vector<16xi1>, vector<16xi32>
      %parallel_loop3A_169 = arith.select %parallel_loop3A_157, %parallel_loop3A_164, %parallel_loop3A_168 : vector<16xi1>, vector<16xi32>
      %parallel_loop3A_170 = tpu.vector_load_idx %arg6[%parallel_loop3A_169] : memref<2080xf32, #tpu.memory_space<vmem>>[vector<16xi32>], vector<16xf32>,
      %parallel_loop3A_171 = arith.subf %parallel_loop3A_20, %parallel_loop3A_170 : vector<16xf32>
      %parallel_loop3A_172 = math.absf %parallel_loop3A_171 : vector<16xf32>
      %parallel_loop3A_173 = arith.select %parallel_loop3A_157, %parallel_loop3A_172, %parallel_loop3A_155 : vector<16xi1>, vector<16xf32>
      %parallel_loop3A_174 = arith.select %parallel_loop3A_157, %parallel_loop3A_156, %parallel_loop3A_172 : vector<16xi1>, vector<16xf32>
      %parallel_loop3A_175 = arith.cmpf olt, %parallel_loop3A_173, %parallel_loop3A_174 : vector<16xf32>
      %parallel_loop3A_176 = arith.select %parallel_loop3A_175, %parallel_loop3A_173, %parallel_loop3A_174 : vector<16xi1>, vector<16xf32>
      %parallel_loop3A_177 = arith.constant 3 : i32
      %parallel_loop3A_178 = vector.broadcast %parallel_loop3A_177 : i32 to vector<16xi32>
      tpu.vector_store_idx %arg10[%parallel_loop3A_22, %parallel_loop3A_178], %parallel_loop3A_176 : memref<512x17xf32, #tpu.memory_space<vmem>>[vector<16xi32>, vector<16xi32>], vector<16xf32>,
      %parallel_loop3A_179 = arith.constant 1 : i32
      %parallel_loop3A_180 = vector.broadcast %parallel_loop3A_179 : i32 to vector<16xi32>
      %parallel_loop3A_181 = arith.subi %parallel_loop3A_164, %parallel_loop3A_180 : vector<16xi32>
      %parallel_loop3A_182 = arith.select %parallel_loop3A_175, %parallel_loop3A_181, %parallel_loop3A_164 : vector<16xi1>, vector<16xi32>
      %parallel_loop3A_183 = arith.constant 1 : i32
      %parallel_loop3A_184 = vector.broadcast %parallel_loop3A_183 : i32 to vector<16xi32>
      %parallel_loop3A_185 = arith.addi %parallel_loop3A_168, %parallel_loop3A_184 : vector<16xi32>
      %parallel_loop3A_186 = arith.select %parallel_loop3A_175, %parallel_loop3A_168, %parallel_loop3A_185 : vector<16xi1>, vector<16xi32>
      %parallel_loop3A_187 = arith.select %parallel_loop3A_175, %parallel_loop3A_182, %parallel_loop3A_186 : vector<16xi1>, vector<16xi32>
      %parallel_loop3A_188 = tpu.vector_load_idx %arg6[%parallel_loop3A_187] : memref<2080xf32, #tpu.memory_space<vmem>>[vector<16xi32>], vector<16xf32>,
      %parallel_loop3A_189 = arith.subf %parallel_loop3A_20, %parallel_loop3A_188 : vector<16xf32>
      %parallel_loop3A_190 = math.absf %parallel_loop3A_189 : vector<16xf32>
      %parallel_loop3A_191 = arith.select %parallel_loop3A_175, %parallel_loop3A_190, %parallel_loop3A_173 : vector<16xi1>, vector<16xf32>
      %parallel_loop3A_192 = arith.select %parallel_loop3A_175, %parallel_loop3A_174, %parallel_loop3A_190 : vector<16xi1>, vector<16xf32>
      %parallel_loop3A_193 = arith.cmpf olt, %parallel_loop3A_191, %parallel_loop3A_192 : vector<16xf32>
      %parallel_loop3A_194 = arith.select %parallel_loop3A_193, %parallel_loop3A_191, %parallel_loop3A_192 : vector<16xi1>, vector<16xf32>
      %parallel_loop3A_195 = arith.constant 4 : i32
      %parallel_loop3A_196 = vector.broadcast %parallel_loop3A_195 : i32 to vector<16xi32>
      tpu.vector_store_idx %arg10[%parallel_loop3A_22, %parallel_loop3A_196], %parallel_loop3A_194 : memref<512x17xf32, #tpu.memory_space<vmem>>[vector<16xi32>, vector<16xi32>], vector<16xf32>,
      %parallel_loop3A_197 = arith.constant 1 : i32
      %parallel_loop3A_198 = vector.broadcast %parallel_loop3A_197 : i32 to vector<16xi32>
      %parallel_loop3A_199 = arith.subi %parallel_loop3A_182, %parallel_loop3A_198 : vector<16xi32>
      %parallel_loop3A_200 = arith.select %parallel_loop3A_193, %parallel_loop3A_199, %parallel_loop3A_182 : vector<16xi1>, vector<16xi32>
      %parallel_loop3A_201 = arith.constant 1 : i32
      %parallel_loop3A_202 = vector.broadcast %parallel_loop3A_201 : i32 to vector<16xi32>
      %parallel_loop3A_203 = arith.addi %parallel_loop3A_186, %parallel_loop3A_202 : vector<16xi32>
      %parallel_loop3A_204 = arith.select %parallel_loop3A_193, %parallel_loop3A_186, %parallel_loop3A_203 : vector<16xi1>, vector<16xi32>
      %parallel_loop3A_205 = arith.select %parallel_loop3A_193, %parallel_loop3A_200, %parallel_loop3A_204 : vector<16xi1>, vector<16xi32>
      %parallel_loop3A_206 = tpu.vector_load_idx %arg6[%parallel_loop3A_205] : memref<2080xf32, #tpu.memory_space<vmem>>[vector<16xi32>], vector<16xf32>,
      %parallel_loop3A_207 = arith.subf %parallel_loop3A_20, %parallel_loop3A_206 : vector<16xf32>
      %parallel_loop3A_208 = math.absf %parallel_loop3A_207 : vector<16xf32>
      %parallel_loop3A_209 = arith.select %parallel_loop3A_193, %parallel_loop3A_208, %parallel_loop3A_191 : vector<16xi1>, vector<16xf32>
      %parallel_loop3A_210 = arith.select %parallel_loop3A_193, %parallel_loop3A_192, %parallel_loop3A_208 : vector<16xi1>, vector<16xf32>
      %parallel_loop3A_211 = arith.cmpf olt, %parallel_loop3A_209, %parallel_loop3A_210 : vector<16xf32>
      %parallel_loop3A_212 = arith.select %parallel_loop3A_211, %parallel_loop3A_209, %parallel_loop3A_210 : vector<16xi1>, vector<16xf32>
      %parallel_loop3A_213 = arith.constant 5 : i32
      %parallel_loop3A_214 = vector.broadcast %parallel_loop3A_213 : i32 to vector<16xi32>
      tpu.vector_store_idx %arg10[%parallel_loop3A_22, %parallel_loop3A_214], %parallel_loop3A_212 : memref<512x17xf32, #tpu.memory_space<vmem>>[vector<16xi32>, vector<16xi32>], vector<16xf32>,
      %parallel_loop3A_215 = arith.constant 1 : i32
      %parallel_loop3A_216 = vector.broadcast %parallel_loop3A_215 : i32 to vector<16xi32>
      %parallel_loop3A_217 = arith.subi %parallel_loop3A_200, %parallel_loop3A_216 : vector<16xi32>
      %parallel_loop3A_218 = arith.select %parallel_loop3A_211, %parallel_loop3A_217, %parallel_loop3A_200 : vector<16xi1>, vector<16xi32>
      %parallel_loop3A_219 = arith.constant 1 : i32
      %parallel_loop3A_220 = vector.broadcast %parallel_loop3A_219 : i32 to vector<16xi32>
      %parallel_loop3A_221 = arith.addi %parallel_loop3A_204, %parallel_loop3A_220 : vector<16xi32>
      %parallel_loop3A_222 = arith.select %parallel_loop3A_211, %parallel_loop3A_204, %parallel_loop3A_221 : vector<16xi1>, vector<16xi32>
      %parallel_loop3A_223 = arith.select %parallel_loop3A_211, %parallel_loop3A_218, %parallel_loop3A_222 : vector<16xi1>, vector<16xi32>
      %parallel_loop3A_224 = tpu.vector_load_idx %arg6[%parallel_loop3A_223] : memref<2080xf32, #tpu.memory_space<vmem>>[vector<16xi32>], vector<16xf32>,
      %parallel_loop3A_225 = arith.subf %parallel_loop3A_20, %parallel_loop3A_224 : vector<16xf32>
      %parallel_loop3A_226 = math.absf %parallel_loop3A_225 : vector<16xf32>
      %parallel_loop3A_227 = arith.select %parallel_loop3A_211, %parallel_loop3A_226, %parallel_loop3A_209 : vector<16xi1>, vector<16xf32>
      %parallel_loop3A_228 = arith.select %parallel_loop3A_211, %parallel_loop3A_210, %parallel_loop3A_226 : vector<16xi1>, vector<16xf32>
      %parallel_loop3A_229 = arith.cmpf olt, %parallel_loop3A_227, %parallel_loop3A_228 : vector<16xf32>
      %parallel_loop3A_230 = arith.select %parallel_loop3A_229, %parallel_loop3A_227, %parallel_loop3A_228 : vector<16xi1>, vector<16xf32>
      %parallel_loop3A_231 = arith.constant 6 : i32
      %parallel_loop3A_232 = vector.broadcast %parallel_loop3A_231 : i32 to vector<16xi32>
      tpu.vector_store_idx %arg10[%parallel_loop3A_22, %parallel_loop3A_232], %parallel_loop3A_230 : memref<512x17xf32, #tpu.memory_space<vmem>>[vector<16xi32>, vector<16xi32>], vector<16xf32>,
      %parallel_loop3A_233 = arith.constant 1 : i32
      %parallel_loop3A_234 = vector.broadcast %parallel_loop3A_233 : i32 to vector<16xi32>
      %parallel_loop3A_235 = arith.subi %parallel_loop3A_218, %parallel_loop3A_234 : vector<16xi32>
      %parallel_loop3A_236 = arith.select %parallel_loop3A_229, %parallel_loop3A_235, %parallel_loop3A_218 : vector<16xi1>, vector<16xi32>
      %parallel_loop3A_237 = arith.constant 1 : i32
      %parallel_loop3A_238 = vector.broadcast %parallel_loop3A_237 : i32 to vector<16xi32>
      %parallel_loop3A_239 = arith.addi %parallel_loop3A_222, %parallel_loop3A_238 : vector<16xi32>
      %parallel_loop3A_240 = arith.select %parallel_loop3A_229, %parallel_loop3A_222, %parallel_loop3A_239 : vector<16xi1>, vector<16xi32>
      %parallel_loop3A_241 = arith.select %parallel_loop3A_229, %parallel_loop3A_236, %parallel_loop3A_240 : vector<16xi1>, vector<16xi32>
      %parallel_loop3A_242 = tpu.vector_load_idx %arg6[%parallel_loop3A_241] : memref<2080xf32, #tpu.memory_space<vmem>>[vector<16xi32>], vector<16xf32>,
      %parallel_loop3A_243 = arith.subf %parallel_loop3A_20, %parallel_loop3A_242 : vector<16xf32>
      %parallel_loop3A_244 = math.absf %parallel_loop3A_243 : vector<16xf32>
      %parallel_loop3A_245 = arith.select %parallel_loop3A_229, %parallel_loop3A_244, %parallel_loop3A_227 : vector<16xi1>, vector<16xf32>
      %parallel_loop3A_246 = arith.select %parallel_loop3A_229, %parallel_loop3A_228, %parallel_loop3A_244 : vector<16xi1>, vector<16xf32>
      %parallel_loop3A_247 = arith.cmpf olt, %parallel_loop3A_245, %parallel_loop3A_246 : vector<16xf32>
      %parallel_loop3A_248 = arith.select %parallel_loop3A_247, %parallel_loop3A_245, %parallel_loop3A_246 : vector<16xi1>, vector<16xf32>
      %parallel_loop3A_249 = arith.constant 7 : i32
      %parallel_loop3A_250 = vector.broadcast %parallel_loop3A_249 : i32 to vector<16xi32>
      tpu.vector_store_idx %arg10[%parallel_loop3A_22, %parallel_loop3A_250], %parallel_loop3A_248 : memref<512x17xf32, #tpu.memory_space<vmem>>[vector<16xi32>, vector<16xi32>], vector<16xf32>,
      %parallel_loop3A_251 = arith.constant 1 : i32
      %parallel_loop3A_252 = vector.broadcast %parallel_loop3A_251 : i32 to vector<16xi32>
      %parallel_loop3A_253 = arith.subi %parallel_loop3A_236, %parallel_loop3A_252 : vector<16xi32>
      %parallel_loop3A_254 = arith.select %parallel_loop3A_247, %parallel_loop3A_253, %parallel_loop3A_236 : vector<16xi1>, vector<16xi32>
      %parallel_loop3A_255 = arith.constant 1 : i32
      %parallel_loop3A_256 = vector.broadcast %parallel_loop3A_255 : i32 to vector<16xi32>
      %parallel_loop3A_257 = arith.addi %parallel_loop3A_240, %parallel_loop3A_256 : vector<16xi32>
      %parallel_loop3A_258 = arith.select %parallel_loop3A_247, %parallel_loop3A_240, %parallel_loop3A_257 : vector<16xi1>, vector<16xi32>
      %parallel_loop3A_259 = arith.select %parallel_loop3A_247, %parallel_loop3A_254, %parallel_loop3A_258 : vector<16xi1>, vector<16xi32>
      %parallel_loop3A_260 = tpu.vector_load_idx %arg6[%parallel_loop3A_259] : memref<2080xf32, #tpu.memory_space<vmem>>[vector<16xi32>], vector<16xf32>,
      %parallel_loop3A_261 = arith.subf %parallel_loop3A_20, %parallel_loop3A_260 : vector<16xf32>
      %parallel_loop3A_262 = math.absf %parallel_loop3A_261 : vector<16xf32>
      %parallel_loop3A_263 = arith.select %parallel_loop3A_247, %parallel_loop3A_262, %parallel_loop3A_245 : vector<16xi1>, vector<16xf32>
      %parallel_loop3A_264 = arith.select %parallel_loop3A_247, %parallel_loop3A_246, %parallel_loop3A_262 : vector<16xi1>, vector<16xf32>
      %parallel_loop3A_265 = arith.cmpf olt, %parallel_loop3A_263, %parallel_loop3A_264 : vector<16xf32>
      %parallel_loop3A_266 = arith.select %parallel_loop3A_265, %parallel_loop3A_263, %parallel_loop3A_264 : vector<16xi1>, vector<16xf32>
      %parallel_loop3A_267 = arith.constant 8 : i32
      %parallel_loop3A_268 = vector.broadcast %parallel_loop3A_267 : i32 to vector<16xi32>
      tpu.vector_store_idx %arg10[%parallel_loop3A_22, %parallel_loop3A_268], %parallel_loop3A_266 : memref<512x17xf32, #tpu.memory_space<vmem>>[vector<16xi32>, vector<16xi32>], vector<16xf32>,
      %parallel_loop3A_269 = arith.constant 1 : i32
      %parallel_loop3A_270 = vector.broadcast %parallel_loop3A_269 : i32 to vector<16xi32>
      %parallel_loop3A_271 = arith.subi %parallel_loop3A_254, %parallel_loop3A_270 : vector<16xi32>
      %parallel_loop3A_272 = arith.select %parallel_loop3A_265, %parallel_loop3A_271, %parallel_loop3A_254 : vector<16xi1>, vector<16xi32>
      %parallel_loop3A_273 = arith.constant 1 : i32
      %parallel_loop3A_274 = vector.broadcast %parallel_loop3A_273 : i32 to vector<16xi32>
      %parallel_loop3A_275 = arith.addi %parallel_loop3A_258, %parallel_loop3A_274 : vector<16xi32>
      %parallel_loop3A_276 = arith.select %parallel_loop3A_265, %parallel_loop3A_258, %parallel_loop3A_275 : vector<16xi1>, vector<16xi32>
      %parallel_loop3A_277 = arith.select %parallel_loop3A_265, %parallel_loop3A_272, %parallel_loop3A_276 : vector<16xi1>, vector<16xi32>
      %parallel_loop3A_278 = tpu.vector_load_idx %arg6[%parallel_loop3A_277] : memref<2080xf32, #tpu.memory_space<vmem>>[vector<16xi32>], vector<16xf32>,
      %parallel_loop3A_279 = arith.subf %parallel_loop3A_20, %parallel_loop3A_278 : vector<16xf32>
      %parallel_loop3A_280 = math.absf %parallel_loop3A_279 : vector<16xf32>
      %parallel_loop3A_281 = arith.select %parallel_loop3A_265, %parallel_loop3A_280, %parallel_loop3A_263 : vector<16xi1>, vector<16xf32>
      %parallel_loop3A_282 = arith.select %parallel_loop3A_265, %parallel_loop3A_264, %parallel_loop3A_280 : vector<16xi1>, vector<16xf32>
      %parallel_loop3A_283 = arith.cmpf olt, %parallel_loop3A_281, %parallel_loop3A_282 : vector<16xf32>
      %parallel_loop3A_284 = arith.select %parallel_loop3A_283, %parallel_loop3A_281, %parallel_loop3A_282 : vector<16xi1>, vector<16xf32>
      %parallel_loop3A_285 = arith.constant 9 : i32
      %parallel_loop3A_286 = vector.broadcast %parallel_loop3A_285 : i32 to vector<16xi32>
      tpu.vector_store_idx %arg10[%parallel_loop3A_22, %parallel_loop3A_286], %parallel_loop3A_284 : memref<512x17xf32, #tpu.memory_space<vmem>>[vector<16xi32>, vector<16xi32>], vector<16xf32>,
      %parallel_loop3A_287 = arith.constant 1 : i32
      %parallel_loop3A_288 = vector.broadcast %parallel_loop3A_287 : i32 to vector<16xi32>
      %parallel_loop3A_289 = arith.subi %parallel_loop3A_272, %parallel_loop3A_288 : vector<16xi32>
      %parallel_loop3A_290 = arith.select %parallel_loop3A_283, %parallel_loop3A_289, %parallel_loop3A_272 : vector<16xi1>, vector<16xi32>
      %parallel_loop3A_291 = arith.constant 1 : i32
      %parallel_loop3A_292 = vector.broadcast %parallel_loop3A_291 : i32 to vector<16xi32>
      %parallel_loop3A_293 = arith.addi %parallel_loop3A_276, %parallel_loop3A_292 : vector<16xi32>
      %parallel_loop3A_294 = arith.select %parallel_loop3A_283, %parallel_loop3A_276, %parallel_loop3A_293 : vector<16xi1>, vector<16xi32>
      %parallel_loop3A_295 = arith.select %parallel_loop3A_283, %parallel_loop3A_290, %parallel_loop3A_294 : vector<16xi1>, vector<16xi32>
      %parallel_loop3A_296 = tpu.vector_load_idx %arg6[%parallel_loop3A_295] : memref<2080xf32, #tpu.memory_space<vmem>>[vector<16xi32>], vector<16xf32>,
      %parallel_loop3A_297 = arith.subf %parallel_loop3A_20, %parallel_loop3A_296 : vector<16xf32>
      %parallel_loop3A_298 = math.absf %parallel_loop3A_297 : vector<16xf32>
      %parallel_loop3A_299 = arith.select %parallel_loop3A_283, %parallel_loop3A_298, %parallel_loop3A_281 : vector<16xi1>, vector<16xf32>
      %parallel_loop3A_300 = arith.select %parallel_loop3A_283, %parallel_loop3A_282, %parallel_loop3A_298 : vector<16xi1>, vector<16xf32>
      %parallel_loop3A_301 = arith.cmpf olt, %parallel_loop3A_299, %parallel_loop3A_300 : vector<16xf32>
      %parallel_loop3A_302 = arith.select %parallel_loop3A_301, %parallel_loop3A_299, %parallel_loop3A_300 : vector<16xi1>, vector<16xf32>
      %parallel_loop3A_303 = arith.constant 10 : i32
      %parallel_loop3A_304 = vector.broadcast %parallel_loop3A_303 : i32 to vector<16xi32>
      tpu.vector_store_idx %arg10[%parallel_loop3A_22, %parallel_loop3A_304], %parallel_loop3A_302 : memref<512x17xf32, #tpu.memory_space<vmem>>[vector<16xi32>, vector<16xi32>], vector<16xf32>,
      %parallel_loop3A_305 = arith.constant 1 : i32
      %parallel_loop3A_306 = vector.broadcast %parallel_loop3A_305 : i32 to vector<16xi32>
      %parallel_loop3A_307 = arith.subi %parallel_loop3A_290, %parallel_loop3A_306 : vector<16xi32>
      %parallel_loop3A_308 = arith.select %parallel_loop3A_301, %parallel_loop3A_307, %parallel_loop3A_290 : vector<16xi1>, vector<16xi32>
      %parallel_loop3A_309 = arith.constant 1 : i32
      %parallel_loop3A_310 = vector.broadcast %parallel_loop3A_309 : i32 to vector<16xi32>
      %parallel_loop3A_311 = arith.addi %parallel_loop3A_294, %parallel_loop3A_310 : vector<16xi32>
      %parallel_loop3A_312 = arith.select %parallel_loop3A_301, %parallel_loop3A_294, %parallel_loop3A_311 : vector<16xi1>, vector<16xi32>
      %parallel_loop3A_313 = arith.select %parallel_loop3A_301, %parallel_loop3A_308, %parallel_loop3A_312 : vector<16xi1>, vector<16xi32>
      %parallel_loop3A_314 = tpu.vector_load_idx %arg6[%parallel_loop3A_313] : memref<2080xf32, #tpu.memory_space<vmem>>[vector<16xi32>], vector<16xf32>,
      %parallel_loop3A_315 = arith.subf %parallel_loop3A_20, %parallel_loop3A_314 : vector<16xf32>
      %parallel_loop3A_316 = math.absf %parallel_loop3A_315 : vector<16xf32>
      %parallel_loop3A_317 = arith.select %parallel_loop3A_301, %parallel_loop3A_316, %parallel_loop3A_299 : vector<16xi1>, vector<16xf32>
      %parallel_loop3A_318 = arith.select %parallel_loop3A_301, %parallel_loop3A_300, %parallel_loop3A_316 : vector<16xi1>, vector<16xf32>
      %parallel_loop3A_319 = arith.cmpf olt, %parallel_loop3A_317, %parallel_loop3A_318 : vector<16xf32>
      %parallel_loop3A_320 = arith.select %parallel_loop3A_319, %parallel_loop3A_317, %parallel_loop3A_318 : vector<16xi1>, vector<16xf32>
      %parallel_loop3A_321 = arith.constant 11 : i32
      %parallel_loop3A_322 = vector.broadcast %parallel_loop3A_321 : i32 to vector<16xi32>
      tpu.vector_store_idx %arg10[%parallel_loop3A_22, %parallel_loop3A_322], %parallel_loop3A_320 : memref<512x17xf32, #tpu.memory_space<vmem>>[vector<16xi32>, vector<16xi32>], vector<16xf32>,
      %parallel_loop3A_323 = arith.constant 1 : i32
      %parallel_loop3A_324 = vector.broadcast %parallel_loop3A_323 : i32 to vector<16xi32>
      %parallel_loop3A_325 = arith.subi %parallel_loop3A_308, %parallel_loop3A_324 : vector<16xi32>
      %parallel_loop3A_326 = arith.select %parallel_loop3A_319, %parallel_loop3A_325, %parallel_loop3A_308 : vector<16xi1>, vector<16xi32>
      %parallel_loop3A_327 = arith.constant 1 : i32
      %parallel_loop3A_328 = vector.broadcast %parallel_loop3A_327 : i32 to vector<16xi32>
      %parallel_loop3A_329 = arith.addi %parallel_loop3A_312, %parallel_loop3A_328 : vector<16xi32>
      %parallel_loop3A_330 = arith.select %parallel_loop3A_319, %parallel_loop3A_312, %parallel_loop3A_329 : vector<16xi1>, vector<16xi32>
      %parallel_loop3A_331 = arith.select %parallel_loop3A_319, %parallel_loop3A_326, %parallel_loop3A_330 : vector<16xi1>, vector<16xi32>
      %parallel_loop3A_332 = tpu.vector_load_idx %arg6[%parallel_loop3A_331] : memref<2080xf32, #tpu.memory_space<vmem>>[vector<16xi32>], vector<16xf32>,
      %parallel_loop3A_333 = arith.subf %parallel_loop3A_20, %parallel_loop3A_332 : vector<16xf32>
      %parallel_loop3A_334 = math.absf %parallel_loop3A_333 : vector<16xf32>
      %parallel_loop3A_335 = arith.select %parallel_loop3A_319, %parallel_loop3A_334, %parallel_loop3A_317 : vector<16xi1>, vector<16xf32>
      %parallel_loop3A_336 = arith.select %parallel_loop3A_319, %parallel_loop3A_318, %parallel_loop3A_334 : vector<16xi1>, vector<16xf32>
      %parallel_loop3A_337 = arith.cmpf olt, %parallel_loop3A_335, %parallel_loop3A_336 : vector<16xf32>
      %parallel_loop3A_338 = arith.select %parallel_loop3A_337, %parallel_loop3A_335, %parallel_loop3A_336 : vector<16xi1>, vector<16xf32>
      %parallel_loop3A_339 = arith.constant 12 : i32
      %parallel_loop3A_340 = vector.broadcast %parallel_loop3A_339 : i32 to vector<16xi32>
      tpu.vector_store_idx %arg10[%parallel_loop3A_22, %parallel_loop3A_340], %parallel_loop3A_338 : memref<512x17xf32, #tpu.memory_space<vmem>>[vector<16xi32>, vector<16xi32>], vector<16xf32>,
      %parallel_loop3A_341 = arith.constant 1 : i32
      %parallel_loop3A_342 = vector.broadcast %parallel_loop3A_341 : i32 to vector<16xi32>
      %parallel_loop3A_343 = arith.subi %parallel_loop3A_326, %parallel_loop3A_342 : vector<16xi32>
      %parallel_loop3A_344 = arith.select %parallel_loop3A_337, %parallel_loop3A_343, %parallel_loop3A_326 : vector<16xi1>, vector<16xi32>
      %parallel_loop3A_345 = arith.constant 1 : i32
      %parallel_loop3A_346 = vector.broadcast %parallel_loop3A_345 : i32 to vector<16xi32>
      %parallel_loop3A_347 = arith.addi %parallel_loop3A_330, %parallel_loop3A_346 : vector<16xi32>
      %parallel_loop3A_348 = arith.select %parallel_loop3A_337, %parallel_loop3A_330, %parallel_loop3A_347 : vector<16xi1>, vector<16xi32>
      %parallel_loop3A_349 = arith.select %parallel_loop3A_337, %parallel_loop3A_344, %parallel_loop3A_348 : vector<16xi1>, vector<16xi32>
      %parallel_loop3A_350 = tpu.vector_load_idx %arg6[%parallel_loop3A_349] : memref<2080xf32, #tpu.memory_space<vmem>>[vector<16xi32>], vector<16xf32>,
      %parallel_loop3A_351 = arith.subf %parallel_loop3A_20, %parallel_loop3A_350 : vector<16xf32>
      %parallel_loop3A_352 = math.absf %parallel_loop3A_351 : vector<16xf32>
      %parallel_loop3A_353 = arith.select %parallel_loop3A_337, %parallel_loop3A_352, %parallel_loop3A_335 : vector<16xi1>, vector<16xf32>
      %parallel_loop3A_354 = arith.select %parallel_loop3A_337, %parallel_loop3A_336, %parallel_loop3A_352 : vector<16xi1>, vector<16xf32>
      %parallel_loop3A_355 = arith.cmpf olt, %parallel_loop3A_353, %parallel_loop3A_354 : vector<16xf32>
      %parallel_loop3A_356 = arith.select %parallel_loop3A_355, %parallel_loop3A_353, %parallel_loop3A_354 : vector<16xi1>, vector<16xf32>
      %parallel_loop3A_357 = arith.constant 13 : i32
      %parallel_loop3A_358 = vector.broadcast %parallel_loop3A_357 : i32 to vector<16xi32>
      tpu.vector_store_idx %arg10[%parallel_loop3A_22, %parallel_loop3A_358], %parallel_loop3A_356 : memref<512x17xf32, #tpu.memory_space<vmem>>[vector<16xi32>, vector<16xi32>], vector<16xf32>,
      %parallel_loop3A_359 = arith.constant 1 : i32
      %parallel_loop3A_360 = vector.broadcast %parallel_loop3A_359 : i32 to vector<16xi32>
      %parallel_loop3A_361 = arith.subi %parallel_loop3A_344, %parallel_loop3A_360 : vector<16xi32>
      %parallel_loop3A_362 = arith.select %parallel_loop3A_355, %parallel_loop3A_361, %parallel_loop3A_344 : vector<16xi1>, vector<16xi32>
      %parallel_loop3A_363 = arith.constant 1 : i32
      %parallel_loop3A_364 = vector.broadcast %parallel_loop3A_363 : i32 to vector<16xi32>
      %parallel_loop3A_365 = arith.addi %parallel_loop3A_348, %parallel_loop3A_364 : vector<16xi32>
      %parallel_loop3A_366 = arith.select %parallel_loop3A_355, %parallel_loop3A_348, %parallel_loop3A_365 : vector<16xi1>, vector<16xi32>
      %parallel_loop3A_367 = arith.select %parallel_loop3A_355, %parallel_loop3A_362, %parallel_loop3A_366 : vector<16xi1>, vector<16xi32>
      %parallel_loop3A_368 = tpu.vector_load_idx %arg6[%parallel_loop3A_367] : memref<2080xf32, #tpu.memory_space<vmem>>[vector<16xi32>], vector<16xf32>,
      %parallel_loop3A_369 = arith.subf %parallel_loop3A_20, %parallel_loop3A_368 : vector<16xf32>
      %parallel_loop3A_370 = math.absf %parallel_loop3A_369 : vector<16xf32>
      %parallel_loop3A_371 = arith.select %parallel_loop3A_355, %parallel_loop3A_370, %parallel_loop3A_353 : vector<16xi1>, vector<16xf32>
      %parallel_loop3A_372 = arith.select %parallel_loop3A_355, %parallel_loop3A_354, %parallel_loop3A_370 : vector<16xi1>, vector<16xf32>
      %parallel_loop3A_373 = arith.cmpf olt, %parallel_loop3A_371, %parallel_loop3A_372 : vector<16xf32>
      %parallel_loop3A_374 = arith.select %parallel_loop3A_373, %parallel_loop3A_371, %parallel_loop3A_372 : vector<16xi1>, vector<16xf32>
      %parallel_loop3A_375 = arith.constant 14 : i32
      %parallel_loop3A_376 = vector.broadcast %parallel_loop3A_375 : i32 to vector<16xi32>
      tpu.vector_store_idx %arg10[%parallel_loop3A_22, %parallel_loop3A_376], %parallel_loop3A_374 : memref<512x17xf32, #tpu.memory_space<vmem>>[vector<16xi32>, vector<16xi32>], vector<16xf32>,
      %parallel_loop3A_377 = arith.constant 1 : i32
      %parallel_loop3A_378 = vector.broadcast %parallel_loop3A_377 : i32 to vector<16xi32>
      %parallel_loop3A_379 = arith.subi %parallel_loop3A_362, %parallel_loop3A_378 : vector<16xi32>
      %parallel_loop3A_380 = arith.select %parallel_loop3A_373, %parallel_loop3A_379, %parallel_loop3A_362 : vector<16xi1>, vector<16xi32>
      %parallel_loop3A_381 = arith.constant 1 : i32
      %parallel_loop3A_382 = vector.broadcast %parallel_loop3A_381 : i32 to vector<16xi32>
      %parallel_loop3A_383 = arith.addi %parallel_loop3A_366, %parallel_loop3A_382 : vector<16xi32>
      %parallel_loop3A_384 = arith.select %parallel_loop3A_373, %parallel_loop3A_366, %parallel_loop3A_383 : vector<16xi1>, vector<16xi32>
      %parallel_loop3A_385 = arith.select %parallel_loop3A_373, %parallel_loop3A_380, %parallel_loop3A_384 : vector<16xi1>, vector<16xi32>
      %parallel_loop3A_386 = tpu.vector_load_idx %arg6[%parallel_loop3A_385] : memref<2080xf32, #tpu.memory_space<vmem>>[vector<16xi32>], vector<16xf32>,
      %parallel_loop3A_387 = arith.subf %parallel_loop3A_20, %parallel_loop3A_386 : vector<16xf32>
      %parallel_loop3A_388 = math.absf %parallel_loop3A_387 : vector<16xf32>
      %parallel_loop3A_389 = arith.select %parallel_loop3A_373, %parallel_loop3A_388, %parallel_loop3A_371 : vector<16xi1>, vector<16xf32>
      %parallel_loop3A_390 = arith.select %parallel_loop3A_373, %parallel_loop3A_372, %parallel_loop3A_388 : vector<16xi1>, vector<16xf32>
      %parallel_loop3A_391 = arith.cmpf olt, %parallel_loop3A_389, %parallel_loop3A_390 : vector<16xf32>
      %parallel_loop3A_392 = arith.select %parallel_loop3A_391, %parallel_loop3A_389, %parallel_loop3A_390 : vector<16xi1>, vector<16xf32>
      %parallel_loop3A_393 = arith.constant 15 : i32
      %parallel_loop3A_394 = vector.broadcast %parallel_loop3A_393 : i32 to vector<16xi32>
      tpu.vector_store_idx %arg10[%parallel_loop3A_22, %parallel_loop3A_394], %parallel_loop3A_392 : memref<512x17xf32, #tpu.memory_space<vmem>>[vector<16xi32>, vector<16xi32>], vector<16xf32>,
      %parallel_loop3A_395 = arith.constant 1 : i32
      %parallel_loop3A_396 = vector.broadcast %parallel_loop3A_395 : i32 to vector<16xi32>
      %parallel_loop3A_397 = arith.subi %parallel_loop3A_380, %parallel_loop3A_396 : vector<16xi32>
      %parallel_loop3A_398 = arith.select %parallel_loop3A_391, %parallel_loop3A_397, %parallel_loop3A_380 : vector<16xi1>, vector<16xi32>
      %parallel_loop3A_399 = arith.constant 1 : i32
      %parallel_loop3A_400 = vector.broadcast %parallel_loop3A_399 : i32 to vector<16xi32>
      %parallel_loop3A_401 = arith.addi %parallel_loop3A_384, %parallel_loop3A_400 : vector<16xi32>
      %parallel_loop3A_402 = arith.select %parallel_loop3A_391, %parallel_loop3A_384, %parallel_loop3A_401 : vector<16xi1>, vector<16xi32>
      %parallel_loop3A_403 = arith.select %parallel_loop3A_391, %parallel_loop3A_398, %parallel_loop3A_402 : vector<16xi1>, vector<16xi32>
      %parallel_loop3A_404 = tpu.vector_load_idx %arg6[%parallel_loop3A_403] : memref<2080xf32, #tpu.memory_space<vmem>>[vector<16xi32>], vector<16xf32>,
      %parallel_loop3A_405 = arith.subf %parallel_loop3A_20, %parallel_loop3A_404 : vector<16xf32>
      %parallel_loop3A_406 = math.absf %parallel_loop3A_405 : vector<16xf32>
      %parallel_loop3A_407 = arith.select %parallel_loop3A_391, %parallel_loop3A_406, %parallel_loop3A_389 : vector<16xi1>, vector<16xf32>
      %parallel_loop3A_408 = arith.select %parallel_loop3A_391, %parallel_loop3A_390, %parallel_loop3A_406 : vector<16xi1>, vector<16xf32>
      %parallel_loop3A_409 = arith.cmpf olt, %parallel_loop3A_407, %parallel_loop3A_408 : vector<16xf32>
      %parallel_loop3A_410 = arith.select %parallel_loop3A_409, %parallel_loop3A_407, %parallel_loop3A_408 : vector<16xi1>, vector<16xf32>
      %parallel_loop3A_411 = arith.constant 16 : i32
      %parallel_loop3A_412 = vector.broadcast %parallel_loop3A_411 : i32 to vector<16xi32>
      tpu.vector_store_idx %arg10[%parallel_loop3A_22, %parallel_loop3A_412], %parallel_loop3A_410 : memref<512x17xf32, #tpu.memory_space<vmem>>[vector<16xi32>, vector<16xi32>], vector<16xf32>,
    } {sc.loop_unroll_factor = 2 : i64, sc.parallel_access}
    "tpu.region"() ({
      %run_scoped3A = tpu.sem_alloc : memref<!tpu.dma_semaphore, #tpu.memory_space<semaphore_mem>>
      %dma_start3A_16 = arith.constant 0 : i32
      %dma_start3A_17 = tpu.memref_slice %arg5[%mul3A_2, %dma_start3A_16] : memref<16384x17xf32, #tpu.memory_space<hbm>> -> memref<512x17xf32, #tpu.memory_space<hbm>>
      %dma_start3A_18 = arith.constant 0 : i32
      %dma_start3A_19 = tpu.memref_slice %arg5[%mul3A_2, %dma_start3A_18] : memref<16384x17xf32, #tpu.memory_space<hbm>> -> memref<512x17xf32, #tpu.memory_space<hbm>>
      tpu.enqueue_dma source(%arg10 : memref<512x17xf32, #tpu.memory_space<vmem>>) target(%dma_start3A_19 : memref<512x17xf32, #tpu.memory_space<hbm>>) target_semaphore(%run_scoped3A : memref<!tpu.dma_semaphore, #tpu.memory_space<semaphore_mem>>)
      %dma_wait3A_20 = arith.constant 0 : i32
      %dma_wait3A_21 = tpu.memref_slice %arg5[%mul3A_2, %dma_wait3A_20] : memref<16384x17xf32, #tpu.memory_space<hbm>> -> memref<512x17xf32, #tpu.memory_space<hbm>>
      %dma_wait3A_22 = arith.constant 0 : i32
      %dma_wait3A_23 = tpu.memref_slice %arg5[%mul3A_2, %dma_wait3A_22] : memref<16384x17xf32, #tpu.memory_space<hbm>> -> memref<512x17xf32, #tpu.memory_space<hbm>>
      tpu.wait_dma2 semaphore(%run_scoped3A : memref<!tpu.dma_semaphore, #tpu.memory_space<semaphore_mem>>) src(%arg10 : memref<512x17xf32, #tpu.memory_space<vmem>>) dst(%dma_wait3A_23 : memref<512x17xf32, #tpu.memory_space<hbm>>)
      tpu.yield
    }) : () -> ()
    return
  }
}

module attributes {stable_mosaic.version = 14 : i64} {
  func.func @_rank_body(%arg0: i32, %arg1: memref<1x2048xf32, #tpu.memory_space<vmem>>, %arg2: memref<1x2048xi32, #tpu.memory_space<vmem>>) attributes {dimension_semantics = [#tpu.dimension_semantics<arbitrary>], iteration_bounds = array<i64: 1>, scalar_prefetch = 0 : i64, scratch_operands = 0 : i64, tpu.core_type = #tpu.core_type<tc>, window_params = [{pipeline_mode = #tpu.pipeline_mode<synchronous>, transform_indices = @transform_0, window_bounds = array<i64: 1, 2048>}, {transform_indices = @transform_1, window_bounds = array<i64: 1, 2048>}]} {
    %get3A = arith.constant 0 : index
    %get3A_0 = arith.constant 0 : index
    %get3A_1 = vector.load %arg1[%get3A, %get3A_0] : memref<1x2048xf32, #tpu.memory_space<vmem>>, vector<1x2048xf32>
    %mul3A = arith.constant 2048 : i32
    %mul3A_2 = arith.muli %arg0, %mul3A : i32
    %get3A_3 = arith.constant 0 : index
    %get3A_4 = arith.index_cast %mul3A_2 : i32 to index
    %get3A_5 = vector.load %arg1[%get3A_3, %get3A_4] : memref<1x2048xf32, #tpu.memory_space<vmem>>, vector<1x2048xf32>
    %transpose3A = tpu.transpose %get3A_5, [1, 0] : vector<1x2048xf32> -> vector<2048x1xf32>
    %lt3A = vector.broadcast %get3A_1 : vector<1x2048xf32> to vector<2048x2048xf32>
    %lt3A_6 = vector.broadcast %transpose3A : vector<2048x1xf32> to vector<2048x2048xf32>
    %lt3A_7 = arith.cmpf olt, %lt3A, %lt3A_6 : vector<2048x2048xf32>
    %eq3A = vector.broadcast %get3A_1 : vector<1x2048xf32> to vector<2048x2048xf32>
    %eq3A_8 = vector.broadcast %transpose3A : vector<2048x1xf32> to vector<2048x2048xf32>
    %eq3A_9 = arith.cmpf oeq, %eq3A, %eq3A_8 : vector<2048x2048xf32>
    %iota3A = tpu.iota {dimensions = array<i32: 1>} : vector<2048x2048xi32>
    %iota3A_10 = tpu.iota {dimensions = array<i32: 0>} : vector<2048x2048xi32>
    %mul3A_11 = arith.constant 2048 : i32
    %mul3A_12 = arith.muli %arg0, %mul3A_11 : i32
    %add3A = vector.broadcast %mul3A_12 : i32 to vector<2048x2048xi32>
    %add3A_13 = arith.addi %iota3A_10, %add3A : vector<2048x2048xi32>
    %lt3A_14 = arith.cmpi slt, %iota3A, %add3A_13 : vector<2048x2048xi32>
    %and3A = arith.andi %eq3A_9, %lt3A_14 : vector<2048x2048xi1>
    %or3A = arith.ori %lt3A_7, %and3A : vector<2048x2048xi1>
    %jit3A = arith.constant 1.000000e+00 : f32
    %jit3A_15 = arith.constant 0.000000e+00 : f32
    %broadcast_in_dim3A = vector.broadcast %jit3A : f32 to vector<2048x2048xf32>
    %broadcast_in_dim3A_16 = vector.broadcast %jit3A_15 : f32 to vector<2048x2048xf32>
    %select_n3A = arith.select %or3A, %broadcast_in_dim3A, %broadcast_in_dim3A_16 : vector<2048x2048xi1>, vector<2048x2048xf32>
    %broadcast_in_dim3A_17 = arith.constant 1.000000e+00 : f32
    %broadcast_in_dim3A_18 = vector.broadcast %broadcast_in_dim3A_17 : f32 to vector<2048x1xf32>
    %dot_general3A = arith.constant dense<0.000000e+00> : vector<2048x1xf32>
    %dot_general3A_19 = tpu.matmul %select_n3A, %broadcast_in_dim3A_18, %dot_general3A {dimension_numbers = #tpu.dot_dimension_numbers<[1], [0], [0], [1], [0, 0, 1, 1], [], []>, transpose_lhs_hint = false} : vector<2048x2048xf32>, vector<2048x1xf32>, vector<2048x1xf32> -> vector<2048x1xf32>
    %transpose3A_20 = tpu.transpose %dot_general3A_19, [1, 0] : vector<2048x1xf32> -> vector<1x2048xf32>
    %convert_element_type3A = arith.fptosi %transpose3A_20 : vector<1x2048xf32> to vector<1x2048xi32>
    %swap3A = arith.constant 0 : index
    %swap3A_21 = arith.constant 0 : index
    %swap3A_22 = vector.load %arg2[%swap3A, %swap3A_21] : memref<1x2048xi32, #tpu.memory_space<vmem>>, vector<1x2048xi32>
    tpu.vector_store %arg2[%swap3A, %swap3A_21], %convert_element_type3A {strides = array<i32>} : memref<1x2048xi32, #tpu.memory_space<vmem>>, vector<1x2048xi32>,
    return
  }
  func.func @transform_0(%arg0: i32) -> (i32, i32) {
    %c0_i32 = arith.constant 0 : i32
    %c0_i32_0 = arith.constant 0 : i32
    %c0_i32_1 = arith.constant 0 : i32
    return %c0_i32, %c0_i32_0 : i32, i32
  }
  func.func @transform_1(%arg0: i32) -> (i32, i32) {
    %c0_i32 = arith.constant 0 : i32
    %c0_i32_0 = arith.constant 0 : i32
    return %c0_i32, %arg0 : i32, i32
  }
}

</mosaic_0001>

<sc_bundles>
// kernel: kernel.4.cloned.1.call-start
scs
__scs_entry_jumppad:
0x0: {  	(pc) =	sbr.rel $0x88, $3  }
0x1: {  	(tag) =	ssettag $0x0;
	lr =	simm.s32 $0x1  }
0x2: {  	[smem:$0x3F9F] =	sst lr;
	_ =	strace $0xD0000000  }
0x3: {  	_ = 	snop  }
0x4: {  	_ = 	snop  }
0x5: {  	_ = 	snop  }
0x6: {  	_ = 	snop  }
0x7: {  	_ = 	snop  }
__scs_overlays_trampoline_lowered:
0x8: {  	[smem:$0x3FAE] =	sst s0  }
0x9: {  	[smem:$0x3FAF] =	sst s1  }
0xa: {  	[smem:$0x3FB0] =	sst s2  }
0xb: {  	[smem:$0x3FB1] =	sst s3  }
0xc: {  	[smem:$0x3FB2] =	sst s4  }
0xd: {  	[smem:$0x3FB3] =	sst s5  }
0xe: {  	[smem:$0x3FB4] =	sst s6  }
0xf: {  	[smem:$0x3FB5] =	sst s7  }
0x10: {  	[smem:$0x3FB6] =	sst s8  }
0x11: {  	[smem:$0x3FB7] =	sst s9;
	s0 =	simm.s32 @!p0 $0x0  }
0x12: {  	s1 =	sld [smem:$0x3F9D];
	s0 =	simm.s32 @p0 $0x1  }
0x13: {  	[smem:$0x3FB8] =	sst s0;
	s0 =	simm.s32 @!p1 $0x0  }
0x14: {  	s2 =	sld [smem:$0x3F9C];
	s0 =	simm.s32 @p1 $0x1  }
0x15: {  	[smem:$0x3FB9] =	sst s0;
	s0 =	simm.s32 @!p2 $0x0  }
0x16: {  	s3 =	sld [smem:$0x3FDB];
	s0 =	simm.s32 @p2 $0x1  }
0x17: {  	s4 =	simm.s32 $0x1BF5;
	[smem:$0x3FBB] =	sst s0  }
0x18: {  	s0 =	sld [smem:$0x3F9E];
	_ =	swait.ge [sflag:s4], $0x0  }
0x19: {  	s7 =	sld [smem:$0x3F9F]  }
0x1a: {  	s8 =	sadd.s32 $0xFFFFE003, lr  }
0x1b: {  	s9 =	sadd.s32 $0xFFFFFEF7, lr;
	s5 =	simm.s32 $0xFFFFFFFF;
	p2 =	slt.u32 s8, $0xFFFFF086  }
0x1c: {  	p1 =	slt.u32 s9, $0xF7A;
	s5 =	simm.s32 @!p2 $0x0  }
0x1d: {  	s5 =	simm.s32 @p1 $0x1;
	p0 =	seq.s32 s7, s2  }
0x1e: {  	s7 =	smul.u32 @!p0 $0xF7A, s2;
	p2 =	seq.s32 @!p0 s5, $0x0  }
0x1f: {  	s9 =	smul.u32 $0xF7A, s1;
	s8 =	simm.s32 @!p0 $0x1BF5;
	p2 =	por !p2, p0  }
0x20: {  	[sflag:s8] =	ssyncset.s32 @!p0 $0xFFFFF086;
	s6 =	sadd.s32 @!p0 s3, s7;
	s7 =	simm.s32 @!p0 $0x108  }
0x21: {  	s3 =	sadd.s32 s3, s9;
	s6 =	sadd.s32 @!p0 $0x88, s6;
	s7 =	simm.s32 @p2 $0x1082  }
0x22: {  	[simem:s7], [sflag:s8] =	dma.local @!p0 [hbm:s6], $0xF7A  }
0x23: {  	s9 =	sor.u32 $0xD0000000, s2;
	s6 =	simm.s32 $0x108;
	_ =	swait.ge @!p0 [sflag:s8], $0x0  }
0x24: {  	s3 =	sadd.s32 $0x88, s3;
	s6 =	simm.s32 @!p1 $0x1082;
	[sflag:s4] =	ssyncset.s32 $0xFFFFF086  }
0x25: {  	[simem:s6], [sflag:s4] =	dma.local [hbm:s3], $0xF7A  }
0x26: {  	[smem:$0x3F9F] =	sst s1;
	(tag) =	ssettag s2;
	_ =	strace s9  }
0x27: {  	s1 =	sld [smem:$0x3FAF]  }
0x28: {  	s2 =	sld [smem:$0x3FB0]  }
0x29: {  	s4 =	sld [smem:$0x3FB2]  }
0x2a: {  	p0 =	seq.s32 s5, $0x0;
	s5 =	sld [smem:$0x3FB3]  }
0x2b: {  	s6 =	sld [smem:$0x3FB4]  }
0x2c: {  	s7 =	sld [smem:$0x3FB5]  }
0x2d: {  	s3 =	simm.s32 $0x108;
	s8 =	sld [smem:$0x3FB6]  }
0x2e: {  	s3 =	simm.s32 @!p0 $0x1082;
	s9 =	sld [smem:$0x3FB7]  }
0x2f: {  	lr =	sadd.s32 s0, s3;
	s0 =	sld [smem:$0x3FAE]  }
0x30: {  	s3 =	sld [smem:$0x3FB1]  }
0x31: {  	[smem:$0x3FBA] =	sst s10  }
0x32: {  	s10 =	sld [smem:$0x3FB8];
	_ =	sdelay $0x3  }
0x33: {  	p0 =	seq.s32 s10, $0x1;
	s10 =	sld [smem:$0x3FBA];
	_ =	sdelay $0x3  }
0x34: {  	[smem:$0x3FBA] =	sst s10  }
0x35: {  	s10 =	sld [smem:$0x3FB9];
	_ =	sdelay $0x3  }
0x36: {  	p1 =	seq.s32 s10, $0x1;
	s10 =	sld [smem:$0x3FBA];
	_ =	sdelay $0x3  }
0x37: {  	[smem:$0x3FBA] =	sst s10  }
0x38: {  	s10 =	sld [smem:$0x3FBB]  }
0x39: {  	_ = 	snop;
	(pc) =	sbr.ind lr, $3  }
0x3a: {  	_ = 	snop  }
0x3b: {  	_ = 	snop  }
0x3c: {  	p2 =	seq.s32 s10, $0x1;
	s10 =	sld [smem:$0x3FBA]  }
0x3d: {  	_ =	shalt  }
0x3e: {  	_ =	shalt  }
0x3f: {  	_ =	shalt  }
0x40: {  	_ =	shalt  }
0x41: {  	_ =	shalt  }
0x42: {  	_ =	shalt  }
0x43: {  	_ =	shalt  }
0x44: {  	_ =	shalt  }
0x45: {  	_ =	shalt  }
0x46: {  	_ =	shalt  }
0x47: {  	_ =	shalt  }
0x48: {  	_ =	shalt  }
0x49: {  	_ =	shalt  }
0x4a: {  	_ =	shalt  }
0x4b: {  	_ =	shalt  }
0x4c: {  	_ =	shalt  }
0x4d: {  	_ =	shalt  }
0x4e: {  	_ =	shalt  }
0x4f: {  	_ =	shalt  }
0x50: {  	_ =	shalt  }
0x51: {  	_ =	shalt  }
0x52: {  	_ =	shalt  }
0x53: {  	_ =	shalt  }
0x54: {  	_ =	shalt  }
0x55: {  	_ =	shalt  }
0x56: {  	_ =	shalt  }
0x57: {  	_ =	shalt  }
0x58: {  	_ =	shalt  }
0x59: {  	_ =	shalt  }
0x5a: {  	_ =	shalt  }
0x5b: {  	_ =	shalt  }
0x5c: {  	_ =	shalt  }
0x5d: {  	_ =	shalt  }
0x5e: {  	_ =	shalt  }
0x5f: {  	_ =	shalt  }
0x60: {  	_ =	shalt  }
0x61: {  	_ =	shalt  }
0x62: {  	_ =	shalt  }
0x63: {  	_ =	shalt  }
0x64: {  	_ =	shalt  }
0x65: {  	_ =	shalt  }
0x66: {  	_ =	shalt  }
0x67: {  	_ =	shalt  }
0x68: {  	_ =	shalt  }
0x69: {  	_ =	shalt  }
0x6a: {  	_ =	shalt  }
0x6b: {  	_ =	shalt  }
0x6c: {  	_ =	shalt  }
0x6d: {  	_ =	shalt  }
0x6e: {  	_ =	shalt  }
0x6f: {  	_ =	shalt  }
0x70: {  	_ =	shalt  }
0x71: {  	_ =	shalt  }
0x72: {  	_ =	shalt  }
0x73: {  	_ =	shalt  }
0x74: {  	_ =	shalt  }
0x75: {  	_ =	shalt  }
0x76: {  	_ =	shalt  }
0x77: {  	_ =	shalt  }
0x78: {  	_ =	shalt  }
0x79: {  	_ =	shalt  }
0x7a: {  	_ =	shalt  }
0x7b: {  	_ =	shalt  }
0x7c: {  	_ =	shalt  }
0x7d: {  	_ =	shalt  }
0x7e: {  	_ =	shalt  }
0x7f: {  	_ =	shalt  }
0x80: {  	_ =	shalt  }
0x81: {  	_ =	shalt  }
0x82: {  	_ =	shalt  }
0x83: {  	_ =	shalt  }
0x84: {  	_ =	shalt  }
0x85: {  	_ =	shalt  }
0x86: {  	_ =	shalt  }
0x87: {  	_ =	shalt  }
.Lfunc_end0:
.L_simem_size_0:
called_computation_lowered:
.L_overlay_start_0:
0x88: {  	s2 =	sld [smem:$0x3FD9]  }
0x89: {  	s3 =	sld [smem:$0x3FFE];
	_ =	sdelay $0x1  }
0x8a: {  	s1 =	srdreg.scid  }
0x8b: {  	s0 =	sand.u32 $0x1, s1  }
0x8c: {  	s17 =	sshll.u32 s0, $0xA;
	s2 =	sadd.s32 s3, s2  }
0x8d: {  	s2 =	sadd.s32 s2, s17  }
0x8e: {  	[smem:$0x3FC6] =	sst s2  }
0x8f: {  	_ = 	snop  }
0x90: {  	s2 =	sld [smem:$0x3FC9]  }
0x91: {  	s18 =	sld [smem:$0x3FC8]  }
0x92: {  	s4 =	sld [smem:$0x3FD0];
	(tm) =	ssettm $0x1  }
0x93: {  	s5 =	sld [smem:$0x3FFB];
	_ =	sdelay $0x3  }
0x94: {  	_ =	strace s5  }
0x95: {  	s5 =	sld [smem:$0x3FFC];
	_ =	sdelay $0x3  }
0x96: {  	_ =	strace s5  }
0x97: {  	s5 =	sld [smem:$0x3FFD];
	_ =	sdelay $0x3  }
0x98: {  	_ =	strace s5  }
0x99: {  	_ =	strace $0x8FFFFFFF  }
0x9a: {  	s19 =	sld [smem:$0x3FDB];
	_ =	sdelay $0x1  }
0x9b: {  	s6 =	simm.s32 $_scs_section_size  }
0x9c: {  	s7 =	simm.s32 $_size__tile_overlayer_lowered;
	s8 =	simm.s32 $_tile_overlayer_lowered  }
0x9d: {  	s22 =	simm.s32 $0x1BFF;
	s21 =	sshll.u32 s8, $0x1;
	s5 =	sadd.s32 s6, s19  }
0x9e: {  	s9 =	simm.s32 $0x0;
	s20 =	sshll.u32 s7, $0x1;
	s7 =	sadd.s32 s21, s5  }
0x9f: {  	[timem:s9], [sflag:s22] =	dma.local [hbm:s7], s20  }
0xa0: {  	_ =	swait.ge [sflag:s22], s20  }
0xa1: {  	s6 =	ssub.s32 $0x0, s20;
	[sflag:s22] =	ssyncset.done $0x0  }
0xa2: {  	[sflag:s22] =	ssyncadd.s32 s6;
	_ =	sdelay $0x1  }
0xa3: {  	s23 =	simm.s32 $0x1B8B  }
0xa4: {  	_ =	swait.ge [sflag:s23], $0x1  }
0xa5: {  	[sflag:s23] =	ssyncset.done $0x0  }
0xa6: {  	s25 =	simm.s32 $0x1B8E;
	s24 =	sld [smem:$0x3FFE];
	[sflag:s23] =	ssyncadd.s32 $0xFFFFFFFF  }
0xa7: {  	s26 =	simm.s32 $execute0_lowered;
	[smem:$0x3FD2] =	sst s25  }
0xa8: {  	s7 =	sshll.u32 s26, $0x1;
	_ =	strace $0x80000046;
	[dreg:$0x1] =	wrdreg $0xFFFFFFFF  }
0xa9: {  	s28 =	simm.s32 $_size_execute0_lowered;
	s5 =	sadd.s32 s5, s7;
	[dreg:$0x0] =	wrdreg $0x0  }
0xaa: {  	s7 =	sshll.u32 s28, $0x1;
	[dreg:$0x2] =	wrdreg s5  }
0xab: {  	[dreg:$0x3] =	wrdreg s7  }
0xac: {  	[dreg:$0x4] =	wrdreg $0xC0  }
0xad: {  	_ =	task [dreg:s9], $0x5FFFF  }
0xae: {  	[dreg:$0x1] =	wrdreg $0xFFFFFFFF  }
0xaf: {  	[dreg:$0x0] =	wrdreg $0x60  }
0xb0: {  	[dreg:$0x2] =	wrdreg s2  }
0xb1: {  	[dreg:$0x3] =	wrdreg s18  }
0xb2: {  	[dreg:$0x4] =	wrdreg s4  }
0xb3: {  	[dreg:$0x5] =	wrdreg s24  }
0xb4: {  	[dreg:$0x6] =	wrdreg $0x9  }
0xb5: {  	_ =	task.clear_ibuf [dreg:s9], $0x7FFFF;
	_ =	strace $0x90000046  }
0xb6: {  	s29 =	simm.s32 $0x9;
	_ =	strace $0x80000048  }
0xb7: {  	_ =	swait.ge [sflag:s29], $0x1  }
0xb8: {  	[sflag:s29] =	ssyncadd.s32 $0xFFFFFFFF  }
0xb9: {  	_ =	strace $0x90000048  }
0xba: {  	_ =	sfence  }
0xbb: {  	s30 =	sld [smem:$0x0];
	_ =	sdelay $0x2  }
0xbc: {  	s31 =	sshll.u32 s1, $0xD;
	s1 =	sshrl.u32 s1, $0x2  }
0xbd: {  	s3 =	sand.u32 $0x4000, s31;
	s1 =	sadd.s32 s1, s30  }
0xbe: {  	s0 =	sor.u32 s3, s0;
	s1 =	sshll.u32 s1, $0x11  }
0xbf: {  	s0 =	sor.u32 s1, s0  }
0xc0: {  	s0 =	sadd.s32 $0x8F2B, s0  }
0xc1: {  	[sflag:s0] =	ssyncadd.remote.s32 $0x1  }
0xc2: {  	_ =	sfence.sel $0xFFFF  }
0xc3: {  	[dreg:$0x0] =	wrdreg $0xFFFFFFFF;
	(pc) =	sbr.abs _section_cstart, $3  }
0xc4: {  	[dreg:$0x1] =	wrdreg $0xFFFFFFFF  }
0xc5: {  	_ =	task.clear_ibuf [dreg:s9], $0x2FFFF;
	_ =	strace $0x9FFFFFFF  }
0xc6: {  	(tm) =	ssettm $0x7FFFFFFF  }
0xc7: {  	_ =	shalt  }
tec
execute0_lowered:
.L_overlay_start_1:
0x0: {  	(tag) =	ssettag $0x1  }
0x1: {  	s5 =	rddreg [dreg:$0x0]  }
0x2: {  	s1 =	rddreg [dreg:$0x1]  }
0x3: {  	s3 =	rddreg [dreg:$0x2]  }
0x4: {  	s6 =	rddreg [dreg:$0x3];
	s4 =	srdreg.scid  }
0x5: {  	s0 =	rddreg [dreg:$0x4];
	s2 =	stileid.u32;
	s11 =	simm.s32 $0x1  }
0x6: {  	s12 =	simm.s32 $0x2;
	s13 =	simm.s32 $0x3;
	s14 =	simm.s32 $0x1A80  }
0x7: {  	s15 =	simm.s32 $0x4;
	s16 =	simm.s32 $0x0;
	s7 =	sand.u32 $0x1, s4  }
0x8: {  	s4 =	simm.s32 $0x0;
	s8 =	sshll.u32 s2, $0xA;
	s9 =	sshll.u32 s7, $0x9  }
0x9: {  	[smem:$0x7FF] =	sst s4;
	s7 =	ssub.s32 $0x2, s7;
	s8 =	sor.u32 s9, s8  }
0xa: {  	v0 =	vlaneseq.u32;
	_ =	strace $0x80000047;
	s10 =	sshrl.u32 s7, $0x1;
	s9 =	sshll.u32 s8, $0x4  }
0xb: {  	v0 =	vmul.u32 $0x80, v0;
	s7 =	ssub.s32 s7, s10;
	s8 =	sshrl.u32 s8, $0x3;
	s10 =	simm.s32 $0x1880  }
0xc: {  	v2 =	vimm.s32 $0x40F;
	s6 =	sadd.s32 s9, s6;
	s5 =	sadd.s32 s5, s8;
	s7 =	smax.u32 s7, $0x1  }
0xd: {  	v3 =	vimm.s32 $0x10;
	[tilespmem:$0x1FFF0] =	vst v0;
	s8 =	simm.s32 $0x880;
	s9 =	simm.s32 $0x1080;
	s6 =	sadd.s32 $0x800, s6  }
.LBB2_1:
0xe: {  	[tilespmem:s8], [sflag:$0x1] =	stream.linear.gather [hbm4b:s1+s4], $0x800, $0x38;
	[tilespmem:$0x11A80] =	vst v63  }
0xf: {  	_ = 	snop  }
0x10: {  	[tilespmem:s9], [sflag:$0x2] =	stream.linear.gather [hbm4b:s3+s4], $0x800, $0x38;
	[tilespmem:$0x11A80] =	vst v63  }
0x11: {  	_ = 	snop  }
0x12: {  	v0 =	vimm.f32 $-Inf;
	[tilespmem:s10], [sflag:$0x3] =	stream.linear.gather [hbm4b:s5+s4], $0x200, $0x38;
	[tilespmem:$0x11A80] =	vst v63  }
0x13: {  	[tilespmem:$0x0] =	vst v0;
	v0 =	vimm.f32 $+Inf  }
0x14: {  	[tilespmem:$0x810] =	vst v0  }
0x15: {  	_ =	swait.ge [sflag:s11], $0x800  }
0x16: {  	[sflag:s11] =	ssyncset.done $0x0  }
0x17: {  	[sflag:s11] =	ssyncadd.s32 $0xFFFFF800  }
0x18: {  	_ =	swait.ge [sflag:s12], $0x800  }
0x19: {  	[sflag:s12] =	ssyncset.done $0x0  }
0x1a: {  	[sflag:s12] =	ssyncadd.s32 $0xFFFFF800  }
0x1b: {  	_ =	swait.ge [sflag:s13], $0x200  }
0x1c: {  	[sflag:s13] =	ssyncset.done $0x0  }
0x1d: {  	s17 =	simm.s32 $0x10A0;
	[sflag:s13] =	ssyncadd.s32 $0xFFFFFE00  }
0x1e: {  	v0 =	vld [tilespmem:s17+$0x10]  }
0x1f: {  	v1 =	vld [tilespmem:s17+$0xFFFFFFF0]  }
0x20: {  	v9 =	vld [tilespmem:s17+$0x0]  }
0x21: {  	s18 =	simm.s32 $0x8A0;
	v6 =	vld [tilespmem:s17+$0xFFFFFFE0]  }
0x22: {  	v8 =	vld [tilespmem:s18+$0x10]  }
0x23: {  	v10 =	vld [tilespmem:s18+$0xFFFFFFE0]  }
0x24: {  	s31 =	simm.s32 $0x10E0;
	v11 =	vld [tilespmem:s18+$0xFFFFFFF0];
	v1 =	vadd.s32 $0x10, v1  }
0x25: {  	v12 =	vld [tilespmem:s31+$0x10];
	v0 =	vadd.s32 $0x10, v0  }
0x26: {  	v13 =	vld [tilespmem:s31+$0xFFFFFFF0]  }
0x27: {  	v15 =	vld [tilespmem:s31+$0x0];
	v14 =	vadd.s32 $0x10, v6  }
0x28: {  	v7 =	vld [tilespmem:s31+$0xFFFFFFE0]  }
0x29: {  	s17 =	simm.s32 $0x8E0;
	v6 =	vld [tilespmem:s18+$0x0];
	[tilespmem:v1+s4+$0x0] =	vst.idx.msk $0xffff, v11;
	v1 =	vadd.s32 $0x10, v9  }
0x2a: {  	[tilespmem:v0+s4+$0x0] =	vst.idx.msk $0xffff, v8;
	v8 =	vld [tilespmem:s17+$0x10];
	v9 =	vadd.s32 $0x10, v12  }
0x2b: {  	v0 =	vld [tilespmem:s17+$0xFFFFFFE0]  }
0x2c: {  	s19 =	simm.s32 $0x1120;
	s18 =	simm.s32 $0x4;
	[tilespmem:v14+s4+$0x0] =	vst.idx.msk $0xffff, v10;
	v10 =	vadd.s32 $0x10, v13;
	v11 =	vld [tilespmem:s17+$0xFFFFFFF0];
	v12 =	vadd.s32 $0x10, v15  }
.LBB2_2:
0x2d: {  	v13 =	vld [tilespmem:s19+$0x10];
	s18 =	sadd.s32 $0x4, s18;
	v14 =	vadd.s32 $0x10, v7  }
0x2e: {  	v15 =	vld [tilespmem:s19+$0xFFFFFFF0];
	p0 =	slt.u32 s18, $0x7C;
	[tilespmem:v1+s4+$0x0] =	vst.idx.msk $0xffff, v6;
	v1 =	vmov v12  }
0x2f: {  	v12 =	vld [tilespmem:s19+$0x0];
	[tilespmem:v9+s4+$0x0] =	vst.idx.msk $0xffff, v8  }
.Ltmp0:
0x30: {  	v7 =	vld [tilespmem:s19+$0xFFFFFFE0];
	(pc) =	sbr.rel @p0 .LBB2_2-.Ltmp0, $4  }
0x31: {  	[tilespmem:v10+s4+$0x0] =	vst.idx.msk $0xffff, v11;
	v6 =	vld [tilespmem:s17+$0x0];
	s17 =	sadd.s32 $0x40, s17  }
0x32: {  	v9 =	vadd.s32 $0x10, v13;
	v8 =	vld [tilespmem:s17+$0x10];
	[tilespmem:v14+s4+$0x0] =	vst.idx.msk $0xffff, v0  }
0x33: {  	v0 =	vld [tilespmem:s17+$0xFFFFFFE0];
	v10 =	vadd.s32 $0x10, v15  }
0x34: {  	s19 =	sadd.s32 $0x40, s19;
	v11 =	vld [tilespmem:s17+$0xFFFFFFF0];
	v12 =	vadd.s32 $0x10, v12  }
0x35: {  	_ =	sdelay $0x1  }
0x36: {  	v7 =	vadd.s32 $0x10, v7  }
0x37: {  	v13 =	vld [tilespmem:s17+$0x0]  }
0x38: {  	[tilespmem:v1+s4+$0x0] =	vst.idx.msk $0xffff, v6  }
0x39: {  	[tilespmem:v9+s4+$0x0] =	vst.idx.msk $0xffff, v8  }
0x3a: {  	[tilespmem:v10+s4+$0x0] =	vst.idx.msk $0xffff, v11  }
0x3b: {  	[tilespmem:v7+s4+$0x0] =	vst.idx.msk $0xffff, v0  }
0x3c: {  	[tilespmem:v12+s4+$0x0] =	vst.idx.msk $0xffff, v13  }
0x3d: {  	s31 =	simm.s32 $0x1890;
	v0 =	vld.idx.msk [tilespmem:v2+s4+$0x0], $0xffff  }
0x3e: {  	v32 =	vld [tilespmem:s31+$0x0];
	_ =	sdelay $0x4  }
0x3f: {  	vm0 =	vlt.f32 v0, v32  }
0x40: {  	v1 =	vsel vm0, $0x410, v3  }
0x41: {  	v6 =	vadd.s32 $0x1FF, v1;
	_ =	sdelay $0x4  }
0x42: {  	v7 =	vld.idx.msk [tilespmem:v6+s4+$0x0], $0xffff  }
0x43: {  	v4 =	vld [tilespmem:s31+$0xFFFFFFF0];
	_ =	sdelay $0x3  }
0x44: {  	vm9 =	vlt.f32 v7, v32;
	v7 =	vor.u32 $0x200, v1  }
0x45: {  	vm1 =	vlt.f32 v0, v4;
	v0 =	vsel vm9, v7, v1  }
0x46: {  	v1 =	vsel vm1, $0x410, v3;
	v7 =	vadd.s32 $0xFF, v0  }
0x47: {  	v8 =	vadd.s32 $0x1FF, v1;
	_ =	sdelay $0x3  }
0x48: {  	v7 =	vld.idx.msk [tilespmem:v7+s4+$0x0], $0xffff  }
0x49: {  	v8 =	vld.idx.msk [tilespmem:v8+s4+$0x0], $0xffff;
	_ =	sdelay $0x3  }
0x4a: {  	vm10 =	vlt.f32 v7, v32;
	v7 =	vor.u32 $0x100, v0  }
0x4b: {  	v60 =	vor.u32 $0x200, v1;
	vm11 =	vlt.f32 v8, v4;
	v0 =	vsel vm10, v7, v0  }
0x4c: {  	v1 =	vsel vm11, v60, v1;
	v7 =	vadd.s32 $0x7F, v0  }
0x4d: {  	v8 =	vadd.s32 $0xFF, v1;
	_ =	sdelay $0x3  }
0x4e: {  	v7 =	vld.idx.msk [tilespmem:v7+s4+$0x0], $0xffff  }
0x4f: {  	v8 =	vld.idx.msk [tilespmem:v8+s4+$0x0], $0xffff;
	_ =	sdelay $0x3  }
0x50: {  	vm12 =	vlt.f32 v7, v32;
	v7 =	vor.u32 $0x80, v0  }
0x51: {  	v9 =	vor.u32 $0x100, v1;
	vm13 =	vlt.f32 v8, v4;
	v0 =	vsel vm12, v7, v0  }
0x52: {  	v1 =	vsel vm13, v9, v1;
	v7 =	vadd.s32 $0x3F, v0  }
0x53: {  	v8 =	vadd.s32 $0x7F, v1;
	_ =	sdelay $0x3  }
0x54: {  	v7 =	vld.idx.msk [tilespmem:v7+s4+$0x0], $0xffff  }
0x55: {  	v8 =	vld.idx.msk [tilespmem:v8+s4+$0x0], $0xffff;
	_ =	sdelay $0x3  }
0x56: {  	vm14 =	vlt.f32 v7, v32;
	v7 =	vadd.s32 $0x40, v0  }
0x57: {  	v9 =	vor.u32 $0x80, v1;
	vm15 =	vlt.f32 v8, v4;
	v0 =	vsel vm14, v7, v0  }
0x58: {  	v1 =	vsel vm15, v9, v1;
	v7 =	vadd.s32 $0x1F, v0  }
0x59: {  	v8 =	vadd.s32 $0x3F, v1;
	_ =	sdelay $0x3  }
0x5a: {  	v7 =	vld.idx.msk [tilespmem:v7+s4+$0x0], $0xffff  }
0x5b: {  	v8 =	vld.idx.msk [tilespmem:v8+s4+$0x0], $0xffff;
	_ =	sdelay $0x3  }
0x5c: {  	vm4 =	vlt.f32 v7, v32;
	v7 =	vadd.s32 $0x20, v0  }
0x5d: {  	v9 =	vadd.s32 $0x40, v1;
	vm5 =	vlt.f32 v8, v4;
	v0 =	vsel vm4, v7, v0  }
0x5e: {  	v1 =	vsel vm5, v9, v1;
	v7 =	vadd.s32 $0xF, v0  }
0x5f: {  	v8 =	vadd.s32 $0x1F, v1;
	_ =	sdelay $0x3  }
0x60: {  	v7 =	vld.idx.msk [tilespmem:v7+s4+$0x0], $0xffff  }
0x61: {  	v8 =	vld.idx.msk [tilespmem:v8+s4+$0x0], $0xffff;
	_ =	sdelay $0x3  }
0x62: {  	vm6 =	vlt.f32 v7, v32;
	v7 =	vadd.s32 $0x10, v0  }
0x63: {  	v9 =	vadd.s32 $0x20, v1;
	vm7 =	vlt.f32 v8, v4;
	v0 =	vsel vm6, v7, v0  }
0x64: {  	v1 =	vsel vm7, v9, v1;
	v7 =	vadd.s32 $0x7, v0  }
0x65: {  	v8 =	vadd.s32 $0xF, v1;
	_ =	sdelay $0x3  }
0x66: {  	v7 =	vld.idx.msk [tilespmem:v7+s4+$0x0], $0xffff  }
0x67: {  	v8 =	vld.idx.msk [tilespmem:v8+s4+$0x0], $0xffff;
	_ =	sdelay $0x3  }
0x68: {  	v61 =	vadd.s32 $0x8, v0;
	vm8 =	vlt.f32 v7, v32  }
0x69: {  	v7 =	vadd.s32 $0x10, v1;
	vm9 =	vlt.f32 v8, v4;
	v0 =	vsel vm8, v61, v0  }
0x6a: {  	v1 =	vsel vm9, v7, v1;
	v7 =	vadd.s32 $0x3, v0  }
0x6b: {  	v8 =	vadd.s32 $0x7, v1;
	_ =	sdelay $0x3  }
0x6c: {  	v7 =	vld.idx.msk [tilespmem:v7+s4+$0x0], $0xffff  }
0x6d: {  	v8 =	vld.idx.msk [tilespmem:v8+s4+$0x0], $0xffff;
	_ =	sdelay $0x3  }
0x6e: {  	v9 =	vadd.s32 $0x4, v0;
	vm10 =	vlt.f32 v7, v32  }
0x6f: {  	v7 =	vadd.s32 $0x8, v1;
	vm11 =	vlt.f32 v8, v4;
	v0 =	vsel vm10, v9, v0  }
0x70: {  	v1 =	vsel vm11, v7, v1;
	v7 =	vadd.s32 $0x1, v0  }
0x71: {  	v8 =	vadd.s32 $0x3, v1;
	_ =	sdelay $0x3  }
0x72: {  	v7 =	vld.idx.msk [tilespmem:v7+s4+$0x0], $0xffff  }
0x73: {  	v8 =	vld.idx.msk [tilespmem:v8+s4+$0x0], $0xffff;
	_ =	sdelay $0x3  }
0x74: {  	v62 =	vadd.s32 $0x4, v1  }
0x75: {  	vm12 =	vlt.f32 v7, v32;
	v7 =	vadd.s32 $0x2, v0;
	vm13 =	vlt.f32 v8, v4  }
0x76: {  	v0 =	vsel vm12, v7, v0;
	v7 =	vsel vm13, v62, v1  }
0x77: {  	v1 =	vadd.s32 $0x1, v7;
	_ =	sdelay $0x3  }
0x78: {  	v8 =	vld.idx.msk [tilespmem:v0+s4+$0x0], $0xffff  }
0x79: {  	v1 =	vld.idx.msk [tilespmem:v1+s4+$0x0], $0xffff  }
0x7a: {  	p3 =	por $0x1, $0x1  }
.Ltmp1:
0x7b: {  	_ = 	snop;
	(pc) =	sbr.rel @!p3 .LBB2_4-.Ltmp1, $4  }
0x7c: {  	_ = 	snop  }
0x7d: {  	v6 =	vimm.s32 $0x0;
	vm14 =	vlt.f32 v8, v32  }
0x7e: {  	s17 =	simm.s32 $0x10;
	v8 =	vadd.s32 $0x2, v7;
	v63 =	vsel vm14, $0x1, v6;
	vm15 =	vlt.f32 v1, v4  }
0x7f: {  	p0 =	por $0x0, $0x0;
	p1 =	por $0x0, $0x0;
	p2 =	por $0x0, $0x0;
	v5 =	vld [tilespmem:$0x1FFF0];
	v1 =	vadd.s32 v63, v0;
	v0 =	vsel vm15, v8, v7  }
0x80: {  	_ =	sdelay $0x3  }
0x81: {  	v9 =	vld.idx.msk [tilespmem:v2+s4+$0x0], $0xffff  }
0x82: {  	s18 =	simm.s32 $0x18B0;
	v7 =	vld.idx.msk [tilespmem:v1+s4+$0x0], $0xffff  }
0x83: {  	v33 =	vld [tilespmem:s18+$0x0];
	_ =	sdelay $0x2  }
0x84: {  	v8 =	vmov s17  }
0x85: {  	v8 =	vshll.u32 v8, $0x7;
	vm1 =	vlt.f32 v7, v32  }
0x86: {  	v7 =	vor.u32 v5, v8;
	vm0 =	vlt.f32 v9, v33;
	v8 =	vsel vm1, $0x1, v6  }
0x87: {  	v10 =	vsel vm0, $0x410, v3;
	v1 =	vadd.s32 v8, v1  }
0x88: {  	v11 =	vadd.s32 $0x1FF, v10  }
0x89: {  	v12 =	vadd.s32 $0xFFFFFFFF, v1  }
0x8a: {  	v13 =	vld.idx.msk [tilespmem:v0+s4+$0x0], $0xffff  }
0x8b: {  	v8 =	vld [tilespmem:s18+$0xFFFFFFF0];
	[tilespmem:v7+s14+$0x0] =	vst.idx.msk $0xffff, v32  }
0x8c: {  	v14 =	vld.idx.msk [tilespmem:v1+s4+$0x0], $0xffff  }
0x8d: {  	v11 =	vld.idx.msk [tilespmem:v11+s4+$0x0], $0xffff  }
0x8e: {  	v15 =	vld.idx.msk [tilespmem:v12+s4+$0x0], $0xffff  }
0x8f: {  	vm1 =	vlt.f32 v13, v4  }
0x90: {  	v13 =	vsel vm1, $0x1, v6;
	vm0 =	vlt.f32 v9, v8  }
0x91: {  	v13 =	vadd.s32 v13, v0;
	v9 =	vsel vm0, $0x410, v3  }
0x92: {  	v16 =	vadd.s32 $0x1FF, v9;
	vm0 =	vlt.f32 v11, v33;
	v11 =	vor.u32 $0x200, v10  }
0x93: {  	v14 =	vsub.f32 v14, v32;
	v10 =	vsel vm0, v11, v10;
	v11 =	vsub.f32 v32, v15  }
0x94: {  	v17 =	vadd.s32 $0xFFFFFFFE, v1  }
0x95: {  	v18 =	vadd.s32 $0x1, v1;
	v14 =	vand.u32 $0x7FFFFFFF, v14;
	v11 =	vand.u32 $0x7FFFFFFF, v11  }
0x96: {  	v15 =	vor.u32 $0x1, v7;
	v0 =	vadd.s32 $0xFF, v10;
	vm0 =	vlt.f32 v11, v14  }
0x97: {  	v20 =	vld.idx.msk [tilespmem:v13+s4+$0x0], $0xffff;
	v19 =	vsel vm0, v17, v18  }
0x98: {  	v16 =	vld.idx.msk [tilespmem:v16+s4+$0x0], $0xffff;
	_ =	sdelay $0x1  }
0x99: {  	v21 =	vsel vm0, v11, v14  }
0x9a: {  	s31 =	simm.s32 $0x0;
	[tilespmem:v15+s14+$0x0] =	vst.idx.msk $0xffff, v21;
	v22 =	vld.idx.msk [tilespmem:v0+s4+$0x0], $0xffff  }
0x9b: {  	vm2 =	vlt.f32 v20, v4;
	v0 =	vmov s31;
	v15 =	vld.idx.msk [tilespmem:v19+s4+$0x0], $0xffff  }
0x9c: {  	vm1 =	vlt.f32 v16, v8;
	v16 =	vsel vm2, $0x1, v6;
	v0 =	vshll.u32 v0, $0x7  }
0x9d: {  	v13 =	vadd.s32 v16, v13;
	v0 =	vor.u32 v5, v0;
	v19 =	vor.u32 $0x200, v9  }
0x9e: {  	v9 =	vsel vm1, v19, v9;
	v19 =	vadd.s32 $0xFFFFFFFF, v13;
	_ =	sdelay $0x1  }
0x9f: {  	v44 =	vor.u32 $0x2, v7;
	v12 =	vsel vm0, v17, v12;
	v15 =	vsub.f32 v32, v15  }
0xa0: {  	v1 =	vsel vm0, v1, v18;
	v16 =	vor.u32 $0x100, v10;
	vm1 =	vlt.f32 v22, v33  }
0xa1: {  	v17 =	vadd.s32 $0xFFFFFFFF, v12;
	v10 =	vsel vm1, v16, v10;
	[tilespmem:v0+s14+$0x0] =	vst.idx.msk $0xffff, v4;
	v15 =	vand.u32 $0x7FFFFFFF, v15  }
0xa2: {  	v16 =	vadd.s32 $0xFF, v9;
	v45 =	vld.idx.msk [tilespmem:v19+s4+$0x0], $0xffff;
	v11 =	vsel vm0, v15, v11;
	v14 =	vsel vm0, v14, v15  }
0xa3: {  	v18 =	vadd.s32 $0x1, v1;
	v20 =	vadd.s32 $0x7F, v10;
	v15 =	vld.idx.msk [tilespmem:v13+s4+$0x0], $0xffff;
	vm0 =	vlt.f32 v11, v14  }
0xa4: {  	v23 =	vsel vm0, v17, v18;
	_ =	sdelay $0x2  }
0xa5: {  	v16 =	vld.idx.msk [tilespmem:v16+s4+$0x0], $0xffff;
	v24 =	vsel vm0, v11, v14  }
0xa6: {  	v20 =	vld.idx.msk [tilespmem:v20+s4+$0x0], $0xffff;
	[tilespmem:v44+s14+$0x0] =	vst.idx.msk $0xffff, v24;
	v46 =	vsub.f32 v4, v45;
	v15 =	vsub.f32 v15, v4  }
0xa7: {  	v47 =	vld.idx.msk [tilespmem:v23+s4+$0x0], $0xffff  }
0xa8: {  	v25 =	vadd.s32 $0xFFFFFFFE, v13;
	v21 =	vand.u32 $0x7FFFFFFF, v46;
	v15 =	vand.u32 $0x7FFFFFFF, v15  }
0xa9: {  	v26 =	vadd.s32 $0x1, v13;
	v48 =	vor.u32 $0x1, v0;
	vm1 =	vlt.f32 v21, v15  }
0xaa: {  	vm2 =	vlt.f32 v16, v8;
	v16 =	vsel vm1, v25, v26  }
0xab: {  	v50 =	vor.u32 $0x3, v7;
	vm3 =	vlt.f32 v20, v33;
	v20 =	vor.u32 $0x80, v10  }
0xac: {  	v24 =	vor.u32 $0x100, v9;
	v10 =	vsel vm3, v20, v10;
	v20 =	vsub.f32 v32, v47  }
0xad: {  	v1 =	vsel vm0, v1, v18;
	v9 =	vsel vm2, v24, v9;
	v24 =	vsel vm1, v21, v15  }
0xae: {  	v12 =	vsel vm0, v17, v12;
	v18 =	vadd.s32 $0x1, v1;
	[tilespmem:v48+s14+$0x0] =	vst.idx.msk $0xffff, v24;
	v17 =	vand.u32 $0x7FFFFFFF, v20  }
0xaf: {  	v49 =	vadd.s32 $0x7F, v9;
	v16 =	vld.idx.msk [tilespmem:v16+s4+$0x0], $0xffff;
	v11 =	vsel vm0, v17, v11;
	v14 =	vsel vm0, v14, v17  }
0xb0: {  	v27 =	vadd.s32 $0x3F, v10;
	v17 =	vadd.s32 $0xFFFFFFFF, v12;
	vm0 =	vlt.f32 v11, v14  }
0xb1: {  	v20 =	vsel vm0, v17, v18;
	_ =	sdelay $0x2  }
0xb2: {  	v22 =	vld.idx.msk [tilespmem:v49+s4+$0x0], $0xffff;
	v24 =	vsel vm0, v11, v14;
	v16 =	vsub.f32 v4, v16  }
0xb3: {  	v27 =	vld.idx.msk [tilespmem:v27+s4+$0x0], $0xffff;
	[tilespmem:v50+s14+$0x0] =	vst.idx.msk $0xffff, v24  }
0xb4: {  	v51 =	vor.u32 $0x2, v0;
	v19 =	vsel vm1, v25, v19;
	v16 =	vand.u32 $0x7FFFFFFF, v16;
	v20 =	vld.idx.msk [tilespmem:v20+s4+$0x0], $0xffff  }
0xb5: {  	v13 =	vsel vm1, v13, v26;
	v21 =	vsel vm1, v16, v21;
	v15 =	vsel vm1, v15, v16  }
0xb6: {  	v25 =	vadd.s32 $0xFFFFFFFF, v19;
	v16 =	vadd.s32 $0x1, v13;
	vm1 =	vlt.f32 v21, v15  }
0xb7: {  	v53 =	vor.u32 $0x4, v7;
	v52 =	vsel vm1, v25, v16  }
0xb8: {  	v26 =	vadd.s32 $0x40, v10;
	vm2 =	vlt.f32 v22, v8;
	v12 =	vsel vm0, v17, v12  }
0xb9: {  	v1 =	vsel vm0, v1, v18;
	vm3 =	vlt.f32 v27, v33;
	v20 =	vsub.f32 v32, v20  }
0xba: {  	v24 =	vor.u32 $0x80, v9;
	v10 =	vsel vm3, v26, v10;
	v26 =	vsel vm1, v21, v15  }
0xbb: {  	v18 =	vadd.s32 $0xFFFFFFFF, v12;
	v9 =	vsel vm2, v24, v9;
	[tilespmem:v51+s14+$0x0] =	vst.idx.msk $0xffff, v26;
	v17 =	vand.u32 $0x7FFFFFFF, v20  }
0xbc: {  	v24 =	vadd.s32 $0x3F, v9;
	v11 =	vsel vm0, v17, v11;
	v14 =	vsel vm0, v14, v17;
	v17 =	vld.idx.msk [tilespmem:v52+s4+$0x0], $0xffff  }
0xbd: {  	v27 =	vadd.s32 $0x1F, v10;
	v20 =	vadd.s32 $0x1, v1;
	vm0 =	vlt.f32 v11, v14  }
0xbe: {  	v54 =	vsel vm0, v18, v20;
	_ =	sdelay $0x2  }
0xbf: {  	v24 =	vld.idx.msk [tilespmem:v24+s4+$0x0], $0xffff;
	v26 =	vsel vm0, v11, v14;
	v17 =	vsub.f32 v4, v17  }
0xc0: {  	v27 =	vld.idx.msk [tilespmem:v27+s4+$0x0], $0xffff;
	[tilespmem:v53+s14+$0x0] =	vst.idx.msk $0xffff, v26  }
0xc1: {  	v55 =	vor.u32 $0x3, v0;
	v19 =	vsel vm1, v25, v19;
	v22 =	vld.idx.msk [tilespmem:v54+s4+$0x0], $0xffff;
	v17 =	vand.u32 $0x7FFFFFFF, v17  }
0xc2: {  	v13 =	vsel vm1, v13, v16;
	v16 =	vsel vm1, v17, v21;
	v15 =	vsel vm1, v15, v17  }
0xc3: {  	v26 =	vadd.s32 $0xFFFFFFFF, v19;
	v17 =	vadd.s32 $0x1, v13;
	vm2 =	vlt.f32 v16, v15  }
0xc4: {  	vm1 =	vlt.f32 v24, v8;
	v24 =	vsel vm2, v26, v17  }
0xc5: {  	v59 =	vor.u32 $0x5, v7;
	v56 =	vadd.s32 $0x20, v10;
	vm3 =	vlt.f32 v27, v33  }
0xc6: {  	v25 =	vadd.s32 $0x40, v9;
	v10 =	vsel vm3, v56, v10;
	v57 =	vsub.f32 v32, v22  }
0xc7: {  	v27 =	vadd.s32 $0xF, v10;
	v9 =	vsel vm1, v25, v9;
	v25 =	vsel vm2, v16, v15  }
0xc8: {  	v12 =	vsel vm0, v18, v12;
	v1 =	vsel vm0, v1, v20;
	[tilespmem:v55+s14+$0x0] =	vst.idx.msk $0xffff, v25;
	v18 =	vand.u32 $0x7FFFFFFF, v57  }
0xc9: {  	v20 =	vadd.s32 $0xFFFFFFFF, v12;
	v11 =	vsel vm0, v18, v11;
	v14 =	vsel vm0, v14, v18;
	v18 =	vld.idx.msk [tilespmem:v24+s4+$0x0], $0xffff  }
0xca: {  	v60 =	vadd.s32 $0x1, v1;
	v58 =	vadd.s32 $0x1F, v9;
	vm1 =	vlt.f32 v11, v14  }
0xcb: {  	v24 =	vsel vm1, v20, v60;
	_ =	sdelay $0x2  }
0xcc: {  	v27 =	vld.idx.msk [tilespmem:v27+s4+$0x0], $0xffff;
	v25 =	vsel vm1, v11, v14;
	v18 =	vsub.f32 v4, v18  }
0xcd: {  	v22 =	vld.idx.msk [tilespmem:v58+s4+$0x0], $0xffff;
	[tilespmem:v59+s14+$0x0] =	vst.idx.msk $0xffff, v25  }
0xce: {  	v61 =	vor.u32 $0x4, v0;
	v13 =	vsel vm2, v13, v17;
	v24 =	vld.idx.msk [tilespmem:v24+s4+$0x0], $0xffff;
	v17 =	vand.u32 $0x7FFFFFFF, v18  }
0xcf: {  	v19 =	vsel vm2, v26, v19;
	v16 =	vsel vm2, v17, v16;
	v15 =	vsel vm2, v15, v17  }
0xd0: {  	v18 =	vadd.s32 $0xFFFFFFFF, v19;
	v17 =	vadd.s32 $0x1, v13;
	vm0 =	vlt.f32 v16, v15  }
0xd1: {  	v62 =	vadd.s32 $0x10, v10;
	vm3 =	vlt.f32 v27, v33;
	v26 =	vsel vm0, v18, v17  }
0xd2: {  	v10 =	vsel vm3, v62, v10;
	v25 =	vadd.s32 $0x20, v9;
	vm2 =	vlt.f32 v22, v8  }
0xd3: {  	v9 =	vsel vm2, v25, v9;
	v25 =	vadd.s32 $0x7, v10;
	v63 =	vsub.f32 v32, v24  }
0xd4: {  	v34 =	vor.u32 $0x6, v7;
	v27 =	vsel vm0, v16, v15  }
0xd5: {  	v12 =	vsel vm1, v20, v12;
	v1 =	vsel vm1, v1, v60;
	[tilespmem:v61+s14+$0x0] =	vst.idx.msk $0xffff, v27;
	v20 =	vand.u32 $0x7FFFFFFF, v63  }
0xd6: {  	v24 =	vadd.s32 $0xF, v9;
	v11 =	vsel vm1, v20, v11;
	v14 =	vsel vm1, v14, v20;
	v20 =	vld.idx.msk [tilespmem:v26+s4+$0x0], $0xffff  }
0xd7: {  	v35 =	vadd.s32 $0xFFFFFFFF, v12;
	v36 =	vadd.s32 $0x1, v1;
	vm1 =	vlt.f32 v11, v14  }
0xd8: {  	v25 =	vld.idx.msk [tilespmem:v25+s4+$0x0], $0xffff;
	v26 =	vsel vm1, v35, v36;
	_ =	sdelay $0x2  }
0xd9: {  	v18 =	vsel vm0, v18, v19;
	v27 =	vsel vm1, v11, v14;
	v19 =	vld.idx.msk [tilespmem:v24+s4+$0x0], $0xffff;
	v20 =	vsub.f32 v4, v20  }
0xda: {  	v37 =	vor.u32 $0x5, v0;
	v13 =	vsel vm0, v13, v17;
	[tilespmem:v34+s14+$0x0] =	vst.idx.msk $0xffff, v27  }
0xdb: {  	vm2 =	vlt.f32 v25, v33;
	v24 =	vld.idx.msk [tilespmem:v26+s4+$0x0], $0xffff;
	v26 =	vadd.s32 $0x8, v10;
	v20 =	vand.u32 $0x7FFFFFFF, v20  }
0xdc: {  	v17 =	vadd.s32 $0xFFFFFFFF, v18;
	v10 =	vsel vm2, v26, v10;
	v16 =	vsel vm0, v20, v16  }
0xdd: {  	v15 =	vsel vm0, v15, v20;
	v20 =	vadd.s32 $0x1, v13;
	v26 =	vadd.s32 $0x10, v9  }
0xde: {  	vm2 =	vlt.f32 v19, v8;
	v25 =	vadd.s32 $0x3, v10;
	vm0 =	vlt.f32 v16, v15  }
0xdf: {  	v9 =	vsel vm2, v26, v9;
	v19 =	vsel vm0, v17, v20  }
0xe0: {  	v26 =	vadd.s32 $0x7, v9;
	v24 =	vsub.f32 v32, v24  }
0xe1: {  	v38 =	vor.u32 $0x7, v7;
	v12 =	vsel vm1, v35, v12  }
0xe2: {  	v1 =	vsel vm1, v1, v36;
	v27 =	vsel vm0, v16, v15;
	v39 =	vand.u32 $0x7FFFFFFF, v24  }
0xe3: {  	[tilespmem:v37+s14+$0x0] =	vst.idx.msk $0xffff, v27;
	v24 =	vld.idx.msk [tilespmem:v25+s4+$0x0], $0xffff;
	v11 =	vsel vm1, v39, v11;
	v14 =	vsel vm1, v14, v39  }
0xe4: {  	v40 =	vadd.s32 $0xFFFFFFFF, v12;
	v22 =	vadd.s32 $0x1, v1;
	v19 =	vld.idx.msk [tilespmem:v19+s4+$0x0], $0xffff;
	vm2 =	vlt.f32 v11, v14  }
0xe5: {  	v26 =	vld.idx.msk [tilespmem:v26+s4+$0x0], $0xffff;
	v25 =	vsel vm2, v40, v22;
	_ =	sdelay $0x1  }
0xe6: {  	v28 =	vadd.s32 $0x4, v10  }
0xe7: {  	v18 =	vsel vm0, v17, v18;
	vm1 =	vlt.f32 v24, v33;
	v24 =	vsel vm2, v11, v14  }
0xe8: {  	v29 =	vadd.s32 $0x8, v9;
	v13 =	vsel vm0, v13, v20;
	v19 =	vsub.f32 v4, v19;
	[tilespmem:v38+s14+$0x0] =	vst.idx.msk $0xffff, v24  }
0xe9: {  	v27 =	vor.u32 $0x6, v0;
	v10 =	vsel vm1, v28, v10;
	vm1 =	vlt.f32 v26, v8;
	v20 =	vld.idx.msk [tilespmem:v25+s4+$0x0], $0xffff  }
0xea: {  	v17 =	vadd.s32 $0x1, v10;
	v9 =	vsel vm1, v29, v9;
	v19 =	vand.u32 $0x7FFFFFFF, v19  }
0xeb: {  	v25 =	vsel vm0, v19, v16;
	v26 =	vsel vm0, v15, v19;
	v15 =	vadd.s32 $0x3, v9  }
0xec: {  	v41 =	vadd.s32 $0xFFFFFFFF, v18;
	v28 =	vadd.s32 $0x1, v13;
	vm1 =	vlt.f32 v25, v26  }
0xed: {  	v16 =	vsel vm1, v41, v28  }
0xee: {  	v31 =	vor.u32 $0x7, v0;
	v19 =	vsub.f32 v32, v20  }
0xef: {  	v30 =	vor.u32 $0x8, v0;
	v45 =	vor.u32 $0xD, v0;
	v12 =	vsel vm2, v40, v12;
	v17 =	vld.idx.msk [tilespmem:v17+s4+$0x0], $0xffff  }
0xf0: {  	v1 =	vsel vm2, v1, v22;
	v20 =	vsel vm1, v25, v26;
	v15 =	vld.idx.msk [tilespmem:v15+s4+$0x0], $0xffff;
	v19 =	vand.u32 $0x7FFFFFFF, v19  }
0xf1: {  	[tilespmem:v27+s14+$0x0] =	vst.idx.msk $0xffff, v20;
	v20 =	vor.u32 $0x8, v7;
	v11 =	vsel vm2, v19, v11;
	v14 =	vsel vm2, v14, v19  }
0xf2: {  	v43 =	vadd.s32 $0xFFFFFFFF, v12;
	v27 =	vadd.s32 $0x1, v1;
	v42 =	vld.idx.msk [tilespmem:v16+s4+$0x0], $0xffff;
	vm0 =	vlt.f32 v11, v14  }
0xf3: {  	v24 =	vor.u32 $0xA, v0;
	v34 =	vadd.s32 $0x4, v9;
	v29 =	vsel vm0, v43, v27  }
0xf4: {  	v18 =	vsel vm1, v41, v18;
	v16 =	vadd.s32 $0x2, v10;
	vm2 =	vlt.f32 v17, v33  }
0xf5: {  	v10 =	vsel vm2, v16, v10;
	vm2 =	vlt.f32 v15, v8;
	v15 =	vsel vm0, v11, v14  }
0xf6: {  	v19 =	vor.u32 $0xB, v0;
	v34 =	vsel vm2, v34, v9;
	[tilespmem:v20+s14+$0x0] =	vst.idx.msk $0xffff, v15;
	v15 =	vor.u32 $0xE, v0  }
0xf7: {  	v17 =	vor.u32 $0x9, v0;
	v9 =	vsub.f32 v4, v42;
	[tilespmem:$0x1FFD0] =	vst v15;
	v20 =	vadd.s32 $0x1, v34  }
0xf8: {  	v16 =	vor.u32 $0xC, v0;
	v59 =	vsel vm0, v43, v12;
	v60 =	vsel vm0, v1, v27;
	v62 =	vld.idx.msk [tilespmem:v29+s4+$0x0], $0xffff  }
0xf9: {  	v61 =	vadd.s32 $0x1, v60;
	v15 =	vor.u32 $0xF, v0;
	v9 =	vand.u32 $0x7FFFFFFF, v9  }
0xfa: {  	[tilespmem:$0x1FFE0] =	vst v15;
	v15 =	vor.u32 $0x10, v0;
	v56 =	vsel vm1, v9, v25;
	v55 =	vsel vm1, v26, v9  }
0xfb: {  	v0 =	vld.idx.msk [tilespmem:v10+s4+$0x0], $0xffff;
	v9 =	vsel vm1, v13, v28;
	v13 =	vadd.s32 $0xFFFFFFFF, v18;
	vm4 =	vlt.f32 v56, v55  }
0xfc: {  	v25 =	vadd.s32 $0x2, v34;
	v63 =	vadd.s32 $0x1, v9;
	v26 =	vsel vm4, v56, v55;
	v20 =	vld.idx.msk [tilespmem:v20+s4+$0x0], $0xffff  }
0xfd: {  	p3 =	por $0x1, $0x1;
	v51 =	vsel vm4, v13, v18;
	v13 =	vsel vm4, v13, v63;
	v18 =	vsub.f32 v32, v62  }
.Ltmp2:
0xfe: {  	v49 =	vsel vm4, v9, v63;
	v63 =	vor.u32 $0x9, v7;
	v53 =	vadd.s32 $0xFFFFFFFF, v51;
	(pc) =	sbr.rel @!p3 .LBB2_6-.Ltmp2, $4  }
0xff: {  	v50 =	vadd.s32 $0x1, v49;
	v62 =	vadd.s32 $0xFFFFFFFF, v59;
	v9 =	vand.u32 $0x7FFFFFFF, v18  }
0x100: {  	vm1 =	vlt.f32 v0, v33;
	v57 =	vsel vm0, v9, v11;
	v58 =	vsel vm0, v14, v9  }
0x101: {  	[tilespmem:v31+s14+$0x0] =	vst.idx.msk $0xffff, v26;
	v0 =	vsel vm1, $0x1, v6;
	vm0 =	vlt.f32 v20, v8;
	vm3 =	vlt.f32 v57, v58  }
0x102: {  	p0 =	por $0x1, $0x1;
	v1 =	vadd.s32 v0, v10;
	v9 =	vld.idx.msk [tilespmem:v13+s4+$0x0], $0xffff;
	v0 =	vsel vm0, v25, v34;
	v10 =	vsel vm3, v62, v61  }
0x103: {  	_ =	sdelay $0x2  }
0x104: {  	[tilespmem:$0x1FEA0] =	vst v15  }
0x105: {  	s19 =	simm.s32 $0x18D0;
	v11 =	vld.idx.msk [tilespmem:v2+s4+$0x0], $0xffff  }
0x106: {  	v29 =	vld [tilespmem:s19+$0x0]  }
0x107: {  	v12 =	vsel vm3, v57, v58;
	v13 =	vld.idx.msk [tilespmem:v1+s4+$0x0], $0xffff  }
0x108: {  	[tilespmem:v63+s14+$0x0] =	vst.idx.msk $0xffff, v12;
	v31 =	vld [tilespmem:s19+$0xFFFFFFF0]  }
0x109: {  	s20 =	simm.s32 $0x20;
	v26 =	vsel vm3, v62, v59;
	v27 =	vsel vm3, v60, v61;
	v10 =	vld.idx.msk [tilespmem:v10+s4+$0x0], $0xffff;
	v9 =	vsub.f32 v4, v9  }
0x10a: {  	v52 =	vor.u32 $0xB, v7;
	v12 =	vmov s20;
	v37 =	vadd.s32 $0xFFFFFFFF, v26  }
0x10b: {  	v38 =	vadd.s32 $0x1, v27;
	v9 =	vand.u32 $0x7FFFFFFF, v9;
	vm1 =	vlt.f32 v11, v29  }
0x10c: {  	s18 =	simm.s32 $0x30;
	vm2 =	vlt.f32 v13, v33;
	v14 =	vsel vm4, v9, v56;
	v21 =	vsel vm4, v55, v9  }
0x10d: {  	v9 =	vmov s18;
	v13 =	vsel vm1, $0x410, v3;
	v20 =	vsel vm2, $0x1, v6  }
0x10e: {  	v10 =	vsub.f32 v32, v10;
	vm2 =	vlt.f32 v11, v31;
	vm0 =	vlt.f32 v14, v21  }
0x10f: {  	v9 =	vshll.u32 v9, $0x7;
	v22 =	vadd.s32 $0x1FF, v13;
	v23 =	vadd.s32 v20, v1  }
0x110: {  	v1 =	vor.u32 $0xA, v7;
	v39 =	vsel vm2, $0x410, v3;
	v34 =	vor.u32 v5, v9  }
0x111: {  	v18 =	vsel vm0, v14, v21;
	v9 =	vld.idx.msk [tilespmem:v0+s4+$0x0], $0xffff;
	v25 =	vadd.s32 $0xFFFFFFFF, v23;
	v10 =	vand.u32 $0x7FFFFFFF, v10  }
0x112: {  	v40 =	vadd.s32 $0x1FF, v39;
	v41 =	vor.u32 $0x200, v39;
	v59 =	vsel vm0, v53, v50  }
0x113: {  	v47 =	vsel vm0, v53, v51;
	v28 =	vsel vm3, v10, v57;
	v35 =	vsel vm3, v58, v10  }
0x114: {  	v48 =	vsel vm0, v49, v50;
	v53 =	vadd.s32 $0xFFFFFFFE, v23;
	vm1 =	vlt.f32 v28, v35  }
0x115: {  	v54 =	vadd.s32 $0x1, v23;
	v49 =	vadd.s32 $0xFFFFFFFF, v47;
	v36 =	vsel vm1, v37, v38;
	v22 =	vld.idx.msk [tilespmem:v22+s4+$0x0], $0xffff;
	[tilespmem:v34+s14+$0x0] =	vst.idx.msk $0xffff, v33  }
0x116: {  	v61 =	vor.u32 $0x1, v34;
	v50 =	vadd.s32 $0x1, v48;
	vm3 =	vlt.f32 v9, v8;
	v43 =	vld.idx.msk [tilespmem:v23+s4+$0x0], $0xffff  }
0x117: {  	v37 =	vsel vm1, v37, v26;
	v27 =	vsel vm1, v27, v38;
	v10 =	vsel vm3, $0x1, v6;
	v44 =	vld.idx.msk [tilespmem:v25+s4+$0x0], $0xffff  }
0x118: {  	v9 =	vshll.u32 v12, $0x7;
	v42 =	vadd.s32 v10, v0;
	v0 =	vsel vm1, v28, v35  }
0x119: {  	v38 =	vadd.s32 $0xFFFFFFFF, v37;
	v56 =	vadd.s32 $0x1, v27;
	v9 =	vor.u32 v5, v9;
	[tilespmem:v1+s14+$0x0] =	vst.idx.msk $0xffff, v0  }
0x11a: {  	[tilespmem:v30+s14+$0x0] =	vst.idx.msk $0xffff, v18;
	v11 =	vor.u32 $0x1, v9;
	v12 =	vor.u32 $0x2, v9;
	v30 =	vor.u32 $0x8, v9;
	v46 =	vld.idx.msk [tilespmem:v36+s4+$0x0], $0xffff  }
0x11b: {  	[tilespmem:$0x1FEB0] =	vst v30;
	v30 =	vor.u32 $0x9, v9;
	vm2 =	vlt.f32 v22, v29;
	v22 =	vor.u32 $0x200, v13  }
0x11c: {  	[tilespmem:$0x1FEC0] =	vst v30;
	v13 =	vsel vm2, v22, v13;
	v22 =	vsub.f32 v33, v44;
	v43 =	vsub.f32 v43, v33  }
0x11d: {  	v10 =	vor.u32 $0x3, v9;
	v20 =	vor.u32 $0x6, v9;
	v18 =	vor.u32 $0x7, v9;
	v40 =	vld.idx.msk [tilespmem:v40+s4+$0x0], $0xffff  }
0x11e: {  	v1 =	vor.u32 $0x4, v9;
	v60 =	vld.idx.msk [tilespmem:v42+s4+$0x0], $0xffff;
	v22 =	vand.u32 $0x7FFFFFFF, v22;
	v43 =	vand.u32 $0x7FFFFFFF, v43  }
0x11f: {  	v15 =	vmovc v45;
	v0 =	vor.u32 $0x5, v9;
	v45 =	vld.idx.msk [tilespmem:v59+s4+$0x0], $0xffff;
	v46 =	vsub.f32 v32, v46;
	vm2 =	vlt.f32 v22, v43  }
0x120: {  	v30 =	vor.u32 $0xD, v7;
	v44 =	vadd.s32 $0xFF, v13;
	v62 =	vsel vm2, v53, v54  }
0x121: {  	v63 =	vsel vm2, v22, v43;
	v53 =	vsel vm2, v53, v25;
	v46 =	vand.u32 $0x7FFFFFFF, v46  }
0x122: {  	vm3 =	vlt.f32 v40, v31;
	v28 =	vsel vm1, v46, v28;
	v46 =	vsel vm1, v35, v46  }
0x123: {  	vm4 =	vlt.f32 v60, v8;
	v39 =	vsel vm3, v41, v39;
	vm1 =	vlt.f32 v28, v46  }
0x124: {  	[tilespmem:v61+s14+$0x0] =	vst.idx.msk $0xffff, v63;
	v60 =	vsub.f32 v4, v45;
	v35 =	vsel vm4, $0x1, v6;
	v40 =	vsel vm1, v38, v56  }
0x125: {  	v41 =	vld.idx.msk [tilespmem:v44+s4+$0x0], $0xffff;
	v36 =	vadd.s32 $0xFF, v39;
	v42 =	vadd.s32 v35, v42;
	v35 =	vsel vm1, v28, v46  }
0x126: {  	v54 =	vsel vm2, v23, v54;
	v63 =	vor.u32 $0xB, v9;
	v55 =	vld.idx.msk [tilespmem:v62+s4+$0x0], $0xffff;
	[tilespmem:v52+s14+$0x0] =	vst.idx.msk $0xffff, v35;
	v62 =	vor.u32 $0xA, v9  }
0x127: {  	v45 =	vor.u32 $0x100, v39;
	v61 =	vand.u32 $0x7FFFFFFF, v60;
	v37 =	vsel vm1, v38, v37;
	[tilespmem:$0x1FED0] =	vst v62  }
0x128: {  	v27 =	vsel vm1, v27, v56;
	v57 =	vadd.s32 $0xFFFFFFFF, v42;
	v58 =	vadd.s32 $0xFFFFFFFE, v42;
	[tilespmem:$0x1FEE0] =	vst v63  }
0x129: {  	v59 =	vadd.s32 $0x1, v42;
	v26 =	vsel vm0, v61, v14;
	v14 =	vsel vm0, v21, v61;
	v40 =	vld.idx.msk [tilespmem:v40+s4+$0x0], $0xffff  }
0x12a: {  	v21 =	vor.u32 $0x100, v13;
	v61 =	vadd.s32 $0x1, v54;
	vm3 =	vlt.f32 v41, v29;
	v23 =	vld.idx.msk [tilespmem:v36+s4+$0x0], $0xffff  }
0x12b: {  	vm0 =	vlt.f32 v26, v14;
	v13 =	vsel vm3, v21, v13;
	v21 =	vsub.f32 v33, v55  }
0x12c: {  	v56 =	vadd.s32 $0x1, v27;
	v62 =	vor.u32 $0xC, v7;
	v41 =	vsel vm0, v26, v14;
	[tilespmem:v9+s14+$0x0] =	vst.idx.msk $0xffff, v8  }
0x12d: {  	v52 =	vadd.s32 $0x7F, v13;
	v25 =	vld.idx.msk [tilespmem:v42+s4+$0x0], $0xffff;
	v55 =	vor.u32 $0x2, v34;
	v21 =	vand.u32 $0x7FFFFFFF, v21  }
0x12e: {  	v51 =	vsel vm2, v21, v22;
	v60 =	vsel vm2, v43, v21;
	v22 =	vld.idx.msk [tilespmem:v57+s4+$0x0], $0xffff;
	v21 =	vsub.f32 v32, v40  }
0x12f: {  	vm3 =	vlt.f32 v23, v31;
	vm2 =	vlt.f32 v51, v60;
	v40 =	vadd.s32 $0xFFFFFFFF, v53  }
0x130: {  	v23 =	vor.u32 $0xC, v9;
	v35 =	vsel vm2, v40, v61;
	v21 =	vand.u32 $0x7FFFFFFF, v21  }
0x131: {  	v39 =	vsel vm3, v45, v39;
	[tilespmem:$0x1FEF0] =	vst v23;
	v28 =	vsel vm1, v21, v28;
	v38 =	vsel vm1, v46, v21  }
0x132: {  	v45 =	vld.idx.msk [tilespmem:v52+s4+$0x0], $0xffff;
	v52 =	vadd.s32 $0x7F, v39;
	v21 =	vsel vm2, v51, v60;
	vm1 =	vlt.f32 v28, v38  }
0x133: {  	v46 =	vadd.s32 $0xFFFFFFFF, v37;
	v22 =	vsub.f32 v8, v22;
	[tilespmem:v55+s14+$0x0] =	vst.idx.msk $0xffff, v21;
	v21 =	vsub.f32 v25, v8  }
0x134: {  	v55 =	vor.u32 $0x80, v39;
	v43 =	vsel vm1, v46, v56;
	v23 =	vsel vm1, v28, v38  }
0x135: {  	v37 =	vsel vm1, v46, v37;
	v27 =	vsel vm1, v27, v56;
	v63 =	vld.idx.msk [tilespmem:v35+s4+$0x0], $0xffff;
	v44 =	vand.u32 $0x7FFFFFFF, v22  }
0x136: {  	v35 =	vsel vm0, v49, v50;
	v36 =	vand.u32 $0x7FFFFFFF, v21;
	v21 =	vsel vm0, v49, v47  }
0x137: {  	[tilespmem:v17+s14+$0x0] =	vst.idx.msk $0xffff, v41;
	v22 =	vsel vm0, v48, v50;
	vm4 =	vlt.f32 v45, v29;
	v46 =	vadd.s32 $0xFFFFFFFF, v37  }
0x138: {  	[tilespmem:v62+s14+$0x0] =	vst.idx.msk $0xffff, v23;
	vm3 =	vlt.f32 v44, v36;
	v23 =	vadd.s32 $0xFFFFFFFF, v21;
	v25 =	vadd.s32 $0x1, v22  }
0x139: {  	v48 =	vsel vm3, v58, v57;
	v49 =	vsel vm3, v58, v59;
	v58 =	vor.u32 $0x80, v13;
	v43 =	vld.idx.msk [tilespmem:v43+s4+$0x0], $0xffff  }
0x13a: {  	v47 =	vsel vm3, v44, v36;
	v45 =	vsel vm4, v58, v13;
	v13 =	vsub.f32 v33, v63;
	v63 =	vld.idx.msk [tilespmem:v52+s4+$0x0], $0xffff  }
0x13b: {  	v57 =	vsel vm3, v42, v59;
	v42 =	vor.u32 $0xD, v9;
	v62 =	vadd.s32 $0x3F, v45;
	v35 =	vld.idx.msk [tilespmem:v35+s4+$0x0], $0xffff  }
0x13c: {  	v50 =	vadd.s32 $0xFFFFFFFF, v48;
	v58 =	vor.u32 $0x3, v34;
	[tilespmem:v11+s14+$0x0] =	vst.idx.msk $0xffff, v47;
	v11 =	vsel vm2, v40, v53  }
0x13d: {  	v40 =	vsel vm2, v54, v61;
	v54 =	vadd.s32 $0x1, v27;
	v13 =	vand.u32 $0x7FFFFFFF, v13  }
0x13e: {  	v53 =	vadd.s32 $0x1, v40;
	v59 =	vld.idx.msk [tilespmem:v49+s4+$0x0], $0xffff;
	v51 =	vsel vm2, v13, v51;
	v52 =	vsel vm2, v60, v13  }
0x13f: {  	v49 =	vadd.s32 $0xFFFFFFFF, v11;
	v13 =	vsub.f32 v32, v43;
	vm2 =	vlt.f32 v51, v52  }
0x140: {  	v62 =	vld.idx.msk [tilespmem:v62+s4+$0x0], $0xffff;
	v60 =	vsel vm2, v49, v53;
	vm4 =	vlt.f32 v63, v31;
	v35 =	vsub.f32 v4, v35  }
0x141: {  	v11 =	vsel vm2, v49, v11;
	v40 =	vsel vm2, v40, v53;
	v13 =	vand.u32 $0x7FFFFFFF, v13  }
0x142: {  	v39 =	vsel vm4, v55, v39;
	v28 =	vsel vm1, v13, v28;
	v38 =	vsel vm1, v38, v13  }
0x143: {  	v63 =	vsub.f32 v8, v59;
	v43 =	vadd.s32 $0x3F, v39;
	vm1 =	vlt.f32 v28, v38  }
0x144: {  	v13 =	vsel vm2, v51, v52;
	v56 =	vadd.s32 $0x40, v39;
	v61 =	vsel vm1, v46, v54  }
0x145: {  	[tilespmem:v58+s14+$0x0] =	vst.idx.msk $0xffff, v13;
	v58 =	vadd.s32 $0x1, v57;
	v13 =	vand.u32 $0x7FFFFFFF, v63;
	vm4 =	vlt.f32 v62, v29  }
0x146: {  	v62 =	vadd.s32 $0x40, v45;
	v37 =	vsel vm1, v46, v37;
	v27 =	vsel vm1, v27, v54;
	v41 =	vld.idx.msk [tilespmem:v60+s4+$0x0], $0xffff  }
0x147: {  	v60 =	vsel vm1, v28, v38;
	v44 =	vsel vm3, v13, v44;
	v36 =	vsel vm3, v36, v13  }
0x148: {  	v45 =	vsel vm4, v62, v45;
	[tilespmem:v30+s14+$0x0] =	vst.idx.msk $0xffff, v60;
	vm3 =	vlt.f32 v44, v36;
	v43 =	vld.idx.msk [tilespmem:v43+s4+$0x0], $0xffff  }
0x149: {  	v30 =	vand.u32 $0x7FFFFFFF, v35;
	v63 =	vsel vm3, v44, v36;
	v35 =	vld.idx.msk [tilespmem:v61+s4+$0x0], $0xffff;
	v61 =	vsel vm3, v50, v58  }
0x14a: {  	v13 =	vor.u32 $0xE, v9;
	v46 =	vadd.s32 $0x1, v27;
	[tilespmem:v12+s14+$0x0] =	vst.idx.msk $0xffff, v63;
	v12 =	vadd.s32 $0x1F, v45  }
0x14b: {  	v60 =	vor.u32 $0x4, v34;
	v48 =	vsel vm3, v50, v48;
	v41 =	vsub.f32 v33, v41  }
0x14c: {  	v57 =	vsel vm3, v57, v58;
	v26 =	vsel vm0, v30, v26;
	v30 =	vsel vm0, v14, v30  }
0x14d: {  	v14 =	vor.u32 $0x10, v9;
	v41 =	vand.u32 $0x7FFFFFFF, v41;
	vm4 =	vlt.f32 v43, v31  }
0x14e: {  	v49 =	vsel vm2, v41, v51;
	v41 =	vsel vm2, v52, v41;
	v51 =	vadd.s32 $0xFFFFFFFF, v11;
	v47 =	vld.idx.msk [tilespmem:v61+s4+$0x0], $0xffff  }
0x14f: {  	v52 =	vadd.s32 $0x1, v40;
	v12 =	vld.idx.msk [tilespmem:v12+s4+$0x0], $0xffff;
	v35 =	vsub.f32 v32, v35;
	vm2 =	vlt.f32 v49, v41  }
0x150: {  	v55 =	vadd.s32 $0xFFFFFFFF, v48;
	v39 =	vsel vm4, v56, v39;
	v61 =	vsel vm2, v51, v52  }
0x151: {  	v58 =	vor.u32 $0xE, v7;
	v43 =	vadd.s32 $0x1F, v39;
	v35 =	vand.u32 $0x7FFFFFFF, v35  }
0x152: {  	v62 =	vsel vm2, v49, v41;
	v28 =	vsel vm1, v35, v28;
	v35 =	vsel vm1, v38, v35  }
0x153: {  	v38 =	vadd.s32 $0xFFFFFFFF, v37;
	vm1 =	vlt.f32 v28, v35;
	v47 =	vsub.f32 v8, v47  }
0x154: {  	[tilespmem:v60+s14+$0x0] =	vst.idx.msk $0xffff, v62;
	vm4 =	vlt.f32 v12, v29;
	v12 =	vadd.s32 $0x20, v45;
	v63 =	vsel vm1, v38, v46  }
0x155: {  	v60 =	vsel vm1, v28, v35;
	v45 =	vsel vm4, v12, v45;
	v50 =	vld.idx.msk [tilespmem:v61+s4+$0x0], $0xffff;
	v47 =	vand.u32 $0x7FFFFFFF, v47  }
0x156: {  	v12 =	vor.u32 $0xF, v9;
	[tilespmem:v58+s14+$0x0] =	vst.idx.msk $0xffff, v60;
	v44 =	vsel vm3, v47, v44;
	v36 =	vsel vm3, v36, v47  }
0x157: {  	v56 =	vadd.s32 $0x1, v57;
	v62 =	vadd.s32 $0xF, v45;
	[tilespmem:$0x1FFB0] =	vst v12;
	vm3 =	vlt.f32 v44, v36  }
0x158: {  	v11 =	vsel vm2, v51, v11;
	v40 =	vsel vm2, v40, v52;
	v43 =	vld.idx.msk [tilespmem:v43+s4+$0x0], $0xffff;
	v61 =	vsel vm3, v55, v56  }
0x159: {  	v53 =	vadd.s32 $0xFFFFFFFF, v11;
	v37 =	vsel vm1, v38, v37;
	v27 =	vsel vm1, v27, v46;
	v54 =	vld.idx.msk [tilespmem:v63+s4+$0x0], $0xffff  }
0x15a: {  	v37 =	vadd.s32 $0xFFFFFFFF, v37;
	v27 =	vadd.s32 $0x1, v27;
	v50 =	vsub.f32 v33, v50  }
0x15b: {  	v47 =	vadd.s32 $0x20, v39;
	v63 =	vsel vm3, v44, v36;
	v48 =	vsel vm3, v55, v48  }
0x15c: {  	v9 =	vsel vm3, v57, v56;
	v56 =	vor.u32 $0x5, v34;
	[tilespmem:v10+s14+$0x0] =	vst.idx.msk $0xffff, v63;
	v62 =	vld.idx.msk [tilespmem:v62+s4+$0x0], $0xffff;
	v50 =	vand.u32 $0x7FFFFFFF, v50  }
0x15d: {  	vm4 =	vlt.f32 v43, v31;
	v49 =	vsel vm2, v50, v49;
	v41 =	vsel vm2, v41, v50;
	v60 =	vld.idx.msk [tilespmem:v61+s4+$0x0], $0xffff  }
0x15e: {  	v61 =	vsub.f32 v32, v54;
	vm2 =	vlt.f32 v49, v41;
	v54 =	vadd.s32 $0x1, v40  }
0x15f: {  	v57 =	vor.u32 $0xF, v7;
	v39 =	vsel vm4, v47, v39;
	v63 =	vsel vm2, v53, v54  }
0x160: {  	v55 =	vadd.s32 $0xFFFFFFFF, v48;
	v10 =	vadd.s32 $0x1, v9;
	v47 =	vadd.s32 $0xF, v39  }
0x161: {  	vm5 =	vlt.f32 v62, v29;
	v62 =	vsel vm2, v49, v41;
	v59 =	vand.u32 $0x7FFFFFFF, v61  }
0x162: {  	v61 =	vadd.s32 $0x10, v45;
	[tilespmem:v56+s14+$0x0] =	vst.idx.msk $0xffff, v62;
	v28 =	vsel vm1, v59, v28;
	v60 =	vsub.f32 v8, v60  }
0x163: {  	v35 =	vsel vm1, v35, v59;
	vm1 =	vlt.f32 v26, v30;
	v43 =	vsel vm5, v61, v45  }
0x164: {  	vm0 =	vlt.f32 v28, v35;
	v45 =	vadd.s32 $0x7, v43;
	v46 =	vld.idx.msk [tilespmem:v63+s4+$0x0], $0xffff;
	v38 =	vand.u32 $0x7FFFFFFF, v60  }
0x165: {  	v52 =	vsel vm1, v23, v25;
	v44 =	vsel vm3, v38, v44;
	v36 =	vsel vm3, v36, v38  }
0x166: {  	v11 =	vsel vm2, v53, v11;
	v27 =	vsel vm0, v37, v27;
	vm3 =	vlt.f32 v44, v36  }
0x167: {  	v40 =	vsel vm2, v40, v54;
	v21 =	vsel vm1, v23, v21;
	v58 =	vsel vm3, v55, v10  }
0x168: {  	v22 =	vsel vm1, v22, v25;
	v56 =	vsel vm0, v28, v35;
	v62 =	vld.idx.msk [tilespmem:v47+s4+$0x0], $0xffff;
	v63 =	vsel vm1, v26, v30  }
0x169: {  	v37 =	vadd.s32 $0x10, v39;
	[tilespmem:v24+s14+$0x0] =	vst.idx.msk $0xffff, v63;
	v59 =	vld.idx.msk [tilespmem:v45+s4+$0x0], $0xffff;
	v60 =	vsub.f32 v33, v46  }
0x16a: {  	v50 =	vadd.s32 $0xFFFFFFFF, v21;
	v51 =	vadd.s32 $0x1, v22;
	[tilespmem:v57+s14+$0x0] =	vst.idx.msk $0xffff, v56;
	v63 =	vld.idx.msk [tilespmem:v52+s4+$0x0], $0xffff;
	v61 =	vsel vm3, v44, v36  }
0x16b: {  	v56 =	vadd.s32 $0x8, v43;
	v23 =	vsel vm3, v55, v48;
	v27 =	vld.idx.msk [tilespmem:v27+s4+$0x0], $0xffff;
	[tilespmem:v1+s14+$0x0] =	vst.idx.msk $0xffff, v61;
	v25 =	vand.u32 $0x7FFFFFFF, v60  }
0x16c: {  	v55 =	vadd.s32 $0xFFFFFFFF, v11;
	v47 =	vsel vm2, v25, v49;
	v25 =	vsel vm2, v41, v25;
	v38 =	vld.idx.msk [tilespmem:v58+s4+$0x0], $0xffff  }
0x16d: {  	v48 =	vadd.s32 $0x1, v40;
	v1 =	vor.u32 $0x6, v34;
	vm2 =	vlt.f32 v47, v25  }
0x16e: {  	v9 =	vsel vm3, v9, v10;
	v10 =	vadd.s32 $0xFFFFFFFF, v23;
	v57 =	vsel vm2, v55, v48  }
0x16f: {  	v61 =	vadd.s32 $0x1, v9;
	vm4 =	vlt.f32 v59, v29;
	v45 =	vsub.f32 v4, v63  }
0x170: {  	v43 =	vsel vm4, v56, v43;
	vm4 =	vlt.f32 v62, v31;
	v27 =	vsub.f32 v32, v27  }
0x171: {  	v37 =	vsel vm4, v37, v39;
	v59 =	vsel vm2, v47, v25;
	v38 =	vsub.f32 v8, v38  }
0x172: {  	v58 =	vadd.s32 $0x3, v43;
	v60 =	vadd.s32 $0x7, v37;
	[tilespmem:v1+s14+$0x0] =	vst.idx.msk $0xffff, v59;
	v1 =	vand.u32 $0x7FFFFFFF, v45  }
0x173: {  	v26 =	vsel vm1, v1, v26;
	v1 =	vsel vm1, v30, v1;
	v24 =	vld.idx.msk [tilespmem:v57+s4+$0x0], $0xffff;
	v30 =	vand.u32 $0x7FFFFFFF, v38  }
0x174: {  	vm1 =	vlt.f32 v26, v1;
	v38 =	vsel vm3, v30, v44;
	v30 =	vsel vm3, v36, v30  }
0x175: {  	v11 =	vsel vm2, v55, v11;
	v63 =	vsel vm1, v50, v51;
	vm3 =	vlt.f32 v38, v30  }
0x176: {  	v39 =	vsel vm2, v40, v48;
	v27 =	vand.u32 $0x7FFFFFFF, v27;
	v52 =	vsel vm3, v10, v61  }
0x177: {  	v53 =	vadd.s32 $0x8, v37;
	v41 =	vadd.s32 $0x1, v39;
	v28 =	vsel vm0, v27, v28;
	v62 =	vld.idx.msk [tilespmem:v58+s4+$0x0], $0xffff  }
0x178: {  	v49 =	vsel vm1, v26, v1;
	v10 =	vsel vm3, v10, v23;
	v23 =	vsub.f32 v33, v24  }
0x179: {  	v27 =	vsel vm0, v35, v27;
	[tilespmem:v19+s14+$0x0] =	vst.idx.msk $0xffff, v49;
	v54 =	vld.idx.msk [tilespmem:v60+s4+$0x0], $0xffff;
	v19 =	vsel vm3, v38, v30  }
0x17a: {  	v55 =	vld.idx.msk [tilespmem:v63+s4+$0x0], $0xffff;
	[tilespmem:v0+s14+$0x0] =	vst.idx.msk $0xffff, v19;
	v0 =	vsel vm3, v9, v61;
	v9 =	vadd.s32 $0x4, v43;
	v23 =	vand.u32 $0x7FFFFFFF, v23  }
0x17b: {  	v19 =	vor.u32 $0x7, v34;
	v40 =	vsel vm2, v23, v47;
	v23 =	vsel vm2, v25, v23;
	v56 =	vld.idx.msk [tilespmem:v52+s4+$0x0], $0xffff  }
0x17c: {  	vm4 =	vlt.f32 v62, v29;
	v25 =	vadd.s32 $0xFFFFFFFF, v11;
	vm0 =	vlt.f32 v40, v23  }
0x17d: {  	v21 =	vsel vm1, v50, v21;
	v9 =	vsel vm4, v9, v43;
	v57 =	vsel vm0, v25, v41  }
0x17e: {  	v22 =	vsel vm1, v22, v51;
	v46 =	vadd.s32 $0xFFFFFFFF, v21;
	v58 =	vadd.s32 $0x1, v9  }
0x17f: {  	v44 =	vadd.s32 $0xFFFFFFFF, v10;
	vm2 =	vlt.f32 v54, v31;
	v59 =	vsub.f32 v4, v55  }
0x180: {  	v32 =	vsel vm2, v53, v37;
	v60 =	vsel vm0, v40, v23;
	v36 =	vsub.f32 v8, v56  }
0x181: {  	v61 =	vadd.s32 $0x1, v22;
	v62 =	vadd.s32 $0x3, v32;
	[tilespmem:v19+s14+$0x0] =	vst.idx.msk $0xffff, v60;
	v19 =	vand.u32 $0x7FFFFFFF, v59  }
0x182: {  	v26 =	vsel vm1, v19, v26;
	v1 =	vsel vm1, v1, v19;
	v63 =	vld.idx.msk [tilespmem:v57+s4+$0x0], $0xffff;
	v52 =	vand.u32 $0x7FFFFFFF, v36  }
0x183: {  	v19 =	vld.idx.msk [tilespmem:v58+s4+$0x0], $0xffff;
	vm1 =	vlt.f32 v26, v1;
	v36 =	vsel vm3, v52, v38;
	v30 =	vsel vm3, v30, v52  }
0x184: {  	v53 =	vadd.s32 $0x1, v0;
	v54 =	vsel vm1, v46, v61;
	vm2 =	vlt.f32 v36, v30  }
0x185: {  	v11 =	vsel vm0, v25, v11;
	vm3 =	vlt.f32 v28, v27;
	v55 =	vsel vm2, v44, v53  }
0x186: {  	v21 =	vsel vm1, v46, v21;
	v27 =	vsel vm3, v28, v27;
	v56 =	vsel vm2, v36, v30  }
0x187: {  	v28 =	vsel vm1, v26, v1;
	[tilespmem:v20+s14+$0x0] =	vst.idx.msk $0xffff, v56;
	v20 =	vsub.f32 v33, v63  }
0x188: {  	v7 =	vor.u32 $0x10, v7;
	v58 =	vld.idx.msk [tilespmem:v62+s4+$0x0], $0xffff;
	vm3 =	vlt.f32 v19, v29;
	[tilespmem:v16+s14+$0x0] =	vst.idx.msk $0xffff, v28;
	v16 =	vadd.s32 $0x2, v9  }
0x189: {  	v22 =	vsel vm1, v22, v61;
	v9 =	vsel vm3, v16, v9;
	v16 =	vand.u32 $0x7FFFFFFF, v20;
	v20 =	vld.idx.msk [tilespmem:v54+s4+$0x0], $0xffff  }
0x18a: {  	v57 =	vadd.s32 $0x4, v32;
	v60 =	vadd.s32 $0xFFFFFFFF, v21;
	v43 =	vadd.s32 $0x1, v22;
	v59 =	vld.idx.msk [tilespmem:v55+s4+$0x0], $0xffff  }
0x18b: {  	v19 =	vor.u32 $0x8, v34;
	v10 =	vsel vm2, v44, v10;
	v28 =	vsel vm0, v39, v41  }
0x18c: {  	v39 =	vadd.s32 $0xFFFFFFFF, v11;
	v38 =	vsel vm0, v16, v40;
	v16 =	vsel vm0, v23, v16  }
0x18d: {  	v0 =	vsel vm2, v0, v53;
	v40 =	vadd.s32 $0x1, v28;
	vm3 =	vlt.f32 v38, v16  }
0x18e: {  	vm0 =	vlt.f32 v58, v31;
	v23 =	vsel vm3, v39, v40;
	v20 =	vsub.f32 v4, v20  }
0x18f: {  	v32 =	vsel vm0, v57, v32;
	v61 =	vsel vm3, v38, v16;
	v25 =	vsub.f32 v8, v59  }
0x190: {  	v35 =	vadd.s32 $0xFFFFFFFF, v10;
	v62 =	vadd.s32 $0x1, v32;
	[tilespmem:v19+s14+$0x0] =	vst.idx.msk $0xffff, v61;
	v19 =	vand.u32 $0x7FFFFFFF, v20  }
0x191: {  	v63 =	vld.idx.msk [tilespmem:v9+s4+$0x0], $0xffff;
	v47 =	vsel vm1, v19, v26;
	v48 =	vsel vm1, v1, v19;
	v25 =	vand.u32 $0x7FFFFFFF, v25  }
0x192: {  	vm0 =	vlt.f32 v47, v48;
	v56 =	vsel vm2, v25, v36;
	v55 =	vsel vm2, v30, v25  }
0x193: {  	v41 =	vadd.s32 $0x1, v0;
	v20 =	vld.idx.msk [tilespmem:v23+s4+$0x0], $0xffff;
	v46 =	vsel vm0, v60, v43;
	vm4 =	vlt.f32 v56, v55  }
0x194: {  	v51 =	vsel vm4, v35, v10;
	v35 =	vsel vm4, v35, v41;
	_ =	sdelay $0x1  }
0x195: {  	[tilespmem:v7+s14+$0x0] =	vst.idx.msk $0xffff, v27;
	vm1 =	vlt.f32 v63, v29;
	v1 =	vsel vm0, v47, v48  }
0x196: {  	[tilespmem:v15+s14+$0x0] =	vst.idx.msk $0xffff, v1;
	v30 =	vsel vm4, v56, v55;
	v49 =	vsel vm4, v0, v41;
	v0 =	vld.idx.msk [tilespmem:v62+s4+$0x0], $0xffff  }
0x197: {  	v10 =	vsub.f32 v33, v20;
	v20 =	vsel vm1, $0x1, v6;
	[tilespmem:v18+s14+$0x0] =	vst.idx.msk $0xffff, v30;
	v52 =	vld.idx.msk [tilespmem:v46+s4+$0x0], $0xffff  }
0x198: {  	v23 =	vsel vm0, v60, v21;
	v1 =	vadd.s32 v20, v9;
	v9 =	vld.idx.msk [tilespmem:v35+s4+$0x0], $0xffff;
	[tilespmem:$0x1FF00] =	vst v4  }
0x199: {  	v21 =	vsel vm0, v22, v43;
	[tilespmem:$0x1FF10] =	vst v23  }
0x19a: {  	p3 =	por $0x1, $0x1;
	v59 =	vsel vm3, v39, v11;
	v60 =	vsel vm3, v28, v40;
	[tilespmem:$0x1FF20] =	vst v21  }
.Ltmp3:
0x19b: {  	v19 =	vadd.s32 $0x2, v32;
	v63 =	vor.u32 $0x9, v34;
	v61 =	vadd.s32 $0x1, v60;
	[tilespmem:$0x1FF30] =	vst v48;
	(pc) =	sbr.rel @!p3 .LBB2_8-.Ltmp3, $4  }
0x19c: {  	v12 =	vadd.s32 $0xFFFFFFFF, v23;
	v17 =	vadd.s32 $0x1, v21;
	v10 =	vand.u32 $0x7FFFFFFF, v10;
	[tilespmem:$0x1FF40] =	vst v47  }
0x19d: {  	v62 =	vadd.s32 $0xFFFFFFFF, v59;
	v57 =	vsel vm3, v10, v38;
	v58 =	vsel vm3, v16, v10;
	[tilespmem:$0x1FF50] =	vst v12  }
0x19e: {  	v53 =	vadd.s32 $0xFFFFFFFF, v51;
	vm3 =	vlt.f32 v57, v58;
	vm1 =	vlt.f32 v0, v31;
	[tilespmem:$0x1FF60] =	vst v17  }
0x19f: {  	p1 =	por $0x1, $0x1;
	v50 =	vadd.s32 $0x1, v49;
	v10 =	vsel vm3, v62, v61;
	v0 =	vsel vm1, v19, v32;
	[tilespmem:$0x1FF70] =	vst v52  }
0x1a0: {  	_ =	sdelay $0x1  }
0x1a1: {  	v9 =	vsub.f32 v8, v9  }
0x1a2: {  	v7 =	vsub.f32 v4, v52  }
0x1a3: {  	v11 =	vld.idx.msk [tilespmem:v2+s4+$0x0], $0xffff;
	v15 =	vsel vm3, v57, v58;
	v9 =	vand.u32 $0x7FFFFFFF, v9  }
0x1a4: {  	s19 =	simm.s32 $0x18F0;
	v16 =	vld.idx.msk [tilespmem:v1+s4+$0x0], $0xffff;
	[tilespmem:v63+s14+$0x0] =	vst.idx.msk $0xffff, v15;
	v7 =	vand.u32 $0x7FFFFFFF, v7  }
0x1a5: {  	v38 =	vmovc v12;
	v20 =	vld [tilespmem:s19+$0x0];
	v12 =	vsel vm0, v7, v47;
	v7 =	vsel vm0, v48, v7;
	v15 =	vsel vm4, v9, v56  }
0x1a6: {  	v10 =	vld.idx.msk [tilespmem:v10+s4+$0x0], $0xffff;
	v32 =	vsel vm4, v55, v9;
	[tilespmem:$0x1FE30] =	vst v7;
	vm1 =	vlt.f32 v12, v7;
	v9 =	vmov v7  }
0x1a7: {  	[tilespmem:$0x1FE20] =	vst v12;
	v9 =	vsel vm1, v12, v9  }
0x1a8: {  	s18 =	simm.s32 $0x50;
	[tilespmem:$0x1FE10] =	vst v9  }
0x1a9: {  	v7 =	vmov s18;
	vm5 =	vlt.f32 v16, v29;
	v16 =	vld.idx.msk [tilespmem:v0+s4+$0x0], $0xffff  }
0x1aa: {  	v7 =	vshll.u32 v7, $0x7  }
0x1ab: {  	v30 =	vsel vm5, $0x1, v6;
	v7 =	vor.u32 v5, v7;
	v10 =	vsub.f32 v33, v10  }
0x1ac: {  	v36 =	vadd.s32 v30, v1;
	v1 =	vor.u32 $0xA, v34  }
0x1ad: {  	v41 =	vsel vm3, v62, v59;
	v44 =	vsel vm3, v60, v61;
	v10 =	vand.u32 $0x7FFFFFFF, v10  }
0x1ae: {  	v47 =	vsel vm3, v10, v57;
	v48 =	vsel vm3, v58, v10;
	vm5 =	vlt.f32 v16, v31  }
0x1af: {  	vm4 =	vlt.f32 v11, v20;
	vm3 =	vlt.f32 v47, v48;
	v10 =	vsel vm5, $0x1, v6  }
0x1b0: {  	v24 =	vsel vm4, $0x410, v3;
	[tilespmem:v7+s14+$0x0] =	vst.idx.msk $0xffff, v29;
	v58 =	vadd.s32 v10, v0;
	v0 =	vsel vm3, v47, v48  }
0x1b1: {  	v35 =	vadd.s32 $0x1FF, v24;
	[tilespmem:v1+s14+$0x0] =	vst.idx.msk $0xffff, v0  }
0x1b2: {  	v0 =	vld [tilespmem:$0x1FEB0]  }
0x1b3: {  	v43 =	vadd.s32 $0xFFFFFFFF, v36  }
0x1b4: {  	v18 =	vld [tilespmem:s19+$0xFFFFFFF0];
	_ =	sdelay $0x1  }
0x1b5: {  	s20 =	simm.s32 $0x40;
	v62 =	vor.u32 $0xB, v34;
	v52 =	vadd.s32 $0xFFFFFFFF, v41;
	v54 =	vadd.s32 $0x1, v44;
	v35 =	vld.idx.msk [tilespmem:v35+s4+$0x0], $0xffff  }
0x1b6: {  	vm2 =	vlt.f32 v15, v32;
	v9 =	vmov s20;
	v16 =	vsel vm3, v52, v54;
	v59 =	vld.idx.msk [tilespmem:v36+s4+$0x0], $0xffff  }
0x1b7: {  	v25 =	vor.u32 $0xC, v34;
	v19 =	vsel vm2, v15, v32;
	v9 =	vshll.u32 v9, $0x7;
	v60 =	vld.idx.msk [tilespmem:v43+s4+$0x0], $0xffff  }
0x1b8: {  	v61 =	vsel vm2, v53, v50;
	vm4 =	vlt.f32 v11, v18;
	v10 =	vor.u32 v5, v9  }
0x1b9: {  	v53 =	vsel vm2, v53, v51;
	v55 =	vsel vm4, $0x410, v3;
	[tilespmem:v0+s14+$0x0] =	vst.idx.msk $0xffff, v19;
	v0 =	vor.u32 $0x6, v10  }
0x1ba: {  	v49 =	vsel vm2, v49, v50;
	v50 =	vadd.s32 $0xFFFFFFFF, v53;
	v56 =	vadd.s32 $0x1FF, v55;
	[tilespmem:$0x1FE40] =	vst v0  }
0x1bb: {  	vm4 =	vlt.f32 v35, v20;
	v19 =	vor.u32 $0x200, v24;
	v0 =	vor.u32 $0x7, v10;
	v16 =	vld.idx.msk [tilespmem:v16+s4+$0x0], $0xffff  }
0x1bc: {  	v35 =	vsel vm4, v19, v24;
	v19 =	vsub.f32 v29, v60;
	v24 =	vsub.f32 v59, v29  }
0x1bd: {  	v22 =	vadd.s32 $0x1, v49;
	[tilespmem:$0x1FE50] =	vst v0;
	v0 =	vor.u32 $0x9, v10;
	v51 =	vadd.s32 $0xFF, v35  }
0x1be: {  	[tilespmem:$0x1FDE0] =	vst v0;
	v59 =	vand.u32 $0x7FFFFFFF, v19;
	v60 =	vand.u32 $0x7FFFFFFF, v24;
	v24 =	vor.u32 $0x1, v7  }
0x1bf: {  	v39 =	vmovc v21;
	v63 =	vadd.s32 $0xFFFFFFFE, v36;
	v28 =	vadd.s32 $0x1, v36;
	v19 =	vld.idx.msk [tilespmem:v58+s4+$0x0], $0xffff;
	vm4 =	vlt.f32 v59, v60  }
0x1c0: {  	v52 =	vsel vm3, v52, v41;
	v56 =	vld.idx.msk [tilespmem:v56+s4+$0x0], $0xffff;
	v21 =	vsel vm4, v63, v28;
	v16 =	vsub.f32 v33, v16  }
0x1c1: {  	v44 =	vsel vm3, v44, v54;
	v54 =	vadd.s32 $0xFFFFFFFF, v52;
	v57 =	vor.u32 $0x200, v55  }
0x1c2: {  	v11 =	vor.u32 $0x1, v10;
	v41 =	vsel vm4, v59, v60;
	v16 =	vand.u32 $0x7FFFFFFF, v16  }
0x1c3: {  	v51 =	vld.idx.msk [tilespmem:v51+s4+$0x0], $0xffff;
	[tilespmem:v24+s14+$0x0] =	vst.idx.msk $0xffff, v41;
	v47 =	vsel vm3, v16, v47;
	v48 =	vsel vm3, v48, v16  }
0x1c4: {  	vm6 =	vlt.f32 v19, v31;
	v16 =	vld.idx.msk [tilespmem:v61+s4+$0x0], $0xffff;
	v61 =	vadd.s32 $0x1, v44;
	vm3 =	vlt.f32 v47, v48  }
0x1c5: {  	vm5 =	vlt.f32 v56, v18;
	v19 =	vsel vm6, $0x1, v6;
	v21 =	vld.idx.msk [tilespmem:v21+s4+$0x0], $0xffff;
	v56 =	vsel vm3, v54, v61  }
0x1c6: {  	v55 =	vsel vm5, v57, v55;
	[tilespmem:$0x1FE60] =	vst v42;
	v58 =	vadd.s32 v19, v58;
	v19 =	vsel vm3, v47, v48  }
0x1c7: {  	v40 =	vor.u32 $0x2, v10;
	v0 =	vor.u32 $0xA, v10;
	v57 =	vadd.s32 $0xFF, v55;
	[tilespmem:v62+s14+$0x0] =	vst.idx.msk $0xffff, v19  }
0x1c8: {  	v37 =	vor.u32 $0x3, v10;
	v27 =	vadd.s32 $0xFFFFFFFF, v58;
	[tilespmem:$0x1FDF0] =	vst v0;
	v0 =	vor.u32 $0xB, v10  }
0x1c9: {  	v45 =	vor.u32 $0x4, v10;
	v46 =	vor.u32 $0x5, v10;
	v43 =	vsel vm4, v63, v43;
	[tilespmem:$0x1FF80] =	vst v0  }
0x1ca: {  	v16 =	vsub.f32 v8, v16;
	v0 =	vor.u32 $0xC, v10;
	v21 =	vsub.f32 v29, v21;
	v56 =	vld.idx.msk [tilespmem:v56+s4+$0x0], $0xffff  }
0x1cb: {  	v28 =	vsel vm4, v36, v28;
	v26 =	vor.u32 $0x100, v55;
	vm5 =	vlt.f32 v51, v20;
	[tilespmem:$0x1FF90] =	vst v0  }
0x1cc: {  	v52 =	vsel vm3, v54, v52;
	v62 =	vand.u32 $0x7FFFFFFF, v16;
	v21 =	vand.u32 $0x7FFFFFFF, v21;
	[tilespmem:v10+s14+$0x0] =	vst.idx.msk $0xffff, v31;
	v36 =	vld.idx.msk [tilespmem:v57+s4+$0x0], $0xffff  }
0x1cd: {  	v41 =	vsel vm2, v62, v15;
	v15 =	vor.u32 $0x100, v35;
	v57 =	vsel vm4, v21, v59;
	v59 =	vld.idx.msk [tilespmem:v27+s4+$0x0], $0xffff  }
0x1ce: {  	v44 =	vsel vm3, v44, v61;
	v15 =	vsel vm5, v15, v35;
	v35 =	vor.u32 $0x2, v7;
	v63 =	vld.idx.msk [tilespmem:v58+s4+$0x0], $0xffff  }
0x1cf: {  	v51 =	vsel vm2, v32, v62;
	v21 =	vsel vm4, v60, v21;
	v56 =	vsub.f32 v33, v56  }
0x1d0: {  	v60 =	vadd.s32 $0xFFFFFFFF, v43;
	v62 =	vadd.s32 $0x1, v28;
	vm4 =	vlt.f32 v57, v21  }
0x1d1: {  	v32 =	vadd.s32 $0x7F, v15;
	v0 =	vsel vm4, v60, v62;
	v56 =	vand.u32 $0x7FFFFFFF, v56  }
0x1d2: {  	v54 =	vsel vm3, v56, v47;
	v56 =	vsel vm3, v48, v56;
	v48 =	vsel vm4, v57, v21  }
0x1d3: {  	v61 =	vadd.s32 $0xFFFFFFFF, v52;
	v59 =	vsub.f32 v31, v59;
	[tilespmem:v35+s14+$0x0] =	vst.idx.msk $0xffff, v48;
	v48 =	vsub.f32 v63, v31  }
0x1d4: {  	v1 =	vadd.s32 $0x1, v44;
	vm5 =	vlt.f32 v36, v18;
	vm3 =	vlt.f32 v54, v56  }
0x1d5: {  	v59 =	vand.u32 $0x7FFFFFFF, v59;
	v6 =	vsel vm3, v61, v1;
	v36 =	vand.u32 $0x7FFFFFFF, v48  }
0x1d6: {  	v12 =	vmovc v23;
	v26 =	vsel vm5, v26, v55;
	v47 =	vsel vm3, v54, v56;
	vm5 =	vlt.f32 v59, v36  }
0x1d7: {  	v30 =	vor.u32 $0x8, v10;
	v24 =	vor.u32 $0xD, v10;
	v32 =	vld.idx.msk [tilespmem:v32+s4+$0x0], $0xffff;
	[tilespmem:v25+s14+$0x0] =	vst.idx.msk $0xffff, v47;
	v47 =	vsel vm5, v59, v36  }
0x1d8: {  	v42 =	vadd.s32 $0xFFFFFFFE, v58;
	v23 =	vadd.s32 $0x1, v58;
	vm2 =	vlt.f32 v41, v51;
	v0 =	vld.idx.msk [tilespmem:v0+s4+$0x0], $0xffff;
	[tilespmem:v11+s14+$0x0] =	vst.idx.msk $0xffff, v47  }
0x1d9: {  	v28 =	vsel vm4, v28, v62;
	v55 =	vadd.s32 $0x7F, v26;
	v9 =	vor.u32 $0x80, v26;
	v19 =	vld [tilespmem:$0x1FEC0]  }
0x1da: {  	v63 =	vsel vm2, v50, v22;
	v48 =	vsel vm2, v49, v22;
	v22 =	vsel vm5, v42, v23;
	v6 =	vld.idx.msk [tilespmem:v6+s4+$0x0], $0xffff  }
0x1db: {  	v35 =	vsel vm2, v41, v51;
	v52 =	vsel vm3, v61, v52;
	v1 =	vsel vm3, v44, v1  }
0x1dc: {  	v25 =	vor.u32 $0x80, v15;
	v44 =	vadd.s32 $0xFFFFFFFF, v52;
	vm6 =	vlt.f32 v32, v20  }
0x1dd: {  	v27 =	vsel vm5, v42, v27;
	v25 =	vsel vm6, v25, v15;
	v0 =	vsub.f32 v29, v0  }
0x1de: {  	v32 =	vor.u32 $0x3, v7;
	v11 =	vsel vm4, v60, v43;
	v47 =	vld.idx.msk [tilespmem:v55+s4+$0x0], $0xffff;
	v15 =	vadd.s32 $0x3F, v25  }
0x1df: {  	v55 =	vadd.s32 $0xFFFFFFFF, v11;
	v0 =	vand.u32 $0x7FFFFFFF, v0;
	v22 =	vld.idx.msk [tilespmem:v22+s4+$0x0], $0xffff;
	v6 =	vsub.f32 v33, v6  }
0x1e0: {  	v43 =	vsel vm4, v0, v57;
	v0 =	vsel vm4, v21, v0;
	v21 =	vor.u32 $0xD, v34  }
0x1e1: {  	vm4 =	vlt.f32 v43, v0;
	v6 =	vand.u32 $0x7FFFFFFF, v6;
	[tilespmem:v19+s14+$0x0] =	vst.idx.msk $0xffff, v35;
	v35 =	vadd.s32 $0x1, v28  }
0x1e2: {  	v54 =	vsel vm3, v6, v54;
	v6 =	vsel vm3, v56, v6;
	v60 =	vsel vm4, v55, v35  }
0x1e3: {  	vm6 =	vlt.f32 v47, v18;
	v56 =	vadd.s32 $0x1, v1;
	vm3 =	vlt.f32 v54, v6  }
0x1e4: {  	v9 =	vsel vm6, v9, v26;
	v61 =	vld.idx.msk [tilespmem:v15+s4+$0x0], $0xffff;
	v15 =	vsub.f32 v31, v22;
	v26 =	vsel vm3, v44, v56  }
0x1e5: {  	v53 =	vsel vm2, v50, v53;
	v42 =	vadd.s32 $0xFFFFFFFF, v27;
	v47 =	vsel vm4, v43, v0  }
0x1e6: {  	v62 =	vadd.s32 $0x40, v25;
	v11 =	vsel vm4, v55, v11;
	[tilespmem:v32+s14+$0x0] =	vst.idx.msk $0xffff, v47;
	v57 =	vld.idx.msk [tilespmem:v63+s4+$0x0], $0xffff;
	v15 =	vand.u32 $0x7FFFFFFF, v15  }
0x1e7: {  	v59 =	vsel vm5, v15, v59;
	v36 =	vsel vm5, v36, v15;
	v15 =	vsel vm3, v54, v6;
	v60 =	vld.idx.msk [tilespmem:v60+s4+$0x0], $0xffff  }
0x1e8: {  	v22 =	vsel vm5, v58, v23;
	v23 =	vadd.s32 $0x3F, v9;
	v28 =	vsel vm4, v28, v35;
	[tilespmem:v21+s14+$0x0] =	vst.idx.msk $0xffff, v15  }
0x1e9: {  	v58 =	vadd.s32 $0x1, v22;
	v55 =	vadd.s32 $0x1, v28;
	vm6 =	vlt.f32 v59, v36;
	v26 =	vld.idx.msk [tilespmem:v26+s4+$0x0], $0xffff  }
0x1ea: {  	vm5 =	vlt.f32 v61, v20;
	v27 =	vsel vm6, v42, v27;
	v42 =	vsel vm6, v42, v58  }
0x1eb: {  	v44 =	vsel vm3, v44, v52;
	v25 =	vsel vm5, v62, v25;
	v57 =	vsub.f32 v8, v57  }
0x1ec: {  	v63 =	vsel vm6, v59, v36;
	v22 =	vsel vm6, v22, v58;
	v58 =	vsub.f32 v29, v60  }
0x1ed: {  	v1 =	vsel vm3, v1, v56;
	[tilespmem:v40+s14+$0x0] =	vst.idx.msk $0xffff, v63;
	v40 =	vadd.s32 $0x1F, v25;
	v21 =	vand.u32 $0x7FFFFFFF, v57  }
0x1ee: {  	v23 =	vld.idx.msk [tilespmem:v23+s4+$0x0], $0xffff;
	v57 =	vor.u32 $0x4, v7;
	v26 =	vsub.f32 v33, v26;
	v61 =	vand.u32 $0x7FFFFFFF, v58  }
0x1ef: {  	v62 =	vld.idx.msk [tilespmem:v42+s4+$0x0], $0xffff;
	v42 =	vadd.s32 $0xFFFFFFFF, v11;
	v43 =	vsel vm4, v61, v43;
	v0 =	vsel vm4, v0, v61  }
0x1f0: {  	v60 =	vor.u32 $0xE, v34;
	v26 =	vand.u32 $0x7FFFFFFF, v26;
	vm7 =	vlt.f32 v43, v0  }
0x1f1: {  	v52 =	vsel vm3, v26, v54;
	v6 =	vsel vm3, v6, v26;
	v26 =	vadd.s32 $0xFFFFFFFF, v44  }
0x1f2: {  	v54 =	vadd.s32 $0x1, v1;
	v63 =	vsel vm7, v42, v55;
	vm5 =	vlt.f32 v52, v6  }
0x1f3: {  	v47 =	vadd.s32 $0x40, v9;
	v32 =	vor.u32 $0xE, v10;
	v56 =	vsel vm5, v26, v54  }
0x1f4: {  	vm3 =	vlt.f32 v23, v18;
	v23 =	vld.idx.msk [tilespmem:v40+s4+$0x0], $0xffff;
	v35 =	vsub.f32 v31, v62;
	v40 =	vadd.s32 $0x1, v22  }
0x1f5: {  	v61 =	vsel vm7, v43, v0;
	v9 =	vsel vm3, v47, v9;
	v28 =	vsel vm7, v28, v55  }
0x1f6: {  	v47 =	vadd.s32 $0xFFFFFFFF, v27;
	[tilespmem:v57+s14+$0x0] =	vst.idx.msk $0xffff, v61;
	v61 =	vsel vm2, v21, v41;
	v62 =	vsel vm5, v52, v6  }
0x1f7: {  	v57 =	vadd.s32 $0x1F, v9;
	v21 =	vsel vm2, v51, v21;
	v35 =	vand.u32 $0x7FFFFFFF, v35;
	[tilespmem:v60+s14+$0x0] =	vst.idx.msk $0xffff, v62;
	v58 =	vld.idx.msk [tilespmem:v63+s4+$0x0], $0xffff  }
0x1f8: {  	v41 =	vor.u32 $0xF, v10;
	v59 =	vsel vm6, v35, v59;
	v35 =	vsel vm6, v36, v35;
	v36 =	vld.idx.msk [tilespmem:v56+s4+$0x0], $0xffff  }
0x1f9: {  	v10 =	vor.u32 $0x10, v10;
	v26 =	vsel vm5, v26, v44;
	v1 =	vsel vm5, v1, v54  }
0x1fa: {  	vm4 =	vlt.f32 v59, v35;
	vm2 =	vlt.f32 v23, v20;
	v23 =	vadd.s32 $0x20, v25  }
0x1fb: {  	v27 =	vsel vm4, v47, v27;
	v47 =	vsel vm4, v47, v40;
	v23 =	vsel vm2, v23, v25  }
0x1fc: {  	v26 =	vadd.s32 $0xFFFFFFFF, v26;
	v63 =	vsub.f32 v29, v58;
	v58 =	vadd.s32 $0xF, v23  }
0x1fd: {  	v1 =	vadd.s32 $0x1, v1;
	v25 =	vsel vm4, v59, v35;
	[tilespmem:$0x1FE00] =	vst v10;
	v36 =	vsub.f32 v33, v36  }
0x1fe: {  	v22 =	vsel vm4, v22, v40;
	v10 =	vsel vm7, v42, v11;
	[tilespmem:v37+s14+$0x0] =	vst.idx.msk $0xffff, v25;
	v25 =	vor.u32 $0x5, v7  }
0x1ff: {  	v62 =	vld.idx.msk [tilespmem:v57+s4+$0x0], $0xffff;
	v37 =	vor.u32 $0xF, v34;
	v60 =	vand.u32 $0x7FFFFFFF, v63;
	v36 =	vand.u32 $0x7FFFFFFF, v36  }
0x200: {  	v63 =	vld.idx.msk [tilespmem:v47+s4+$0x0], $0xffff;
	v47 =	vadd.s32 $0xFFFFFFFF, v10;
	v52 =	vsel vm5, v36, v52;
	v6 =	vsel vm5, v6, v36  }
0x201: {  	v43 =	vsel vm7, v60, v43;
	v0 =	vsel vm7, v0, v60;
	v40 =	vld.idx.msk [tilespmem:v58+s4+$0x0], $0xffff;
	vm5 =	vlt.f32 v52, v6  }
0x202: {  	vm3 =	vlt.f32 v43, v0;
	v36 =	vadd.s32 $0x1, v28;
	v1 =	vsel vm5, v26, v1  }
0x203: {  	v57 =	vsel vm3, v47, v36  }
0x204: {  	v51 =	vadd.s32 $0x20, v9;
	vm6 =	vlt.f32 v62, v18;
	v60 =	vsel vm3, v43, v0  }
0x205: {  	v26 =	vsel vm6, v51, v9;
	[tilespmem:v25+s14+$0x0] =	vst.idx.msk $0xffff, v60;
	v25 =	vsel vm5, v52, v6  }
0x206: {  	v58 =	vadd.s32 $0x10, v23;
	v9 =	vsub.f32 v31, v63;
	[tilespmem:v37+s14+$0x0] =	vst.idx.msk $0xffff, v25;
	vm6 =	vlt.f32 v40, v20  }
0x207: {  	v23 =	vsel vm6, v58, v23;
	v1 =	vld.idx.msk [tilespmem:v1+s4+$0x0], $0xffff  }
0x208: {  	v9 =	vand.u32 $0x7FFFFFFF, v9;
	v54 =	vld.idx.msk [tilespmem:v57+s4+$0x0], $0xffff;
	v25 =	vadd.s32 $0x7, v23  }
0x209: {  	v37 =	vsel vm4, v9, v59;
	v35 =	vsel vm4, v35, v9;
	v9 =	vld [tilespmem:$0x1FED0];
	_ =	sdelay $0x1  }
0x20a: {  	v49 =	vadd.s32 $0xFFFFFFFF, v53;
	v50 =	vadd.s32 $0x1, v48  }
0x20b: {  	vm2 =	vlt.f32 v61, v21;
	v63 =	vadd.s32 $0xF, v26;
	v1 =	vsub.f32 v33, v1  }
0x20c: {  	v56 =	vsel vm2, v49, v50;
	v62 =	vsel vm2, v61, v21;
	v10 =	vsel vm3, v47, v10;
	v25 =	vld.idx.msk [tilespmem:v25+s4+$0x0], $0xffff  }
0x20d: {  	vm4 =	vlt.f32 v37, v35;
	v54 =	vsub.f32 v29, v54;
	v1 =	vand.u32 $0x7FFFFFFF, v1  }
0x20e: {  	v59 =	vsel vm5, v1, v52;
	v1 =	vsel vm5, v6, v1;
	v6 =	vor.u32 $0x6, v7  }
0x20f: {  	v28 =	vsel vm3, v28, v36;
	v60 =	vsel vm4, v37, v35;
	v54 =	vand.u32 $0x7FFFFFFF, v54  }
0x210: {  	[tilespmem:v9+s14+$0x0] =	vst.idx.msk $0xffff, v62;
	v62 =	vld.idx.msk [tilespmem:v63+s4+$0x0], $0xffff;
	v43 =	vsel vm3, v54, v43;
	v0 =	vsel vm3, v0, v54  }
0x211: {  	v63 =	vadd.s32 $0x8, v23;
	v58 =	vld.idx.msk [tilespmem:v56+s4+$0x0], $0xffff;
	vm3 =	vlt.f32 v43, v0;
	vm5 =	vlt.f32 v25, v20  }
0x212: {  	[tilespmem:v45+s14+$0x0] =	vst.idx.msk $0xffff, v60;
	v23 =	vsel vm5, v63, v23;
	v63 =	vsel vm3, v43, v0  }
0x213: {  	[tilespmem:v6+s14+$0x0] =	vst.idx.msk $0xffff, v63  }
0x214: {  	v55 =	vadd.s32 $0x1, v22;
	v48 =	vsel vm2, v48, v50;
	v50 =	vsel vm1, v38, v12;
	v12 =	vld [tilespmem:$0x1FEE0]  }
0x215: {  	v11 =	vadd.s32 $0xFFFFFFFF, v27;
	v36 =	vadd.s32 $0xFFFFFFFF, v10;
	v42 =	vadd.s32 $0x1, v28  }
0x216: {  	v27 =	vsel vm4, v11, v27;
	v11 =	vsel vm4, v11, v55;
	v60 =	vsub.f32 v8, v58  }
0x217: {  	v25 =	vsel vm3, v36, v42  }
0x218: {  	v33 =	vand.u32 $0x7FFFFFFF, v60  }
0x219: {  	v6 =	vsel vm2, v33, v61;
	v21 =	vsel vm2, v21, v33  }
0x21a: {  	v49 =	vsel vm2, v49, v53;
	vm2 =	vlt.f32 v6, v21  }
0x21b: {  	v11 =	vld.idx.msk [tilespmem:v11+s4+$0x0], $0xffff;
	v58 =	vsel vm2, v6, v21  }
0x21c: {  	v25 =	vld.idx.msk [tilespmem:v25+s4+$0x0], $0xffff;
	[tilespmem:v12+s14+$0x0] =	vst.idx.msk $0xffff, v58  }
0x21d: {  	v12 =	vld [tilespmem:$0x1FFD0];
	_ =	sdelay $0x2  }
0x21e: {  	v47 =	vadd.s32 $0x1, v48;
	v11 =	vsub.f32 v31, v11;
	v15 =	vld [tilespmem:$0x1FE10]  }
0x21f: {  	v40 =	vsel vm1, v38, v17;
	v22 =	vsel vm4, v22, v55;
	v55 =	vadd.s32 $0xFFFFFFFF, v49  }
0x220: {  	v11 =	vand.u32 $0x7FFFFFFF, v11;
	v60 =	vsel vm2, v55, v47;
	v25 =	vsub.f32 v29, v25  }
0x221: {  	v63 =	vor.u32 $0x7, v7;
	v33 =	vsel vm4, v11, v37;
	v11 =	vsel vm4, v35, v11  }
0x222: {  	v10 =	vsel vm3, v36, v10;
	vm4 =	vlt.f32 v33, v11;
	v25 =	vand.u32 $0x7FFFFFFF, v25  }
0x223: {  	v37 =	vsel vm3, v25, v43;
	v0 =	vsel vm3, v0, v25;
	[tilespmem:v12+s14+$0x0] =	vst.idx.msk $0xffff, v15  }
0x224: {  	v28 =	vsel vm3, v28, v42;
	v61 =	vsel vm4, v33, v11;
	vm3 =	vlt.f32 v37, v0;
	v35 =	vld.idx.msk [tilespmem:v40+s4+$0x0], $0xffff  }
0x225: {  	[tilespmem:v46+s14+$0x0] =	vst.idx.msk $0xffff, v61;
	v56 =	vld.idx.msk [tilespmem:v60+s4+$0x0], $0xffff;
	v60 =	vsel vm3, v37, v0  }
0x226: {  	[tilespmem:v63+s14+$0x0] =	vst.idx.msk $0xffff, v60  }
0x227: {  	v53 =	vadd.s32 $0xFFFFFFFF, v27;
	v57 =	vadd.s32 $0x1, v22;
	v12 =	vld [tilespmem:$0x1FE20]  }
0x228: {  	vm6 =	vlt.f32 v59, v1;
	vm7 =	vlt.f32 v62, v18;
	v62 =	vadd.s32 $0x3, v23  }
0x229: {  	v1 =	vsel vm6, v59, v1;
	v59 =	vsel vm4, v53, v57;
	v35 =	vsub.f32 v4, v35;
	_ =	sdelay $0x1  }
0x22a: {  	v35 =	vand.u32 $0x7FFFFFFF, v35  }
0x22b: {  	v38 =	vsel vm1, v35, v12;
	v12 =	vld [tilespmem:$0x1FE30]  }
0x22c: {  	v9 =	vor.u32 $0x10, v34;
	v34 =	vld.idx.msk [tilespmem:v62+s4+$0x0], $0xffff  }
0x22d: {  	v27 =	vsel vm4, v53, v27;
	v53 =	vld.idx.msk [tilespmem:v59+s4+$0x0], $0xffff;
	_ =	sdelay $0x1  }
0x22e: {  	v44 =	vadd.s32 $0x10, v26  }
0x22f: {  	v51 =	vsel vm1, v39, v17;
	v26 =	vsel vm7, v44, v26;
	v39 =	vsel vm1, v12, v35;
	v12 =	vld [tilespmem:$0x1FE40]  }
0x230: {  	v44 =	vadd.s32 $0x7, v26  }
0x231: {  	vm5 =	vlt.f32 v34, v20;
	v34 =	vsub.f32 v31, v53;
	_ =	sdelay $0x1  }
0x232: {  	v34 =	vand.u32 $0x7FFFFFFF, v34  }
0x233: {  	v33 =	vsel vm4, v34, v33;
	v11 =	vsel vm4, v11, v34  }
0x234: {  	v22 =	vsel vm4, v22, v57;
	v44 =	vld.idx.msk [tilespmem:v44+s4+$0x0], $0xffff;
	vm4 =	vlt.f32 v33, v11  }
0x235: {  	v42 =	vadd.s32 $0x1, v28;
	v53 =	vsel vm4, v33, v11  }
0x236: {  	v62 =	vadd.s32 $0x4, v23;
	v25 =	vadd.s32 $0xFFFFFFFF, v10;
	v36 =	vsub.f32 v8, v56;
	[tilespmem:v12+s14+$0x0] =	vst.idx.msk $0xffff, v53  }
0x237: {  	v49 =	vsel vm2, v55, v49;
	v23 =	vsel vm5, v62, v23;
	v57 =	vsel vm3, v25, v42;
	v12 =	vld [tilespmem:$0x1FEF0]  }
0x238: {  	v46 =	vsel vm2, v48, v47;
	v58 =	vadd.s32 $0x1, v23;
	v36 =	vand.u32 $0x7FFFFFFF, v36  }
0x239: {  	vm6 =	vlt.f32 v44, v18;
	v6 =	vsel vm2, v36, v6;
	v21 =	vsel vm2, v21, v36  }
0x23a: {  	v44 =	vadd.s32 $0xFFFFFFFF, v49;
	v47 =	vadd.s32 $0x1, v46;
	vm2 =	vlt.f32 v6, v21  }
0x23b: {  	v63 =	vsel vm2, v44, v47  }
0x23c: {  	v43 =	vld.idx.msk [tilespmem:v57+s4+$0x0], $0xffff  }
0x23d: {  	v61 =	vld.idx.msk [tilespmem:v58+s4+$0x0], $0xffff  }
0x23e: {  	v45 =	vadd.s32 $0x8, v26;
	v56 =	vsel vm2, v6, v21  }
0x23f: {  	v26 =	vsel vm6, v45, v26;
	[tilespmem:v12+s14+$0x0] =	vst.idx.msk $0xffff, v56  }
0x240: {  	v59 =	vadd.s32 $0x3, v26;
	v35 =	vld.idx.msk [tilespmem:v63+s4+$0x0], $0xffff  }
0x241: {  	v54 =	vadd.s32 $0xFFFFFFFF, v27;
	v55 =	vadd.s32 $0x1, v22;
	v43 =	vsub.f32 v29, v43  }
0x242: {  	v62 =	vsel vm4, v54, v55;
	vm1 =	vlt.f32 v61, v20;
	v61 =	vor.u32 $0x8, v7  }
0x243: {  	v10 =	vsel vm3, v25, v10;
	v25 =	vand.u32 $0x7FFFFFFF, v43  }
0x244: {  	v28 =	vsel vm3, v28, v42;
	v37 =	vsel vm3, v25, v37;
	v0 =	vsel vm3, v0, v25  }
0x245: {  	v58 =	vld.idx.msk [tilespmem:v59+s4+$0x0], $0xffff;
	v59 =	vadd.s32 $0x2, v23;
	vm3 =	vlt.f32 v37, v0;
	v35 =	vsub.f32 v8, v35  }
0x246: {  	v23 =	vsel vm1, v59, v23;
	v59 =	vsel vm3, v37, v0  }
0x247: {  	v60 =	vld.idx.msk [tilespmem:v62+s4+$0x0], $0xffff;
	[tilespmem:v61+s14+$0x0] =	vst.idx.msk $0xffff, v59;
	v35 =	vand.u32 $0x7FFFFFFF, v35  }
0x248: {  	v43 =	vsel vm2, v46, v47;
	v47 =	vsel vm2, v35, v6;
	v6 =	vld [tilespmem:$0x1FFE0];
	_ =	sdelay $0x2  }
0x249: {  	v48 =	vadd.s32 $0x4, v26  }
0x24a: {  	v42 =	vadd.s32 $0x1, v28;
	v25 =	vadd.s32 $0xFFFFFFFF, v10;
	v34 =	vsub.f32 v31, v60  }
0x24b: {  	v22 =	vsel vm4, v22, v55;
	vm1 =	vlt.f32 v58, v18;
	v62 =	vsel vm3, v25, v42  }
0x24c: {  	v26 =	vsel vm1, v48, v26;
	vm1 =	vlt.f32 v38, v39;
	v34 =	vand.u32 $0x7FFFFFFF, v34  }
0x24d: {  	v55 =	vsel vm4, v11, v34;
	v11 =	vsel vm1, v38, v39;
	[tilespmem:v9+s14+$0x0] =	vst.idx.msk $0xffff, v1  }
0x24e: {  	[tilespmem:v6+s14+$0x0] =	vst.idx.msk $0xffff, v11  }
0x24f: {  	v9 =	vld [tilespmem:$0x1FE50]  }
0x250: {  	v62 =	vld.idx.msk [tilespmem:v62+s4+$0x0], $0xffff;
	_ =	sdelay $0x3  }
0x251: {  	v57 =	vadd.s32 $0x1, v51;
	v27 =	vsel vm4, v54, v27;
	v56 =	vsel vm4, v34, v33  }
0x252: {  	v53 =	vadd.s32 $0xFFFFFFFF, v27;
	vm4 =	vlt.f32 v56, v55;
	v33 =	vsub.f32 v29, v62  }
0x253: {  	v60 =	vadd.s32 $0x1, v26;
	v51 =	vsel vm4, v53, v27;
	v27 =	vsel vm4, v56, v55  }
0x254: {  	v45 =	vadd.s32 $0xFFFFFFFF, v50;
	v61 =	vld.idx.msk [tilespmem:v23+s4+$0x0], $0xffff;
	[tilespmem:v9+s14+$0x0] =	vst.idx.msk $0xffff, v27;
	v9 =	vand.u32 $0x7FFFFFFF, v33  }
0x255: {  	v45 =	vsel vm1, v45, v57;
	v58 =	vsel vm3, v0, v9;
	v0 =	vld [tilespmem:$0x1FE60]  }
0x256: {  	v16 =	vimm.s32 $0x0;
	v44 =	vsel vm2, v44, v49;
	v49 =	vadd.s32 $0x1, v22  }
0x257: {  	v40 =	vadd.s32 $0x1, v43;
	v59 =	vsel vm3, v25, v10;
	v48 =	vsel vm2, v21, v35  }
0x258: {  	v63 =	vadd.s32 $0xFFFFFFFF, v44;
	v36 =	vld.idx.msk [tilespmem:v60+s4+$0x0], $0xffff;
	vm2 =	vlt.f32 v47, v48;
	v11 =	vsel vm4, v53, v49  }
0x259: {  	vm5 =	vlt.f32 v61, v20;
	v49 =	vsel vm4, v22, v49;
	v22 =	vsel vm2, v63, v40  }
0x25a: {  	v60 =	vsel vm3, v28, v42;
	v62 =	vadd.s32 $0xFFFFFFFF, v59;
	v34 =	vsel vm2, v43, v40;
	v40 =	vld.idx.msk [tilespmem:v45+s4+$0x0], $0xffff  }
0x25b: {  	p3 =	por $0x1, $0x1;
	v61 =	vadd.s32 $0x1, v60;
	v21 =	vsel vm2, v47, v48;
	v35 =	vsel vm2, v63, v44  }
.Ltmp4:
0x25c: {  	v6 =	vadd.s32 $0x2, v26;
	v63 =	vsel vm5, $0x1, v16;
	v53 =	vadd.s32 $0xFFFFFFFF, v51;
	(pc) =	sbr.rel @!p3 .LBB2_10-.Ltmp4, $4  }
0x25d: {  	vm5 =	vlt.f32 v36, v18;
	v57 =	vsel vm3, v9, v37;
	v9 =	vld.idx.msk [tilespmem:v11+s4+$0x0], $0xffff;
	[tilespmem:v0+s14+$0x0] =	vst.idx.msk $0xffff, v21  }
0x25e: {  	v36 =	vadd.s32 $0x1, v34;
	v1 =	vadd.s32 v63, v23;
	v50 =	vadd.s32 $0x1, v49;
	v52 =	vld.idx.msk [tilespmem:v22+s4+$0x0], $0xffff  }
0x25f: {  	v63 =	vor.u32 $0x9, v7;
	v46 =	vsub.f32 v4, v40;
	vm3 =	vlt.f32 v57, v58;
	v15 =	vld [tilespmem:$0x1FEA0]  }
0x260: {  	p2 =	por $0x1, $0x1;
	s20 =	simm.s32 $0x6;
	v37 =	vadd.s32 $0xFFFFFFFF, v35;
	v10 =	vsel vm3, v62, v61;
	v0 =	vsel vm5, v6, v26;
	v45 =	vld [tilespmem:$0x1FFB0]  }
.LBB2_11:
0x261: {  	_ =	sdelay $0x1  }
0x262: {  	v22 =	vld.idx.msk [tilespmem:v1+s4+$0x0], $0xffff  }
0x263: {  	v6 =	vld.idx.msk [tilespmem:v2+s4+$0x0], $0xffff;
	s19 =	sadd.s32 $0x20, s19;
	v11 =	vsel vm3, v57, v58;
	v26 =	vsel vm3, v62, v59;
	v27 =	vsel vm3, v60, v61  }
0x264: {  	s18 =	sadd.s32 $0x20, s18;
	v12 =	vor.u32 $0xB, v7;
	v54 =	vld [tilespmem:s19+$0x0];
	v21 =	vand.u32 $0x7FFFFFFF, v46;
	[tilespmem:v63+s14+$0x0] =	vst.idx.msk $0xffff, v11;
	v46 =	vimm.s32 $0x0  }
0x265: {  	v42 =	vmovc v18;
	s21 =	sadd.s32 $0xFFFFFFF0, s18;
	v59 =	vadd.s32 $0x1, v27;
	v10 =	vld.idx.msk [tilespmem:v10+s4+$0x0], $0xffff;
	v18 =	vsub.f32 v8, v52;
	v9 =	vsub.f32 v31, v9  }
0x266: {  	v43 =	vsel vm1, v21, v38;
	v44 =	vsel vm1, v39, v21;
	v23 =	vmov s21  }
0x267: {  	vm5 =	vlt.f32 v22, v20;
	v11 =	vand.u32 $0x7FFFFFFF, v18;
	v9 =	vand.u32 $0x7FFFFFFF, v9  }
0x268: {  	v21 =	vld.idx.msk [tilespmem:v0+s4+$0x0], $0xffff;
	v38 =	vsel vm2, v11, v47;
	v39 =	vsel vm2, v48, v11;
	v56 =	vsel vm4, v9, v56  }
0x269: {  	v55 =	vsel vm4, v55, v9;
	v9 =	vmov s18;
	vm4 =	vlt.f32 v6, v54  }
0x26a: {  	v10 =	vsub.f32 v29, v10;
	vm1 =	vlt.f32 v38, v39;
	vm2 =	vlt.f32 v56, v55  }
0x26b: {  	v18 =	vld [tilespmem:s19+$0xFFFFFFF0];
	v9 =	vshll.u32 v9, $0x7;
	v22 =	vsel vm4, $0x410, v3;
	v11 =	vsel vm1, v38, v39  }
0x26c: {  	v25 =	vsel vm2, v56, v55;
	v52 =	vor.u32 v5, v9;
	v9 =	vsel vm5, $0x1, v46  }
0x26d: {  	v17 =	vadd.s32 $0x1FF, v22;
	vm5 =	vlt.f32 v21, v42;
	v4 =	vsel vm2, v53, v50;
	[tilespmem:v13+s14+$0x0] =	vst.idx.msk $0xffff, v11  }
0x26e: {  	v63 =	vadd.s32 v9, v1;
	v1 =	vand.u32 $0x7FFFFFFF, v10;
	[tilespmem:v30+s14+$0x0] =	vst.idx.msk $0xffff, v25;
	v25 =	vor.u32 $0xA, v7  }
0x26f: {  	v11 =	vadd.s32 $0xFFFFFFFF, v63;
	v28 =	vsel vm3, v1, v57;
	v47 =	vsel vm3, v58, v1  }
0x270: {  	v58 =	vadd.s32 $0xFFFFFFFF, v26;
	vm4 =	vlt.f32 v6, v18;
	vm3 =	vlt.f32 v28, v47  }
0x271: {  	v51 =	vsel vm2, v53, v51;
	v21 =	vsel vm4, $0x410, v3;
	v6 =	vsel vm3, v58, v59  }
0x272: {  	v2 =	vmovc v32;
	v9 =	vsel vm5, $0x1, v46;
	v1 =	vshll.u32 v23, $0x7;
	v23 =	vadd.s32 $0x1FF, v21;
	v40 =	vld.idx.msk [tilespmem:v17+s4+$0x0], $0xffff;
	[tilespmem:v52+s14+$0x0] =	vst.idx.msk $0xffff, v20  }
0x273: {  	[tilespmem:$0x1FFA0] =	vst v2;
	v53 =	vsel vm2, v49, v50;
	v33 =	vor.u32 $0x200, v22;
	v62 =	vadd.s32 v9, v0;
	v2 =	vld.idx.msk [tilespmem:v63+s4+$0x0], $0xffff  }
0x274: {  	[tilespmem:$0x1FFC0] =	vst v14;
	v60 =	vadd.s32 $0x1, v53;
	v9 =	vor.u32 v5, v1;
	v0 =	vsel vm3, v28, v47;
	v3 =	vld.idx.msk [tilespmem:v11+s4+$0x0], $0xffff  }
0x275: {  	v57 =	vadd.s32 $0xFFFFFFFF, v51;
	v13 =	vadd.s32 $0xFFFFFFFE, v63;
	v5 =	vor.u32 $0x6, v9;
	[tilespmem:v25+s14+$0x0] =	vst.idx.msk $0xffff, v0  }
0x276: {  	v14 =	vadd.s32 $0x1, v63;
	v30 =	vor.u32 $0x2, v52;
	[tilespmem:$0x1FDA0] =	vst v5;
	v5 =	vor.u32 $0x7, v9;
	v6 =	vld.idx.msk [tilespmem:v6+s4+$0x0], $0xffff  }
0x277: {  	v61 =	vor.u32 $0x200, v21;
	[tilespmem:$0x1FDB0] =	vst v5;
	v5 =	vor.u32 $0x8, v9;
	v23 =	vld.idx.msk [tilespmem:v23+s4+$0x0], $0xffff;
	vm4 =	vlt.f32 v40, v54  }
0x278: {  	v32 =	vor.u32 $0x1, v9;
	[tilespmem:$0x1FEB0] =	vst v5;
	v5 =	vor.u32 $0x1, v52;
	v40 =	vld.idx.msk [tilespmem:v62+s4+$0x0], $0xffff;
	v22 =	vsel vm4, v33, v22  }
0x279: {  	[tilespmem:v9+s14+$0x0] =	vst.idx.msk $0xffff, v42;
	v2 =	vsub.f32 v2, v20;
	v3 =	vsub.f32 v20, v3;
	v49 =	vadd.s32 $0xFF, v22  }
0x27a: {  	v1 =	vor.u32 $0x2, v9;
	v10 =	vor.u32 $0x3, v9;
	v26 =	vsel vm3, v58, v26;
	v4 =	vld.idx.msk [tilespmem:v4+s4+$0x0], $0xffff  }
0x27b: {  	v27 =	vsel vm3, v27, v59;
	v2 =	vand.u32 $0x7FFFFFFF, v2;
	v3 =	vand.u32 $0x7FFFFFFF, v3  }
0x27c: {  	v6 =	vsub.f32 v29, v6;
	vm5 =	vlt.f32 v23, v18;
	vm4 =	vlt.f32 v3, v2  }
0x27d: {  	[tilespmem:$0x1FDD0] =	vst v15;
	v21 =	vsel vm5, v61, v21;
	v15 =	vsel vm4, v13, v14;
	v23 =	vsel vm4, v3, v2  }
0x27e: {  	v16 =	vadd.s32 $0xFFFFFFFF, v26;
	vm5 =	vlt.f32 v40, v42;
	v33 =	vld.idx.msk [tilespmem:v49+s4+$0x0], $0xffff;
	[tilespmem:v5+s14+$0x0] =	vst.idx.msk $0xffff, v23;
	v5 =	vadd.s32 $0xFF, v21  }
0x27f: {  	v6 =	vand.u32 $0x7FFFFFFF, v6;
	v58 =	vsel vm5, $0x1, v46;
	v4 =	vsub.f32 v31, v4  }
0x280: {  	v28 =	vsel vm3, v6, v28;
	v6 =	vsel vm3, v47, v6;
	v62 =	vadd.s32 v58, v62  }
0x281: {  	v17 =	vadd.s32 $0x1, v27;
	vm3 =	vlt.f32 v28, v6;
	v19 =	vadd.s32 $0xFFFFFFFF, v62  }
0x282: {  	v4 =	vand.u32 $0x7FFFFFFF, v4;
	v47 =	vsel vm3, v16, v17;
	v59 =	vsel vm3, v28, v6;
	v15 =	vld.idx.msk [tilespmem:v15+s4+$0x0], $0xffff  }
0x283: {  	v58 =	vsel vm2, v55, v4;
	[tilespmem:v12+s14+$0x0] =	vst.idx.msk $0xffff, v59;
	v59 =	vsel vm2, v4, v56;
	v4 =	vld.idx.msk [tilespmem:v5+s4+$0x0], $0xffff  }
0x284: {  	v48 =	vor.u32 $0x5, v9;
	vm5 =	vlt.f32 v33, v54;
	v5 =	vor.u32 $0x100, v22;
	v33 =	vld [tilespmem:$0x1FDE0]  }
0x285: {  	v25 =	vor.u32 $0x9, v9;
	v11 =	vsel vm4, v13, v11;
	v5 =	vsel vm5, v5, v22;
	v22 =	vld.idx.msk [tilespmem:v62+s4+$0x0], $0xffff  }
0x286: {  	[tilespmem:$0x1FDC0] =	vst v24;
	v13 =	vsel vm4, v63, v14;
	v23 =	vor.u32 $0x100, v21;
	v24 =	vadd.s32 $0xFFFFFFFE, v62;
	v61 =	vld.idx.msk [tilespmem:v19+s4+$0x0], $0xffff  }
0x287: {  	v40 =	vmovc v8;
	v8 =	vadd.s32 $0x1, v62;
	v16 =	vsel vm3, v16, v26;
	v17 =	vsel vm3, v27, v17;
	v12 =	vld.idx.msk [tilespmem:v47+s4+$0x0], $0xffff  }
0x288: {  	v27 =	vadd.s32 $0x1, v17;
	vm2 =	vlt.f32 v59, v58;
	v15 =	vsub.f32 v20, v15  }
0x289: {  	v55 =	vsel vm2, v59, v58;
	v56 =	vadd.s32 $0x7F, v5;
	vm5 =	vlt.f32 v4, v18  }
0x28a: {  	v14 =	vand.u32 $0x7FFFFFFF, v15;
	v15 =	vadd.s32 $0x1, v13;
	v21 =	vsel vm5, v23, v21  }
0x28b: {  	v63 =	vsub.f32 v42, v61;
	v22 =	vsub.f32 v22, v42;
	v3 =	vsel vm4, v14, v3  }
0x28c: {  	v2 =	vsel vm4, v2, v14;
	v12 =	vsub.f32 v29, v12;
	v14 =	vadd.s32 $0xFFFFFFFF, v11  }
0x28d: {  	[tilespmem:v33+s14+$0x0] =	vst.idx.msk $0xffff, v55;
	v55 =	vor.u32 $0xC, v7;
	vm4 =	vlt.f32 v3, v2;
	v61 =	vand.u32 $0x7FFFFFFF, v63  }
0x28e: {  	v33 =	vmovc v25;
	v22 =	vand.u32 $0x7FFFFFFF, v22;
	v25 =	vsel vm4, v14, v15;
	v12 =	vand.u32 $0x7FFFFFFF, v12  }
0x28f: {  	v4 =	vsel vm4, v3, v2;
	vm5 =	vlt.f32 v61, v22;
	v26 =	vsel vm3, v12, v28  }
0x290: {  	v23 =	vld.idx.msk [tilespmem:v56+s4+$0x0], $0xffff;
	v6 =	vsel vm3, v6, v12;
	v12 =	vadd.s32 $0xFFFFFFFF, v16;
	[tilespmem:v30+s14+$0x0] =	vst.idx.msk $0xffff, v4;
	v4 =	vadd.s32 $0x7F, v21  }
0x291: {  	v19 =	vsel vm5, v24, v19;
	v24 =	vsel vm5, v24, v8;
	vm3 =	vlt.f32 v26, v6  }
0x292: {  	v50 =	vor.u32 $0xA, v9;
	v0 =	vor.u32 $0x4, v9;
	v28 =	vsel vm3, v12, v27  }
0x293: {  	v49 =	vor.u32 $0xB, v9;
	v51 =	vsel vm2, v57, v51;
	v53 =	vsel vm2, v53, v60  }
0x294: {  	v47 =	vor.u32 $0xC, v9;
	v63 =	vsel vm2, v57, v60;
	[tilespmem:$0x1FDE0] =	vst v33;
	v60 =	vsel vm5, v61, v22;
	v25 =	vld.idx.msk [tilespmem:v25+s4+$0x0], $0xffff  }
0x295: {  	v56 =	vadd.s32 $0x1, v53;
	v57 =	vor.u32 $0xD, v9;
	v33 =	vsel vm3, v26, v6;
	v4 =	vld.idx.msk [tilespmem:v4+s4+$0x0], $0xffff;
	[tilespmem:v32+s14+$0x0] =	vst.idx.msk $0xffff, v60  }
0x296: {  	v11 =	vsel vm4, v14, v11;
	v13 =	vsel vm4, v13, v15;
	[tilespmem:v55+s14+$0x0] =	vst.idx.msk $0xffff, v33;
	v15 =	vld.idx.msk [tilespmem:v24+s4+$0x0], $0xffff  }
0x297: {  	v30 =	vor.u32 $0x80, v21;
	v8 =	vsel vm5, v62, v8;
	v62 =	vor.u32 $0xD, v7;
	v28 =	vld.idx.msk [tilespmem:v28+s4+$0x0], $0xffff  }
0x298: {  	vm6 =	vlt.f32 v23, v54;
	v23 =	vor.u32 $0x80, v5;
	v12 =	vsel vm3, v12, v16  }
0x299: {  	v16 =	vsel vm3, v17, v27;
	v5 =	vsel vm6, v23, v5;
	v23 =	vsub.f32 v20, v25  }
0x29a: {  	v55 =	vadd.s32 $0xFFFFFFFF, v51;
	v33 =	vor.u32 $0x3, v52;
	v60 =	vadd.s32 $0xFFFFFFFF, v19;
	v25 =	vld.idx.msk [tilespmem:v63+s4+$0x0], $0xffff  }
0x29b: {  	v32 =	vadd.s32 $0x3F, v5;
	v14 =	vand.u32 $0x7FFFFFFF, v23;
	v15 =	vsub.f32 v42, v15  }
0x29c: {  	v3 =	vsel vm4, v14, v3;
	v2 =	vsel vm4, v2, v14;
	v14 =	vsub.f32 v29, v28  }
0x29d: {  	v24 =	vadd.s32 $0x1, v13;
	v23 =	vadd.s32 $0xFFFFFFFF, v11;
	vm7 =	vlt.f32 v3, v2  }
0x29e: {  	v15 =	vand.u32 $0x7FFFFFFF, v15;
	v28 =	vsel vm7, v23, v24;
	v14 =	vand.u32 $0x7FFFFFFF, v14  }
0x29f: {  	v25 =	vsub.f32 v31, v25;
	v61 =	vsel vm5, v15, v61;
	v15 =	vsel vm5, v22, v15  }
0x2a0: {  	v11 =	vsel vm7, v23, v11;
	v17 =	vsel vm3, v14, v26;
	v6 =	vsel vm3, v6, v14  }
0x2a1: {  	v14 =	vadd.s32 $0xFFFFFFFF, v12;
	v26 =	vadd.s32 $0x1, v16;
	vm4 =	vlt.f32 v17, v6  }
0x2a2: {  	vm3 =	vlt.f32 v4, v18;
	v4 =	vsel vm7, v3, v2;
	v27 =	vsel vm4, v14, v26  }
0x2a3: {  	v13 =	vsel vm7, v13, v24;
	v21 =	vsel vm3, v30, v21;
	v30 =	vld.idx.msk [tilespmem:v32+s4+$0x0], $0xffff;
	[tilespmem:v33+s14+$0x0] =	vst.idx.msk $0xffff, v4  }
0x2a4: {  	vm6 =	vlt.f32 v61, v15;
	v24 =	vadd.s32 $0xFFFFFFFF, v11;
	v4 =	vadd.s32 $0x3F, v21;
	v28 =	vld.idx.msk [tilespmem:v28+s4+$0x0], $0xffff  }
0x2a5: {  	v33 =	vadd.s32 $0x1, v8;
	v22 =	vand.u32 $0x7FFFFFFF, v25;
	v32 =	vsel vm4, v17, v6  }
0x2a6: {  	v19 =	vsel vm6, v60, v19;
	v63 =	vadd.s32 $0x40, v21;
	v60 =	vsel vm6, v60, v33;
	[tilespmem:v62+s14+$0x0] =	vst.idx.msk $0xffff, v32  }
0x2a7: {  	v8 =	vsel vm6, v8, v33;
	v12 =	vsel vm4, v14, v12;
	v14 =	vsel vm4, v16, v26;
	v25 =	vld.idx.msk [tilespmem:v27+s4+$0x0], $0xffff  }
0x2a8: {  	v59 =	vsel vm2, v22, v59;
	vm3 =	vlt.f32 v30, v54;
	v27 =	vsel vm6, v61, v15  }
0x2a9: {  	v33 =	vor.u32 $0xE, v7;
	v30 =	vadd.s32 $0x40, v5;
	v4 =	vld.idx.msk [tilespmem:v4+s4+$0x0], $0xffff;
	[tilespmem:v1+s14+$0x0] =	vst.idx.msk $0xffff, v27;
	v1 =	vsub.f32 v20, v28  }
0x2aa: {  	v58 =	vsel vm2, v58, v22;
	v26 =	vadd.s32 $0xFFFFFFFF, v12;
	v5 =	vsel vm3, v30, v5  }
0x2ab: {  	v32 =	vor.u32 $0xE, v9;
	v28 =	vadd.s32 $0x1F, v5;
	v23 =	vld.idx.msk [tilespmem:v60+s4+$0x0], $0xffff;
	v1 =	vand.u32 $0x7FFFFFFF, v1  }
0x2ac: {  	v3 =	vsel vm7, v1, v3;
	v2 =	vsel vm7, v2, v1;
	v1 =	vsub.f32 v29, v25  }
0x2ad: {  	v62 =	vadd.s32 $0x1, v8;
	v30 =	vor.u32 $0x4, v52;
	v27 =	vadd.s32 $0xFFFFFFFF, v19  }
0x2ae: {  	v25 =	vadd.s32 $0x1, v13;
	vm3 =	vlt.f32 v3, v2;
	v1 =	vand.u32 $0x7FFFFFFF, v1  }
0x2af: {  	v60 =	vsel vm3, v24, v25;
	v16 =	vsel vm4, v1, v17;
	v6 =	vsel vm4, v6, v1  }
0x2b0: {  	v23 =	vsub.f32 v42, v23;
	v17 =	vld.idx.msk [tilespmem:v28+s4+$0x0], $0xffff;
	v28 =	vadd.s32 $0x1, v14;
	vm5 =	vlt.f32 v16, v6  }
0x2b1: {  	v11 =	vsel vm3, v24, v11;
	vm4 =	vlt.f32 v4, v18;
	v4 =	vsel vm5, v26, v28  }
0x2b2: {  	v13 =	vsel vm3, v13, v25;
	v1 =	vsel vm3, v3, v2;
	v21 =	vsel vm4, v63, v21  }
0x2b3: {  	v24 =	vadd.s32 $0xFFFFFFFF, v11;
	[tilespmem:v30+s14+$0x0] =	vst.idx.msk $0xffff, v1;
	v1 =	vand.u32 $0x7FFFFFFF, v23;
	v30 =	vadd.s32 $0x1F, v21  }
0x2b4: {  	v22 =	vsel vm5, v16, v6;
	v23 =	vsel vm6, v1, v61;
	v15 =	vsel vm6, v15, v1;
	v60 =	vld.idx.msk [tilespmem:v60+s4+$0x0], $0xffff  }
0x2b5: {  	v25 =	vadd.s32 $0x1, v13;
	v63 =	vadd.s32 $0x20, v21;
	vm4 =	vlt.f32 v23, v15;
	[tilespmem:v33+s14+$0x0] =	vst.idx.msk $0xffff, v22  }
0x2b6: {  	v22 =	vsel vm4, v27, v62;
	vm2 =	vlt.f32 v17, v54;
	v17 =	vadd.s32 $0x20, v5;
	v4 =	vld.idx.msk [tilespmem:v4+s4+$0x0], $0xffff  }
0x2b7: {  	v1 =	vor.u32 $0xF, v9;
	v12 =	vsel vm5, v26, v12;
	v5 =	vsel vm2, v17, v5  }
0x2b8: {  	v14 =	vsel vm5, v14, v28;
	v17 =	vsel vm4, v23, v15;
	v30 =	vld.idx.msk [tilespmem:v30+s4+$0x0], $0xffff;
	v33 =	vadd.s32 $0xF, v5  }
0x2b9: {  	v61 =	vor.u32 $0xF, v7;
	[tilespmem:v10+s14+$0x0] =	vst.idx.msk $0xffff, v17;
	v17 =	vsel vm4, v27, v19;
	v19 =	vsub.f32 v20, v60  }
0x2ba: {  	v26 =	vld [tilespmem:$0x1FDF0];
	v8 =	vsel vm4, v8, v62;
	vm2 =	vlt.f32 v59, v58;
	v10 =	vor.u32 $0x10, v9  }
0x2bb: {  	v27 =	vadd.s32 $0x1, v8;
	v22 =	vld.idx.msk [tilespmem:v22+s4+$0x0], $0xffff;
	v19 =	vand.u32 $0x7FFFFFFF, v19;
	v4 =	vsub.f32 v29, v4  }
0x2bc: {  	v60 =	vor.u32 $0x5, v52;
	v3 =	vsel vm3, v19, v3;
	v2 =	vsel vm3, v2, v19  }
0x2bd: {  	v19 =	vld.idx.msk [tilespmem:v33+s4+$0x0], $0xffff;
	vm6 =	vlt.f32 v30, v18;
	vm3 =	vlt.f32 v3, v2;
	v4 =	vand.u32 $0x7FFFFFFF, v4  }
0x2be: {  	v33 =	vsel vm3, v24, v25;
	v11 =	vsel vm3, v24, v11;
	v16 =	vsel vm5, v4, v16  }
0x2bf: {  	v4 =	vsel vm5, v6, v4;
	v6 =	vadd.s32 $0xFFFFFFFF, v12;
	v12 =	vadd.s32 $0x1, v14  }
0x2c0: {  	v14 =	vsub.f32 v42, v22;
	v22 =	vsel vm3, v3, v2;
	vm5 =	vlt.f32 v16, v4  }
0x2c1: {  	v62 =	vadd.s32 $0x10, v5;
	v13 =	vsel vm3, v13, v25;
	[tilespmem:v60+s14+$0x0] =	vst.idx.msk $0xffff, v22;
	v6 =	vsel vm5, v6, v12  }
0x2c2: {  	v12 =	vsel vm6, v63, v21;
	v21 =	vsel vm2, v59, v58;
	vm6 =	vlt.f32 v19, v54  }
0x2c3: {  	v9 =	vadd.s32 $0xFFFFFFFF, v17;
	v30 =	vsel vm5, v16, v4;
	v14 =	vand.u32 $0x7FFFFFFF, v14;
	v19 =	vmovc v50;
	[tilespmem:v26+s14+$0x0] =	vst.idx.msk $0xffff, v21  }
0x2c4: {  	v21 =	vadd.s32 $0xF, v12;
	v5 =	vsel vm6, v62, v5;
	[tilespmem:$0x1FDF0] =	vst v19;
	v19 =	vsel vm4, v14, v23;
	v28 =	vld.idx.msk [tilespmem:v33+s4+$0x0], $0xffff  }
0x2c5: {  	v25 =	vadd.s32 $0xFFFFFFFF, v11;
	v14 =	vsel vm4, v15, v14;
	v15 =	vsel vm2, v55, v56;
	[tilespmem:v61+s14+$0x0] =	vst.idx.msk $0xffff, v30  }
0x2c6: {  	v63 =	vor.u32 $0x10, v7;
	v26 =	vadd.s32 $0x7, v5;
	vm4 =	vlt.f32 v19, v14;
	v6 =	vld.idx.msk [tilespmem:v6+s4+$0x0], $0xffff  }
0x2c7: {  	v7 =	vmovc v52;
	v22 =	vadd.s32 $0x10, v12;
	v17 =	vsel vm4, v9, v17;
	v9 =	vsel vm4, v9, v27  }
0x2c8: {  	v23 =	vsel vm2, v55, v51;
	v60 =	vor.u32 $0x6, v7;
	v62 =	vsel vm4, v19, v14  }
0x2c9: {  	v30 =	vsel vm2, v53, v56;
	v21 =	vld.idx.msk [tilespmem:v21+s4+$0x0], $0xffff;
	[tilespmem:v0+s14+$0x0] =	vst.idx.msk $0xffff, v62;
	v28 =	vsub.f32 v20, v28  }
0x2ca: {  	v56 =	vadd.s32 $0x8, v5;
	v50 =	vadd.s32 $0x1, v30;
	v0 =	vsel vm4, v8, v27;
	v15 =	vld.idx.msk [tilespmem:v15+s4+$0x0], $0xffff  }
0x2cb: {  	v8 =	vadd.s32 $0xFFFFFFFF, v17;
	v26 =	vld.idx.msk [tilespmem:v26+s4+$0x0], $0xffff;
	v24 =	vand.u32 $0x7FFFFFFF, v28;
	v6 =	vsub.f32 v29, v6  }
0x2cc: {  	v27 =	vadd.s32 $0xFFFFFFFF, v23;
	v9 =	vld.idx.msk [tilespmem:v9+s4+$0x0], $0xffff;
	v3 =	vsel vm3, v24, v3;
	v2 =	vsel vm3, v2, v24  }
0x2cd: {  	v28 =	vadd.s32 $0x1, v13;
	vm3 =	vlt.f32 v3, v2;
	v6 =	vand.u32 $0x7FFFFFFF, v6  }
0x2ce: {  	v61 =	vld [tilespmem:$0x1FF80];
	v29 =	vmovc v20;
	vm7 =	vlt.f32 v21, v18;
	v16 =	vsel vm5, v6, v16;
	v4 =	vsel vm5, v4, v6  }
0x2cf: {  	v20 =	vmovc v54;
	v12 =	vsel vm7, v22, v12;
	v15 =	vsub.f32 v31, v15;
	vm6 =	vlt.f32 v16, v4  }
0x2d0: {  	v22 =	vsel vm3, v3, v2;
	vm5 =	vlt.f32 v26, v20;
	v4 =	vsel vm6, v16, v4  }
0x2d1: {  	v9 =	vsub.f32 v42, v9;
	v5 =	vsel vm5, v56, v5;
	[tilespmem:v63+s14+$0x0] =	vst.idx.msk $0xffff, v4;
	v4 =	vadd.s32 $0x7, v12  }
0x2d2: {  	v6 =	vsel vm3, v25, v28;
	v15 =	vand.u32 $0x7FFFFFFF, v15;
	v16 =	vadd.s32 $0x3, v5  }
0x2d3: {  	v24 =	vsel vm2, v15, v59;
	v15 =	vsel vm2, v58, v15;
	v9 =	vand.u32 $0x7FFFFFFF, v9  }
0x2d4: {  	vm2 =	vlt.f32 v24, v15;
	v19 =	vsel vm4, v9, v19;
	v9 =	vsel vm4, v14, v9  }
0x2d5: {  	v33 =	vadd.s32 $0x1, v0;
	[tilespmem:v60+s14+$0x0] =	vst.idx.msk $0xffff, v22;
	v22 =	vsel vm1, v37, v36;
	v14 =	vsel vm2, v24, v15  }
0x2d6: {  	vm4 =	vlt.f32 v19, v9;
	v4 =	vld.idx.msk [tilespmem:v4+s4+$0x0], $0xffff;
	[tilespmem:v61+s14+$0x0] =	vst.idx.msk $0xffff, v14;
	v14 =	vsel vm2, v27, v50  }
0x2d7: {  	v6 =	vld.idx.msk [tilespmem:v6+s4+$0x0], $0xffff;
	v17 =	vsel vm4, v8, v17;
	v8 =	vsel vm4, v8, v33;
	_ =	sdelay $0x1  }
0x2d8: {  	v62 =	vsel vm4, v19, v9;
	v16 =	vld.idx.msk [tilespmem:v16+s4+$0x0], $0xffff  }
0x2d9: {  	v53 =	vor.u32 $0x7, v7;
	v11 =	vsel vm3, v25, v11;
	v22 =	vld.idx.msk [tilespmem:v22+s4+$0x0], $0xffff;
	[tilespmem:v48+s14+$0x0] =	vst.idx.msk $0xffff, v62  }
0x2da: {  	v13 =	vsel vm3, v13, v28;
	v21 =	vadd.s32 $0x8, v12;
	v52 =	vadd.s32 $0x4, v5;
	v14 =	vld.idx.msk [tilespmem:v14+s4+$0x0], $0xffff  }
0x2db: {  	v23 =	vsel vm2, v27, v23;
	v30 =	vsel vm2, v30, v50;
	v6 =	vsub.f32 v29, v6;
	v8 =	vld.idx.msk [tilespmem:v8+s4+$0x0], $0xffff  }
0x2dc: {  	v0 =	vsel vm4, v0, v33;
	v54 =	vadd.s32 $0xFFFFFFFF, v23;
	v25 =	vadd.s32 $0x1, v30  }
0x2dd: {  	vm5 =	vlt.f32 v16, v20;
	v6 =	vand.u32 $0x7FFFFFFF, v6;
	v16 =	vadd.s32 $0x1, v13  }
0x2de: {  	v3 =	vsel vm3, v6, v3;
	vm6 =	vlt.f32 v4, v18;
	v22 =	vsub.f32 v40, v22  }
0x2df: {  	v58 =	vld [tilespmem:$0x1FDA0];
	v2 =	vsel vm3, v2, v6;
	v12 =	vsel vm6, v21, v12;
	v14 =	vsub.f32 v31, v14  }
0x2e0: {  	v59 =	vld [tilespmem:$0x1FF90];
	v28 =	vadd.s32 $0x3, v12;
	v8 =	vsub.f32 v42, v8;
	v22 =	vand.u32 $0x7FFFFFFF, v22  }
0x2e1: {  	v38 =	vsel vm1, v22, v38;
	v39 =	vsel vm1, v39, v22;
	v14 =	vand.u32 $0x7FFFFFFF, v14  }
0x2e2: {  	v8 =	vand.u32 $0x7FFFFFFF, v8;
	v22 =	vsel vm2, v14, v24;
	v14 =	vsel vm2, v15, v14  }
0x2e3: {  	v19 =	vsel vm4, v8, v19;
	v8 =	vsel vm4, v9, v8;
	vm4 =	vlt.f32 v22, v14  }
0x2e4: {  	v6 =	vadd.s32 $0xFFFFFFFF, v11;
	v4 =	vsel vm5, v52, v5;
	v24 =	vsel vm4, v54, v25  }
0x2e5: {  	vm3 =	vlt.f32 v3, v2;
	v21 =	vadd.s32 $0x1, v4;
	vm2 =	vlt.f32 v19, v8  }
0x2e6: {  	v5 =	vsel vm3, v6, v16;
	v15 =	vld.idx.msk [tilespmem:v28+s4+$0x0], $0xffff;
	v28 =	vsel vm2, v19, v8  }
0x2e7: {  	v9 =	vsel vm4, v22, v14;
	[tilespmem:v58+s14+$0x0] =	vst.idx.msk $0xffff, v28  }
0x2e8: {  	v56 =	vsel vm3, v3, v2;
	[tilespmem:v59+s14+$0x0] =	vst.idx.msk $0xffff, v9  }
0x2e9: {  	v6 =	vsel vm3, v6, v11;
	[tilespmem:v53+s14+$0x0] =	vst.idx.msk $0xffff, v56;
	v11 =	vld.idx.msk [tilespmem:v24+s4+$0x0], $0xffff  }
0x2ea: {  	v63 =	vadd.s32 $0xFFFFFFFF, v17;
	v27 =	vadd.s32 $0x1, v0;
	v21 =	vld.idx.msk [tilespmem:v21+s4+$0x0], $0xffff  }
0x2eb: {  	v5 =	vld.idx.msk [tilespmem:v5+s4+$0x0], $0xffff;
	v33 =	vsel vm2, v63, v27  }
0x2ec: {  	v34 =	vsel vm1, v34, v36;
	v26 =	vsel vm1, v37, v35  }
0x2ed: {  	v34 =	vadd.s32 $0x1, v34;
	v26 =	vadd.s32 $0xFFFFFFFF, v26  }
0x2ee: {  	vm5 =	vlt.f32 v43, v44;
	v55 =	vadd.s32 $0x4, v12;
	v11 =	vsub.f32 v31, v11  }
0x2ef: {  	v9 =	vsel vm4, v30, v25;
	vm1 =	vlt.f32 v21, v20;
	v21 =	vadd.s32 $0x2, v4  }
0x2f0: {  	v5 =	vsub.f32 v29, v5;
	v4 =	vsel vm1, v21, v4;
	v21 =	vld.idx.msk [tilespmem:v33+s4+$0x0], $0xffff;
	v11 =	vand.u32 $0x7FFFFFFF, v11  }
0x2f1: {  	v30 =	vmovc v47;
	vm1 =	vlt.f32 v15, v18;
	v47 =	vsel vm4, v11, v22;
	v48 =	vsel vm4, v14, v11;
	v11 =	vld [tilespmem:$0x1FDD0]  }
0x2f2: {  	v13 =	vsel vm3, v13, v16;
	v12 =	vsel vm1, v55, v12;
	vm1 =	vlt.f32 v38, v39  }
0x2f3: {  	v25 =	vor.u32 $0x8, v7;
	v5 =	vand.u32 $0x7FFFFFFF, v5;
	v61 =	vsel vm1, v38, v39  }
0x2f4: {  	v16 =	vadd.s32 $0x1, v13;
	v3 =	vsel vm3, v5, v3;
	[tilespmem:v45+s14+$0x0] =	vst.idx.msk $0xffff, v61;
	v45 =	vmovc v41;
	v41 =	vmov v1;
	v1 =	vld [tilespmem:$0x1FDB0]  }
0x2f5: {  	v2 =	vsel vm3, v2, v5;
	v5 =	vadd.s32 $0xFFFFFFFF, v6;
	v60 =	vadd.s32 $0x1, v12  }
0x2f6: {  	v26 =	vsel vm1, v26, v34;
	vm3 =	vlt.f32 v3, v2;
	v21 =	vsub.f32 v42, v21  }
0x2f7: {  	v17 =	vsel vm2, v63, v17;
	v15 =	vsel vm3, v5, v16;
	v62 =	vsel vm3, v3, v2  }
0x2f8: {  	v63 =	vld.idx.msk [tilespmem:v4+s4+$0x0], $0xffff;
	[tilespmem:v25+s14+$0x0] =	vst.idx.msk $0xffff, v62;
	v25 =	vsel vm5, v43, v44;
	v21 =	vand.u32 $0x7FFFFFFF, v21  }
0x2f9: {  	v56 =	vsel vm2, v21, v19;
	v55 =	vsel vm2, v8, v21;
	[tilespmem:v11+s14+$0x0] =	vst.idx.msk $0xffff, v25  }
0x2fa: {  	v23 =	vsel vm4, v54, v23;
	vm4 =	vlt.f32 v56, v55;
	v11 =	vld.idx.msk [tilespmem:v60+s4+$0x0], $0xffff  }
0x2fb: {  	v21 =	vsel vm4, v56, v55;
	v19 =	vld.idx.msk [tilespmem:v26+s4+$0x0], $0xffff  }
0x2fc: {  	[tilespmem:v1+s14+$0x0] =	vst.idx.msk $0xffff, v21;
	v1 =	vld [tilespmem:$0x1FDC0]  }
0x2fd: {  	v0 =	vsel vm2, v0, v27  }
0x2fe: {  	v27 =	vadd.s32 $0xFFFFFFFF, v17;
	v28 =	vadd.s32 $0x1, v0;
	v15 =	vld.idx.msk [tilespmem:v15+s4+$0x0], $0xffff  }
0x2ff: {  	[tilespmem:$0x1FF90] =	vst v30;
	v30 =	vadd.s32 $0x1, v9;
	v24 =	vadd.s32 $0xFFFFFFFF, v23;
	v59 =	vsel vm3, v5, v6  }
0x300: {  	v51 =	vmovc v49;
	v36 =	vadd.s32 $0x2, v12;
	v62 =	vadd.s32 $0xFFFFFFFF, v59;
	vm5 =	vlt.f32 v63, v20  }
0x301: {  	[tilespmem:$0x1FF80] =	vst v51;
	v63 =	vor.u32 $0x9, v7;
	vm2 =	vlt.f32 v47, v48;
	v51 =	vsel vm4, v27, v17  }
0x302: {  	v17 =	vsel vm4, v27, v28;
	v49 =	vsel vm4, v0, v28;
	v8 =	vsel vm2, v47, v48  }
0x303: {  	v14 =	vsel vm2, v24, v30;
	v53 =	vadd.s32 $0xFFFFFFFF, v51;
	v0 =	vsub.f32 v29, v15  }
0x304: {  	s20 =	sadd.s32 $0x2, s20;
	v35 =	vsel vm2, v24, v23;
	v50 =	vadd.s32 $0x1, v49;
	[tilespmem:v1+s14+$0x0] =	vst.idx.msk $0xffff, v8;
	v1 =	vsel vm5, $0x1, v46;
	v8 =	vld [tilespmem:$0x1FFC0]  }
0x305: {  	p3 =	slt.u32 s20, $0x1E;
	v34 =	vsel vm2, v9, v30;
	v6 =	vand.u32 $0x7FFFFFFF, v0;
	v1 =	vadd.s32 v1, v4;
	v4 =	vld [tilespmem:$0x1FE00]  }
.Ltmp5:
0x306: {  	v5 =	vld [tilespmem:$0x1FFF0];
	v24 =	vmovc v57;
	v57 =	vsel vm3, v6, v3;
	v58 =	vsel vm3, v2, v6;
	v60 =	vsel vm3, v13, v16;
	(pc) =	sbr.rel @p3 .LBB2_11-.Ltmp5, $4  }
0x307: {  	v30 =	vld [tilespmem:$0x1FEB0];
	v37 =	vadd.s32 $0xFFFFFFFF, v35;
	vm3 =	vlt.f32 v57, v58;
	v61 =	vadd.s32 $0x1, v60  }
0x308: {  	v3 =	vimm.s32 $0x10;
	v0 =	vmovc v10;
	v13 =	vld [tilespmem:$0x1FFA0];
	v10 =	vsel vm3, v62, v61;
	vm5 =	vlt.f32 v11, v18  }
0x309: {  	v2 =	vimm.s32 $0x40F;
	v46 =	vsub.f32 v40, v19;
	v52 =	vld.idx.msk [tilespmem:v14+s4+$0x0], $0xffff;
	[tilespmem:$0x1FE00] =	vst v0;
	v0 =	vsel vm5, v36, v12  }
0x30a: {  	v9 =	vld.idx.msk [tilespmem:v17+s4+$0x0], $0xffff;
	v36 =	vadd.s32 $0x1, v34;
	v15 =	vmovc v8;
	v8 =	vmovc v31;
	v31 =	vmov v42;
	v14 =	vmov v4  }
0x30b: {  	[tilespmem:$0x1FDD0] =	vst v15  }
0x30c: {  	[tilespmem:$0x1FE80] =	vst v45;
	v2 =	vld [tilespmem:$0x1FE00]  }
0x30d: {  	[tilespmem:$0x1FE90] =	vst v14  }
0x30e: {  	[tilespmem:$0x1FFA0] =	vst v32  }
0x30f: {  	[tilespmem:$0x1FFB0] =	vst v41  }
0x310: {  	v44 =	vld [tilespmem:$0x1FDE0];
	[tilespmem:$0x1FE70] =	vst v13  }
0x311: {  	v43 =	vld [tilespmem:$0x1FDF0];
	v54 =	vmovc v8;
	v42 =	vmovc v31;
	v32 =	vmov v29;
	v6 =	vimm.s32 $0x0;
	v45 =	vmov v24;
	[tilespmem:$0x1FFC0] =	vst v2  }
.LBB2_13:
0x312: {  	_ =	sdelay $0x3  }
0x313: {  	v2 =	vld.idx.msk [tilespmem:v0+s4+$0x0], $0xffff;
	_ =	sdelay $0x4  }
0x314: {  	vm5 =	vlt.f32 v2, v18  }
0x315: {  	v2 =	vsel vm5, $0x1, v6  }
0x316: {  	v0 =	vadd.s32 v2, v0;
	v2 =	vld.idx.msk [tilespmem:v1+s4+$0x0], $0xffff;
	_ =	sdelay $0x1  }
0x317: {  	s18 =	sadd.s32 @p0 $0x20, s18  }
0x318: {  	s17 =	smov.u32 @p0 s18  }
0x319: {  	v4 =	vmov s17  }
0x31a: {  	v4 =	vshll.u32 v4, $0x7;
	v3 =	vld.idx.msk [tilespmem:v0+s4+$0x0], $0xffff;
	vm9 =	vlt.f32 v2, v20  }
0x31b: {  	v31 =	vor.u32 v5, v4;
	v2 =	vsel vm9, $0x1, v6  }
0x31c: {  	v1 =	vadd.s32 v2, v1  }
0x31d: {  	s17 =	sadd.s32 $0xFFFFFFF0, s17;
	v2 =	vadd.s32 $0xFFFFFFFF, v1  }
0x31e: {  	v4 =	vmov s17  }
0x31f: {  	v4 =	vshll.u32 v4, $0x7;
	vm10 =	vlt.f32 v3, v18  }
0x320: {  	v29 =	vor.u32 v5, v4;
	[tilespmem:v31+s14+$0x0] =	vst.idx.msk $0xffff, v20;
	v3 =	vsel vm10, $0x1, v6  }
0x321: {  	v0 =	vadd.s32 v3, v0;
	v4 =	vld.idx.msk [tilespmem:v1+s4+$0x0], $0xffff  }
0x322: {  	v3 =	vadd.s32 $0xFFFFFFFF, v0;
	v5 =	vld.idx.msk [tilespmem:v2+s4+$0x0], $0xffff;
	_ =	sdelay $0x2  }
0x323: {  	[tilespmem:v29+s14+$0x0] =	vst.idx.msk $0xffff, v18  }
0x324: {  	v33 =	vld.idx.msk [tilespmem:v0+s4+$0x0], $0xffff  }
0x325: {  	v4 =	vsub.f32 v4, v20;
	v8 =	vld.idx.msk [tilespmem:v3+s4+$0x0], $0xffff;
	v5 =	vsub.f32 v20, v5;
	_ =	sdelay $0x1  }
0x326: {  	v11 =	vor.u32 $0x1, v31;
	v4 =	vand.u32 $0x7FFFFFFF, v4;
	v5 =	vand.u32 $0x7FFFFFFF, v5  }
0x327: {  	v12 =	vadd.s32 $0xFFFFFFFE, v1;
	v13 =	vadd.s32 $0x1, v1;
	vm11 =	vlt.f32 v5, v4  }
0x328: {  	v14 =	vsel vm11, v12, v13  }
0x329: {  	v6 =	vsub.f32 v33, v18;
	v8 =	vsub.f32 v18, v8  }
0x32a: {  	v15 =	vor.u32 $0x1, v29  }
0x32b: {  	v16 =	vsel vm11, v5, v4;
	v6 =	vand.u32 $0x7FFFFFFF, v6;
	v8 =	vand.u32 $0x7FFFFFFF, v8  }
0x32c: {  	v17 =	vadd.s32 $0xFFFFFFFE, v0;
	v19 =	vadd.s32 $0x1, v0;
	[tilespmem:v11+s14+$0x0] =	vst.idx.msk $0xffff, v16;
	vm6 =	vlt.f32 v8, v6  }
0x32d: {  	v40 =	vsel vm6, v17, v19;
	v14 =	vld.idx.msk [tilespmem:v14+s4+$0x0], $0xffff;
	_ =	sdelay $0x2  }
0x32e: {  	v41 =	vsel vm6, v8, v6  }
0x32f: {  	[tilespmem:v15+s14+$0x0] =	vst.idx.msk $0xffff, v41  }
0x330: {  	v11 =	vld.idx.msk [tilespmem:v40+s4+$0x0], $0xffff;
	v14 =	vsub.f32 v20, v14;
	_ =	sdelay $0x1  }
0x331: {  	v21 =	vor.u32 $0x2, v31;
	v2 =	vsel vm11, v12, v2;
	v14 =	vand.u32 $0x7FFFFFFF, v14  }
0x332: {  	v1 =	vsel vm11, v1, v13;
	v5 =	vsel vm11, v14, v5;
	v4 =	vsel vm11, v4, v14  }
0x333: {  	v22 =	vadd.s32 $0xFFFFFFFF, v2;
	v23 =	vadd.s32 $0x1, v1;
	vm12 =	vlt.f32 v5, v4  }
0x334: {  	v11 =	vsub.f32 v18, v11;
	v24 =	vsel vm12, v22, v23  }
0x335: {  	v25 =	vor.u32 $0x2, v29  }
0x336: {  	v3 =	vsel vm6, v17, v3;
	v0 =	vsel vm6, v0, v19;
	v11 =	vand.u32 $0x7FFFFFFF, v11  }
0x337: {  	v26 =	vsel vm12, v5, v4;
	v8 =	vsel vm6, v11, v8;
	v6 =	vsel vm6, v6, v11  }
0x338: {  	v17 =	vadd.s32 $0xFFFFFFFF, v3;
	v19 =	vadd.s32 $0x1, v0;
	[tilespmem:v21+s14+$0x0] =	vst.idx.msk $0xffff, v26;
	vm13 =	vlt.f32 v8, v6  }
0x339: {  	v27 =	vsel vm13, v17, v19;
	v15 =	vld.idx.msk [tilespmem:v24+s4+$0x0], $0xffff;
	_ =	sdelay $0x2  }
0x33a: {  	v28 =	vsel vm13, v8, v6  }
0x33b: {  	[tilespmem:v25+s14+$0x0] =	vst.idx.msk $0xffff, v28  }
0x33c: {  	v11 =	vld.idx.msk [tilespmem:v27+s4+$0x0], $0xffff;
	v33 =	vsub.f32 v20, v15;
	_ =	sdelay $0x1  }
0x33d: {  	v40 =	vor.u32 $0x3, v31;
	v2 =	vsel vm12, v22, v2;
	v12 =	vand.u32 $0x7FFFFFFF, v33  }
0x33e: {  	v1 =	vsel vm12, v1, v23;
	v5 =	vsel vm12, v12, v5;
	v4 =	vsel vm12, v4, v12  }
0x33f: {  	v13 =	vadd.s32 $0xFFFFFFFF, v2;
	v14 =	vadd.s32 $0x1, v1;
	vm14 =	vlt.f32 v5, v4  }
0x340: {  	v11 =	vsub.f32 v18, v11;
	v41 =	vsel vm14, v13, v14  }
0x341: {  	v22 =	vor.u32 $0x3, v29  }
0x342: {  	v3 =	vsel vm13, v17, v3;
	v0 =	vsel vm13, v0, v19;
	v11 =	vand.u32 $0x7FFFFFFF, v11  }
0x343: {  	v21 =	vsel vm14, v5, v4;
	v8 =	vsel vm13, v11, v8;
	v6 =	vsel vm13, v6, v11  }
0x344: {  	v23 =	vadd.s32 $0xFFFFFFFF, v3;
	v24 =	vadd.s32 $0x1, v0;
	[tilespmem:v40+s14+$0x0] =	vst.idx.msk $0xffff, v21;
	vm15 =	vlt.f32 v8, v6  }
0x345: {  	v15 =	vld.idx.msk [tilespmem:v41+s4+$0x0], $0xffff;
	v25 =	vsel vm15, v23, v24;
	_ =	sdelay $0x2  }
0x346: {  	v26 =	vsel vm15, v8, v6  }
0x347: {  	[tilespmem:v22+s14+$0x0] =	vst.idx.msk $0xffff, v26  }
0x348: {  	v27 =	vsub.f32 v20, v15;
	v28 =	vld.idx.msk [tilespmem:v25+s4+$0x0], $0xffff;
	_ =	sdelay $0x1  }
0x349: {  	v33 =	vor.u32 $0x4, v31;
	v2 =	vsel vm14, v13, v2;
	v11 =	vand.u32 $0x7FFFFFFF, v27  }
0x34a: {  	v1 =	vsel vm14, v1, v14;
	v5 =	vsel vm14, v11, v5;
	v4 =	vsel vm14, v4, v11  }
0x34b: {  	v13 =	vadd.s32 $0xFFFFFFFF, v2;
	v14 =	vadd.s32 $0x1, v1;
	vm5 =	vlt.f32 v5, v4  }
0x34c: {  	v15 =	vsub.f32 v18, v28;
	v40 =	vsel vm5, v13, v14  }
0x34d: {  	v21 =	vor.u32 $0x4, v29  }
0x34e: {  	v3 =	vsel vm15, v23, v3;
	v0 =	vsel vm15, v0, v24;
	v15 =	vand.u32 $0x7FFFFFFF, v15  }
0x34f: {  	v41 =	vsel vm5, v5, v4;
	v8 =	vsel vm15, v15, v8;
	v6 =	vsel vm15, v6, v15  }
0x350: {  	v22 =	vadd.s32 $0xFFFFFFFF, v3;
	v16 =	vadd.s32 $0x1, v0;
	[tilespmem:v33+s14+$0x0] =	vst.idx.msk $0xffff, v41;
	vm9 =	vlt.f32 v8, v6  }
0x351: {  	v11 =	vld.idx.msk [tilespmem:v40+s4+$0x0], $0xffff;
	v23 =	vsel vm9, v22, v16;
	_ =	sdelay $0x2  }
0x352: {  	v24 =	vsel vm9, v8, v6  }
0x353: {  	[tilespmem:v21+s14+$0x0] =	vst.idx.msk $0xffff, v24  }
0x354: {  	v11 =	vsub.f32 v20, v11;
	v12 =	vld.idx.msk [tilespmem:v23+s4+$0x0], $0xffff  }
0x355: {  	v19 =	vsel @p0 vm3, v57, v58  }
0x356: {  	v25 =	vor.u32 $0x5, v31;
	v2 =	vsel vm5, v13, v2;
	v11 =	vand.u32 $0x7FFFFFFF, v11  }
0x357: {  	v1 =	vsel vm5, v1, v14;
	v5 =	vsel vm5, v11, v5;
	v4 =	vsel vm5, v4, v11  }
0x358: {  	v13 =	vadd.s32 $0xFFFFFFFF, v2;
	v14 =	vadd.s32 $0x1, v1;
	vm5 =	vlt.f32 v5, v4  }
0x359: {  	[tilespmem:v63+s14+$0x0] =	vst.idx.msk @p0 $0xffff, v19;
	v26 =	vsel vm5, v13, v14;
	v12 =	vsub.f32 v18, v12  }
0x35a: {  	v10 =	vld.idx.msk @p0 [tilespmem:v10+s4+$0x0], $0xffff;
	v3 =	vsel vm9, v22, v3  }
0x35b: {  	v0 =	vsel vm9, v0, v16;
	v40 =	vor.u32 $0x5, v29;
	v28 =	vand.u32 $0x7FFFFFFF, v12  }
0x35c: {  	v27 =	vsel vm5, v5, v4;
	v8 =	vsel vm9, v28, v8;
	v6 =	vsel vm9, v6, v28  }
0x35d: {  	v15 =	vadd.s32 $0xFFFFFFFF, v3;
	v16 =	vadd.s32 $0x1, v0;
	[tilespmem:v25+s14+$0x0] =	vst.idx.msk $0xffff, v27;
	vm7 =	vlt.f32 v8, v6  }
0x35e: {  	v33 =	vld.idx.msk [tilespmem:v26+s4+$0x0], $0xffff;
	v41 =	vsel vm7, v15, v16  }
0x35f: {  	v10 =	vsub.f32 @p0 v32, v10  }
0x360: {  	v9 =	vsub.f32 @p0 v42, v9  }
0x361: {  	v10 =	vand.u32 @p0 $0x7FFFFFFF, v10;
	v22 =	vsel @p0 vm3, v60, v61;
	v21 =	vsel vm7, v8, v6  }
0x362: {  	v23 =	vor.u32 @p0 $0xA, v7;
	v2 =	vsel vm5, v13, v2;
	v1 =	vsel vm5, v1, v14;
	[tilespmem:v40+s14+$0x0] =	vst.idx.msk $0xffff, v21  }
0x363: {  	v25 =	vadd.s32 @p0 $0x1, v22;
	v12 =	vsel @p0 vm3, v62, v59;
	v11 =	vsub.f32 v20, v33;
	v17 =	vld.idx.msk [tilespmem:v41+s4+$0x0], $0xffff  }
0x364: {  	v24 =	vadd.s32 @p0 $0xFFFFFFFF, v12;
	v26 =	vadd.s32 $0x1, v1;
	v21 =	vsel @p0 vm3, v10, v57  }
0x365: {  	v10 =	vsel @p0 vm3, v58, v10;
	v57 =	vor.u32 $0x6, v31;
	v11 =	vand.u32 $0x7FFFFFFF, v11  }
0x366: {  	vm3 =	vlt.f32 @p0 v21, v10;
	v5 =	vsel vm5, v11, v5;
	v4 =	vsel vm5, v4, v11  }
0x367: {  	v58 =	vadd.s32 $0xFFFFFFFF, v2;
	v11 =	vsel @p0 vm3, v24, v25;
	vm10 =	vlt.f32 v5, v4  }
0x368: {  	v17 =	vsub.f32 v18, v17;
	v28 =	vsel vm10, v58, v26  }
0x369: {  	v9 =	vand.u32 @p0 $0x7FFFFFFF, v9;
	v61 =	vor.u32 $0x6, v29;
	v27 =	vsel @p0 vm3, v21, v10  }
0x36a: {  	v3 =	vsel vm7, v15, v3;
	v0 =	vsel vm7, v0, v16;
	[tilespmem:v23+s14+$0x0] =	vst.idx.msk @p0 $0xffff, v27;
	v59 =	vand.u32 $0x7FFFFFFF, v17  }
0x36b: {  	v60 =	vsel vm10, v5, v4;
	v8 =	vsel vm7, v59, v8;
	v6 =	vsel vm7, v6, v59  }
0x36c: {  	v62 =	vadd.s32 $0xFFFFFFFF, v3;
	v63 =	vadd.s32 $0x1, v0;
	[tilespmem:v57+s14+$0x0] =	vst.idx.msk $0xffff, v60;
	v11 =	vld.idx.msk @p0 [tilespmem:v11+s4+$0x0], $0xffff;
	vm11 =	vlt.f32 v8, v6  }
0x36d: {  	v19 =	vsel @p0 vm4, v9, v56;
	v9 =	vsel @p0 vm4, v55, v9;
	v15 =	vld.idx.msk [tilespmem:v28+s4+$0x0], $0xffff;
	v33 =	vsel vm11, v62, v63  }
0x36e: {  	vm5 =	vlt.f32 @p0 v19, v9  }
0x36f: {  	v17 =	vsel @p0 vm5, v53, v50  }
0x370: {  	v14 =	vor.u32 @p0 $0xB, v7;
	v12 =	vsel @p0 vm3, v24, v12;
	v40 =	vsel vm11, v8, v6  }
0x371: {  	v13 =	vsel @p0 vm3, v22, v25;
	v24 =	vadd.s32 @p0 $0xFFFFFFFF, v12;
	[tilespmem:v61+s14+$0x0] =	vst.idx.msk $0xffff, v40;
	v11 =	vsub.f32 @p0 v32, v11  }
0x372: {  	v16 =	vsel @p0 vm5, v19, v9;
	v28 =	vsel @p0 vm5, v53, v51;
	v41 =	vsub.f32 v20, v15;
	v51 =	vld.idx.msk [tilespmem:v33+s4+$0x0], $0xffff  }
0x373: {  	[tilespmem:v30+s14+$0x0] =	vst.idx.msk @p0 $0xffff, v16;
	v2 =	vsel vm10, v58, v2;
	v1 =	vsel vm10, v1, v26;
	v11 =	vand.u32 @p0 $0x7FFFFFFF, v11  }
0x374: {  	v17 =	vld.idx.msk @p0 [tilespmem:v17+s4+$0x0], $0xffff;
	v21 =	vsel @p0 vm3, v11, v21;
	v10 =	vsel @p0 vm3, v10, v11;
	v11 =	vand.u32 $0x7FFFFFFF, v41  }
0x375: {  	v55 =	vadd.s32 $0xFFFFFFFF, v2;
	v5 =	vsel vm10, v11, v5;
	v4 =	vsel vm10, v4, v11  }
0x376: {  	v56 =	vadd.s32 $0x1, v1;
	v53 =	vor.u32 $0x7, v31;
	vm6 =	vlt.f32 v5, v4  }
0x377: {  	v25 =	vadd.s32 @p0 $0x1, v13;
	v57 =	vsel vm6, v55, v56;
	v15 =	vsub.f32 v18, v51  }
0x378: {  	v60 =	vor.u32 $0x7, v29;
	v3 =	vsel vm11, v62, v3;
	v0 =	vsel vm11, v0, v63  }
0x379: {  	v61 =	vadd.s32 $0xFFFFFFFF, v3;
	v16 =	vsub.f32 @p0 v42, v17;
	v58 =	vand.u32 $0x7FFFFFFF, v15  }
0x37a: {  	v40 =	vsel vm6, v5, v4;
	v8 =	vsel vm11, v58, v8;
	v6 =	vsel vm11, v6, v58  }
0x37b: {  	v62 =	vadd.s32 $0x1, v0;
	v16 =	vand.u32 @p0 $0x7FFFFFFF, v16;
	[tilespmem:v53+s14+$0x0] =	vst.idx.msk $0xffff, v40;
	vm12 =	vlt.f32 v8, v6  }
0x37c: {  	v19 =	vsel @p0 vm5, v16, v19;
	v9 =	vsel @p0 vm5, v9, v16;
	v59 =	vld.idx.msk [tilespmem:v57+s4+$0x0], $0xffff;
	v63 =	vsel vm12, v61, v62  }
0x37d: {  	v33 =	vsel @p0 vm5, v49, v50;
	vm3 =	vlt.f32 @p0 v21, v10;
	vm5 =	vlt.f32 @p0 v19, v9  }
0x37e: {  	v30 =	vsel @p0 vm3, v24, v25;
	v41 =	vsel @p0 vm5, v19, v9  }
0x37f: {  	[tilespmem:v44+s14+$0x0] =	vst.idx.msk @p0 $0xffff, v41;
	v44 =	vsel vm12, v8, v6  }
0x380: {  	v11 =	vsel @p0 vm3, v21, v10;
	[tilespmem:v60+s14+$0x0] =	vst.idx.msk $0xffff, v44  }
0x381: {  	v50 =	vor.u32 $0x8, v31;
	[tilespmem:v14+s14+$0x0] =	vst.idx.msk @p0 $0xffff, v11;
	v11 =	vsub.f32 v20, v59;
	v49 =	vld.idx.msk [tilespmem:v63+s4+$0x0], $0xffff  }
0x382: {  	v12 =	vsel @p0 vm3, v24, v12;
	v14 =	vadd.s32 @p0 $0xFFFFFFFF, v28;
	v15 =	vadd.s32 @p0 $0x1, v33  }
0x383: {  	v2 =	vsel vm6, v55, v2;
	v16 =	vld.idx.msk @p0 [tilespmem:v30+s4+$0x0], $0xffff;
	v23 =	vsel @p0 vm5, v14, v15;
	v11 =	vand.u32 $0x7FFFFFFF, v11  }
0x384: {  	v1 =	vsel vm6, v1, v56;
	v5 =	vsel vm6, v11, v5;
	v4 =	vsel vm6, v4, v11  }
0x385: {  	v51 =	vadd.s32 $0xFFFFFFFF, v2;
	v53 =	vadd.s32 $0x1, v1;
	vm6 =	vlt.f32 v5, v4  }
0x386: {  	v13 =	vsel @p0 vm3, v13, v25;
	v55 =	vsel vm6, v51, v53;
	v17 =	vsub.f32 v18, v49  }
0x387: {  	v25 =	vadd.s32 @p0 $0xFFFFFFFF, v12;
	v58 =	vor.u32 $0x8, v29;
	v3 =	vsel vm12, v61, v3  }
0x388: {  	v0 =	vsel vm12, v0, v62;
	v16 =	vsub.f32 @p0 v32, v16;
	v23 =	vld.idx.msk @p0 [tilespmem:v23+s4+$0x0], $0xffff;
	v17 =	vand.u32 $0x7FFFFFFF, v17  }
0x389: {  	v56 =	vsel vm6, v5, v4;
	v8 =	vsel vm12, v17, v8;
	v6 =	vsel vm12, v6, v17  }
0x38a: {  	v60 =	vadd.s32 $0x1, v0;
	v59 =	vadd.s32 $0xFFFFFFFF, v3;
	[tilespmem:v50+s14+$0x0] =	vst.idx.msk $0xffff, v56;
	vm13 =	vlt.f32 v8, v6  }
0x38b: {  	v26 =	vadd.s32 @p0 $0x1, v13;
	v16 =	vand.u32 @p0 $0x7FFFFFFF, v16;
	v57 =	vld.idx.msk [tilespmem:v55+s4+$0x0], $0xffff;
	v61 =	vsel vm13, v59, v60  }
0x38c: {  	v14 =	vsel @p0 vm5, v14, v28;
	v10 =	vsel @p0 vm3, v10, v16;
	v11 =	vsel @p0 vm3, v16, v21  }
0x38d: {  	v16 =	vsub.f32 @p0 v42, v23;
	v21 =	vor.u32 @p0 $0xC, v7;
	vm3 =	vlt.f32 @p0 v11, v10  }
0x38e: {  	v15 =	vsel @p0 vm5, v33, v15;
	v28 =	vsel @p0 vm3, v25, v26;
	v62 =	vsel vm13, v8, v6  }
0x38f: {  	v27 =	vadd.s32 @p0 $0xFFFFFFFF, v14;
	v63 =	vor.u32 $0x9, v31;
	v16 =	vand.u32 @p0 $0x7FFFFFFF, v16;
	[tilespmem:v58+s14+$0x0] =	vst.idx.msk $0xffff, v62  }
0x390: {  	v19 =	vsel @p0 vm5, v16, v19;
	v9 =	vsel @p0 vm5, v9, v16;
	v16 =	vsub.f32 v20, v57;
	v44 =	vld.idx.msk [tilespmem:v61+s4+$0x0], $0xffff  }
0x391: {  	v23 =	vsel @p0 vm3, v11, v10;
	v2 =	vsel vm6, v51, v2;
	v1 =	vsel vm6, v1, v53  }
0x392: {  	vm5 =	vlt.f32 @p0 v19, v9;
	[tilespmem:v21+s14+$0x0] =	vst.idx.msk @p0 $0xffff, v23;
	v21 =	vadd.s32 @p0 $0x1, v15;
	v16 =	vand.u32 $0x7FFFFFFF, v16  }
0x393: {  	v23 =	vld.idx.msk @p0 [tilespmem:v28+s4+$0x0], $0xffff;
	v28 =	vsel @p0 vm5, v27, v21;
	v5 =	vsel vm6, v16, v5;
	v4 =	vsel vm6, v4, v16  }
0x394: {  	v49 =	vadd.s32 $0xFFFFFFFF, v2;
	v50 =	vadd.s32 $0x1, v1;
	vm6 =	vlt.f32 v5, v4  }
0x395: {  	v51 =	vsel vm6, v49, v50;
	v56 =	vsub.f32 v18, v44  }
0x396: {  	v40 =	vsel @p0 vm5, v19, v9;
	v15 =	vsel @p0 vm5, v15, v21;
	v55 =	vor.u32 $0x9, v29  }
0x397: {  	[tilespmem:v43+s14+$0x0] =	vst.idx.msk @p0 $0xffff, v40;
	v3 =	vsel vm13, v59, v3;
	v0 =	vsel vm13, v0, v60;
	v21 =	vand.u32 $0x7FFFFFFF, v56  }
0x398: {  	v17 =	vld.idx.msk @p0 [tilespmem:v28+s4+$0x0], $0xffff;
	v53 =	vsel vm6, v5, v4;
	v8 =	vsel vm13, v21, v8;
	v6 =	vsel vm13, v6, v21  }
0x399: {  	v58 =	vadd.s32 $0xFFFFFFFF, v3;
	v59 =	vadd.s32 $0x1, v0;
	[tilespmem:v63+s14+$0x0] =	vst.idx.msk $0xffff, v53;
	vm7 =	vlt.f32 v8, v6  }
0x39a: {  	v16 =	vsub.f32 @p0 v32, v23;
	v57 =	vld.idx.msk [tilespmem:v51+s4+$0x0], $0xffff;
	v60 =	vsel vm7, v58, v59  }
0x39b: {  	v22 =	vor.u32 @p0 $0xD, v7;
	v12 =	vsel @p0 vm3, v25, v12;
	v13 =	vsel @p0 vm3, v13, v26  }
0x39c: {  	v25 =	vadd.s32 @p0 $0xFFFFFFFF, v12;
	v14 =	vsel @p0 vm5, v27, v14;
	v16 =	vand.u32 @p0 $0x7FFFFFFF, v16  }
0x39d: {  	v17 =	vsub.f32 @p0 v42, v17;
	v2 =	vsel vm6, v49, v2;
	v62 =	vsel vm7, v8, v6  }
0x39e: {  	v27 =	vadd.s32 @p0 $0x1, v13;
	v1 =	vsel vm6, v1, v50;
	v11 =	vsel @p0 vm3, v16, v11;
	[tilespmem:v55+s14+$0x0] =	vst.idx.msk $0xffff, v62  }
0x39f: {  	v10 =	vsel @p0 vm3, v10, v16;
	v17 =	vand.u32 @p0 $0x7FFFFFFF, v17;
	v61 =	vsub.f32 v20, v57;
	v51 =	vld.idx.msk [tilespmem:v60+s4+$0x0], $0xffff  }
0x3a0: {  	v63 =	vor.u32 $0xA, v31;
	vm4 =	vlt.f32 @p0 v11, v10;
	v19 =	vsel @p0 vm5, v17, v19  }
0x3a1: {  	v9 =	vsel @p0 vm5, v9, v17;
	v23 =	vsel @p0 vm4, v25, v27;
	v17 =	vand.u32 $0x7FFFFFFF, v61  }
0x3a2: {  	v24 =	vsel @p0 vm4, v11, v10;
	v5 =	vsel vm6, v17, v5;
	v4 =	vsel vm6, v4, v17  }
0x3a3: {  	v49 =	vadd.s32 $0xFFFFFFFF, v2;
	v50 =	vadd.s32 $0x1, v1;
	[tilespmem:v22+s14+$0x0] =	vst.idx.msk @p0 $0xffff, v24;
	vm14 =	vlt.f32 v5, v4  }
0x3a4: {  	v43 =	vld [tilespmem:$0x1FF80];
	v53 =	vsel vm14, v49, v50;
	v56 =	vsub.f32 v18, v51  }
0x3a5: {  	v3 =	vsel vm7, v58, v3  }
0x3a6: {  	v0 =	vsel vm7, v0, v59;
	v58 =	vor.u32 $0xA, v29;
	v16 =	vand.u32 $0x7FFFFFFF, v56  }
0x3a7: {  	v23 =	vld.idx.msk @p0 [tilespmem:v23+s4+$0x0], $0xffff;
	v55 =	vsel vm14, v5, v4;
	v8 =	vsel vm7, v16, v8;
	v6 =	vsel vm7, v6, v16  }
0x3a8: {  	v59 =	vadd.s32 $0xFFFFFFFF, v3;
	v26 =	vadd.s32 $0x1, v0;
	[tilespmem:v63+s14+$0x0] =	vst.idx.msk $0xffff, v55;
	vm15 =	vlt.f32 v8, v6  }
0x3a9: {  	v30 =	vadd.s32 @p0 $0x1, v15;
	v57 =	vld.idx.msk [tilespmem:v53+s4+$0x0], $0xffff;
	v60 =	vsel vm15, v59, v26  }
0x3aa: {  	v28 =	vadd.s32 @p0 $0xFFFFFFFF, v14;
	v12 =	vsel @p0 vm4, v25, v12;
	vm3 =	vlt.f32 @p0 v19, v9  }
0x3ab: {  	v13 =	vsel @p0 vm4, v13, v27;
	v40 =	vsel @p0 vm3, v28, v30;
	v41 =	vsel @p0 vm3, v19, v9  }
0x3ac: {  	v21 =	vsub.f32 @p0 v32, v23;
	[tilespmem:v43+s14+$0x0] =	vst.idx.msk @p0 $0xffff, v41;
	v62 =	vsel vm15, v8, v6  }
0x3ad: {  	v27 =	vadd.s32 @p0 $0xFFFFFFFF, v12;
	v33 =	vadd.s32 @p0 $0x1, v13;
	v17 =	vor.u32 @p0 $0xE, v7;
	[tilespmem:v58+s14+$0x0] =	vst.idx.msk $0xffff, v62  }
0x3ae: {  	v21 =	vand.u32 @p0 $0x7FFFFFFF, v21;
	v2 =	vsel vm14, v49, v2;
	v61 =	vsub.f32 v20, v57;
	v51 =	vld.idx.msk [tilespmem:v60+s4+$0x0], $0xffff  }
0x3af: {  	v1 =	vsel vm14, v1, v50;
	v11 =	vsel @p0 vm4, v21, v11;
	v10 =	vsel @p0 vm4, v10, v21  }
0x3b0: {  	v25 =	vld.idx.msk @p0 [tilespmem:v40+s4+$0x0], $0xffff;
	v63 =	vor.u32 $0xB, v31;
	v49 =	vadd.s32 $0xFFFFFFFF, v2;
	v21 =	vand.u32 $0x7FFFFFFF, v61  }
0x3b1: {  	vm4 =	vlt.f32 @p0 v11, v10;
	v5 =	vsel vm14, v21, v5;
	v4 =	vsel vm14, v4, v21  }
0x3b2: {  	v50 =	vadd.s32 $0x1, v1;
	v41 =	vsel @p0 vm4, v27, v33;
	vm8 =	vlt.f32 v5, v4  }
0x3b3: {  	v53 =	vsel vm8, v49, v50;
	v57 =	vsub.f32 v18, v51  }
0x3b4: {  	v56 =	vor.u32 $0xB, v29;
	v44 =	vsel @p0 vm4, v11, v10;
	v3 =	vsel vm15, v59, v3  }
0x3b5: {  	[tilespmem:v17+s14+$0x0] =	vst.idx.msk @p0 $0xffff, v44;
	v23 =	vsub.f32 @p0 v42, v25;
	v58 =	vsel vm15, v0, v26;
	v21 =	vand.u32 $0x7FFFFFFF, v57  }
0x3b6: {  	v55 =	vsel vm8, v5, v4;
	v8 =	vsel vm15, v21, v8;
	v6 =	vsel vm15, v6, v21  }
0x3b7: {  	v59 =	vadd.s32 $0xFFFFFFFF, v3;
	v0 =	vld.idx.msk @p0 [tilespmem:v41+s4+$0x0], $0xffff;
	v60 =	vadd.s32 $0x1, v58;
	[tilespmem:v63+s14+$0x0] =	vst.idx.msk $0xffff, v55;
	vm9 =	vlt.f32 v8, v6  }
0x3b8: {  	v17 =	vand.u32 @p0 $0x7FFFFFFF, v23;
	v23 =	vld.idx.msk [tilespmem:v53+s4+$0x0], $0xffff;
	v61 =	vsel vm9, v59, v60  }
0x3b9: {  	v14 =	vsel @p0 vm3, v28, v14;
	v43 =	vld [tilespmem:$0x1FF90]  }
0x3ba: {  	v15 =	vsel @p0 vm3, v15, v30;
	v12 =	vsel @p0 vm4, v27, v12;
	v19 =	vsel @p0 vm3, v17, v19  }
0x3bb: {  	v9 =	vsel @p0 vm3, v9, v17;
	v63 =	vsel vm8, v1, v50;
	v1 =	vsel vm9, v8, v6  }
0x3bc: {  	v16 =	vadd.s32 @p0 $0xFFFFFFFF, v14;
	v13 =	vsel @p0 vm4, v13, v33;
	vm5 =	vlt.f32 @p0 v19, v9;
	[tilespmem:v56+s14+$0x0] =	vst.idx.msk $0xffff, v1  }
0x3bd: {  	v26 =	vadd.s32 @p0 $0x1, v15;
	v40 =	vsel @p0 vm5, v19, v9;
	v23 =	vsub.f32 v20, v23;
	v44 =	vld.idx.msk [tilespmem:v61+s4+$0x0], $0xffff  }
0x3be: {  	v0 =	vsub.f32 @p0 v32, v0;
	v2 =	vsel vm8, v49, v2;
	v50 =	vor.u32 $0xC, v29  }
0x3bf: {  	v24 =	vadd.s32 $0x1, v63;
	v21 =	vsel @p0 vm5, v16, v26;
	v62 =	vand.u32 $0x7FFFFFFF, v23  }
0x3c0: {  	v3 =	vsel vm9, v59, v3;
	v5 =	vsel vm8, v62, v5;
	v4 =	vsel vm8, v4, v62  }
0x3c1: {  	[tilespmem:v43+s14+$0x0] =	vst.idx.msk @p0 $0xffff, v40;
	v40 =	vor.u32 $0xC, v31;
	v43 =	vadd.s32 $0xFFFFFFFF, v2;
	vm10 =	vlt.f32 v5, v4  }
0x3c2: {  	v1 =	vand.u32 @p0 $0x7FFFFFFF, v0;
	v49 =	vsel vm10, v43, v24;
	v53 =	vsub.f32 v18, v44  }
0x3c3: {  	v25 =	vsel vm9, v58, v60;
	v56 =	vadd.s32 $0xFFFFFFFF, v3;
	v0 =	vsel @p0 vm4, v1, v11  }
0x3c4: {  	v11 =	vadd.s32 @p0 $0xFFFFFFFF, v12;
	v12 =	vadd.s32 @p0 $0x1, v13;
	v21 =	vld.idx.msk @p0 [tilespmem:v21+s4+$0x0], $0xffff;
	v13 =	vand.u32 $0x7FFFFFFF, v53  }
0x3c5: {  	v51 =	vsel vm10, v5, v4;
	v8 =	vsel vm9, v13, v8;
	v13 =	vsel vm9, v6, v13  }
0x3c6: {  	v57 =	vadd.s32 $0x1, v25;
	v1 =	vsel @p0 vm4, v10, v1;
	[tilespmem:v40+s14+$0x0] =	vst.idx.msk $0xffff, v51;
	vm7 =	vlt.f32 v8, v13  }
0x3c7: {  	v15 =	vsel @p0 vm5, v15, v26;
	vm3 =	vlt.f32 @p0 v0, v1;
	v55 =	vld.idx.msk [tilespmem:v49+s4+$0x0], $0xffff;
	v58 =	vsel vm7, v56, v57  }
0x3c8: {  	v11 =	vsel @p0 vm3, v11, v12;
	v12 =	vsel @p0 vm5, v16, v14;
	v14 =	vor.u32 @p0 $0xF, v7  }
0x3c9: {  	v30 =	vadd.s32 @p0 $0x1, v15;
	v16 =	vsub.f32 @p0 v42, v21  }
0x3ca: {  	v60 =	vor.u32 $0xD, v31;
	v22 =	vadd.s32 @p0 $0xFFFFFFFF, v12;
	v62 =	vsel vm7, v8, v13  }
0x3cb: {  	v2 =	vsel vm10, v43, v2;
	v21 =	vsel @p0 vm3, v0, v1;
	v16 =	vand.u32 @p0 $0x7FFFFFFF, v16;
	[tilespmem:v50+s14+$0x0] =	vst.idx.msk $0xffff, v62  }
0x3cc: {  	v19 =	vsel @p0 vm5, v16, v19;
	v16 =	vsel @p0 vm5, v9, v16;
	v59 =	vsub.f32 v20, v55;
	v6 =	vld.idx.msk [tilespmem:v58+s4+$0x0], $0xffff  }
0x3cd: {  	v61 =	vsel vm10, v63, v24;
	v63 =	vadd.s32 $0xFFFFFFFF, v2;
	[tilespmem:v14+s14+$0x0] =	vst.idx.msk @p0 $0xffff, v21;
	vm4 =	vlt.f32 @p0 v19, v16  }
0x3ce: {  	v11 =	vld.idx.msk @p0 [tilespmem:v11+s4+$0x0], $0xffff;
	v3 =	vsel vm7, v56, v3;
	v26 =	vsel @p0 vm4, v22, v30;
	v9 =	vand.u32 $0x7FFFFFFF, v59  }
0x3cf: {  	v5 =	vsel vm10, v9, v5;
	v4 =	vsel vm10, v4, v9;
	v9 =	vsub.f32 @p1 v54, v52  }
0x3d0: {  	v25 =	vsel vm7, v25, v57;
	v23 =	vsel @p0 vm4, v19, v16;
	vm11 =	vlt.f32 v5, v4  }
0x3d1: {  	[tilespmem:v45+s14+$0x0] =	vst.idx.msk @p0 $0xffff, v23;
	v43 =	vsel vm11, v5, v4;
	v9 =	vand.u32 @p1 $0x7FFFFFFF, v9;
	v44 =	vsub.f32 v18, v6  }
0x3d2: {  	v40 =	vadd.s32 $0x1, v61;
	[tilespmem:v60+s14+$0x0] =	vst.idx.msk $0xffff, v43;
	v17 =	vsel @p1 vm2, v9, v47;
	v23 =	vsel @p1 vm2, v48, v9  }
0x3d3: {  	v9 =	vsub.f32 @p0 v32, v11;
	v11 =	vsel @p0 vm4, v22, v12;
	v12 =	vld.idx.msk @p0 [tilespmem:v26+s4+$0x0], $0xffff;
	vm2 =	vlt.f32 @p1 v17, v23  }
0x3d4: {  	v49 =	vadd.s32 $0xFFFFFFFF, v3;
	v26 =	vand.u32 $0x7FFFFFFF, v44;
	v28 =	vsel @p1 vm2, v37, v35;
	v35 =	vld [tilespmem:$0x1FE70]  }
0x3d5: {  	v41 =	vsel vm11, v63, v40;
	v8 =	vsel vm7, v26, v8;
	v13 =	vsel vm7, v13, v26  }
0x3d6: {  	v50 =	vadd.s32 $0x1, v25;
	v48 =	vor.u32 $0xD, v29;
	vm7 =	vlt.f32 v8, v13  }
0x3d7: {  	v52 =	vsel vm7, v49, v50  }
0x3d8: {  	v45 =	vld [tilespmem:$0x1FF00]  }
0x3d9: {  	v51 =	vld [tilespmem:$0x1FF70]  }
0x3da: {  	v47 =	vld.idx.msk [tilespmem:v41+s4+$0x0], $0xffff;
	v55 =	vsel vm7, v8, v13  }
0x3db: {  	v53 =	vld [tilespmem:$0x1FF40];
	v33 =	vsel @p1 vm2, v17, v23;
	[tilespmem:v48+s14+$0x0] =	vst.idx.msk $0xffff, v55  }
0x3dc: {  	v15 =	vsel @p0 vm4, v15, v30;
	v30 =	vld.idx.msk [tilespmem:v52+s4+$0x0], $0xffff;
	[tilespmem:v35+s14+$0x0] =	vst.idx.msk @p1 $0xffff, v33  }
0x3dd: {  	v56 =	vor.u32 $0xE, v31;
	vm0 =	vmmov @p0 vm4;
	v21 =	vld [tilespmem:$0x1FFA0]  }
0x3de: {  	v2 =	vsel vm11, v63, v2;
	v14 =	vsel vm11, v61, v40;
	v63 =	vor.u32 $0xE, v29;
	v22 =	vmovc @p0 v42;
	v60 =	vld [tilespmem:$0x1FFD0]  }
0x3df: {  	v57 =	vadd.s32 $0xFFFFFFFF, v2;
	v6 =	vpsel p0, v22, v45;
	v22 =	vsub.f32 v20, v47;
	v40 =	vld [tilespmem:$0x1FF60]  }
0x3e0: {  	v58 =	vadd.s32 $0x1, v14;
	v32 =	vsel @p1 vm2, v37, v36;
	v12 =	vpsel p0, v12, v51;
	v35 =	vld [tilespmem:$0x1FF30]  }
0x3e1: {  	v37 =	vadd.s32 @p0 $0x1, v15;
	v12 =	vsub.f32 @p0 v6, v12;
	v22 =	vand.u32 $0x7FFFFFFF, v22  }
0x3e2: {  	v3 =	vsel vm7, v49, v3;
	v5 =	vsel vm11, v22, v5;
	v4 =	vsel vm11, v4, v22  }
0x3e3: {  	v19 =	vpsel p0, v19, v53;
	v12 =	vand.u32 @p0 $0x7FFFFFFF, v12;
	vm5 =	vlt.f32 v5, v4  }
0x3e4: {  	v61 =	vld [tilespmem:$0x1FF50];
	v21 =	vpsel p0, v21, v60;
	v37 =	vpsel p0, v37, v40;
	v40 =	vsub.f32 v18, v30  }
0x3e5: {  	v19 =	vsel @p0 vm0, v12, v19;
	v59 =	vsel vm5, v57, v58;
	v16 =	vpsel p0, v16, v35  }
0x3e6: {  	v32 =	vld.idx.msk @p1 [tilespmem:v32+s4+$0x0], $0xffff;
	v62 =	vsel vm5, v5, v4;
	v12 =	vsel @p0 vm0, v16, v12;
	v22 =	vand.u32 $0x7FFFFFFF, v40  }
0x3e7: {  	vm6 =	vlt.f32 @p0 v19, v12;
	v8 =	vsel vm7, v22, v8;
	v13 =	vsel vm7, v13, v22  }
0x3e8: {  	v10 =	vadd.s32 @p0 $0xFFFFFFFF, v11;
	[tilespmem:v56+s14+$0x0] =	vst.idx.msk $0xffff, v62;
	v26 =	vsel @p0 vm6, v19, v12;
	vm12 =	vlt.f32 v8, v13  }
0x3e9: {  	v10 =	vpsel p0, v10, v61;
	[tilespmem:v21+s14+$0x0] =	vst.idx.msk @p0 $0xffff, v26;
	v45 =	vsel vm12, v8, v13  }
0x3ea: {  	v25 =	vsel vm7, v25, v50;
	v41 =	vld.idx.msk [tilespmem:v59+s4+$0x0], $0xffff;
	v35 =	vsel @p0 vm6, v10, v37;
	[tilespmem:v63+s14+$0x0] =	vst.idx.msk $0xffff, v45  }
0x3eb: {  	v42 =	vadd.s32 $0xFFFFFFFF, v3;
	v27 =	vadd.s32 $0x1, v25;
	v32 =	vsub.f32 @p1 v54, v32;
	v47 =	vld [tilespmem:$0x1FF10]  }
0x3ec: {  	v7 =	vor.u32 @p0 $0x10, v7;
	v9 =	vand.u32 @p0 $0x7FFFFFFF, v9;
	v43 =	vsel vm12, v42, v27;
	v49 =	vld [tilespmem:$0x1FF20]  }
0x3ed: {  	v0 =	vsel @p0 vm3, v9, v0;
	v55 =	vor.u32 $0xF, v29;
	v26 =	vand.u32 @p1 $0x7FFFFFFF, v32;
	v51 =	vld [tilespmem:$0x1FFB0]  }
0x3ee: {  	v30 =	vsel @p1 vm2, v34, v36;
	v17 =	vsel @p1 vm2, v26, v17;
	v23 =	vsel @p1 vm2, v23, v26;
	v52 =	vld [tilespmem:$0x1FFE0]  }
0x3ef: {  	v30 =	vadd.s32 @p1 $0x1, v30;
	v21 =	vadd.s32 @p1 $0xFFFFFFFF, v28;
	vm0 =	vlt.f32 @p1 v17, v23;
	v32 =	vld.idx.msk @p0 [tilespmem:v35+s4+$0x0], $0xffff  }
0x3f0: {  	v2 =	vsel vm5, v57, v2;
	v44 =	vsub.f32 v20, v41;
	v16 =	vsel @p1 vm0, v21, v30;
	v30 =	vld [tilespmem:$0x1FE80]  }
0x3f1: {  	v53 =	vor.u32 $0xF, v31;
	v14 =	vsel vm5, v14, v58;
	v2 =	vadd.s32 $0xFFFFFFFF, v2;
	v50 =	vld.idx.msk [tilespmem:v43+s4+$0x0], $0xffff  }
0x3f2: {  	v14 =	vadd.s32 $0x1, v14;
	v28 =	vsel @p1 vm0, v17, v23;
	v48 =	vand.u32 $0x7FFFFFFF, v44  }
0x3f3: {  	v5 =	vsel vm5, v48, v5;
	v4 =	vsel vm5, v4, v48;
	v11 =	vpsel p0, v11, v47  }
0x3f4: {  	v15 =	vpsel p0, v15, v49;
	vm13 =	vlt.f32 v5, v4;
	v24 =	vpsel p0, v51, v52  }
0x3f5: {  	v26 =	vsub.f32 @p0 v6, v32;
	v2 =	vsel vm13, v2, v14;
	v10 =	vsel @p0 vm6, v10, v11  }
0x3f6: {  	v15 =	vsel @p0 vm6, v15, v37;
	v56 =	vsel vm13, v5, v4;
	v21 =	vsub.f32 v18, v50  }
0x3f7: {  	v10 =	vadd.s32 @p0 $0xFFFFFFFF, v10;
	v15 =	vadd.s32 @p0 $0x1, v15;
	[tilespmem:v53+s14+$0x0] =	vst.idx.msk $0xffff, v56;
	v26 =	vand.u32 @p0 $0x7FFFFFFF, v26  }
0x3f8: {  	v19 =	vsel @p0 vm6, v26, v19;
	v12 =	vsel @p0 vm6, v12, v26;
	[tilespmem:v30+s14+$0x0] =	vst.idx.msk @p1 $0xffff, v28;
	v57 =	vand.u32 $0x7FFFFFFF, v21  }
0x3f9: {  	vm5 =	vlt.f32 @p0 v19, v12;
	v8 =	vsel vm12, v57, v8;
	v13 =	vsel vm12, v13, v57  }
0x3fa: {  	v10 =	vsel @p0 vm5, v10, v15;
	v15 =	vld.idx.msk @p1 [tilespmem:v16+s4+$0x0], $0xffff;
	v21 =	vsel @p0 vm5, v19, v12;
	vm14 =	vlt.f32 v8, v13  }
0x3fb: {  	v1 =	vsel @p0 vm3, v1, v9;
	v2 =	vld.idx.msk [tilespmem:v2+s4+$0x0], $0xffff;
	[tilespmem:v24+s14+$0x0] =	vst.idx.msk @p0 $0xffff, v21;
	v59 =	vsel vm14, v8, v13  }
0x3fc: {  	v3 =	vsel vm12, v42, v3;
	v58 =	vsel vm12, v25, v27;
	v14 =	vand.u32 @p2 $0x7FFFFFFF, v46;
	[tilespmem:v55+s14+$0x0] =	vst.idx.msk $0xffff, v59  }
0x3fd: {  	v3 =	vadd.s32 $0xFFFFFFFF, v3;
	v11 =	vsel @p2 vm1, v14, v38;
	v16 =	vadd.s32 $0x1, v58;
	v60 =	vld [tilespmem:$0x1FFC0]  }
0x3fe: {  	v14 =	vsel @p2 vm1, v39, v14;
	vm1 =	vlt.f32 @p0 v0, v1;
	v3 =	vsel vm14, v3, v16;
	v61 =	vld [tilespmem:$0x1FEA0]  }
0x3ff: {  	vm3 =	vlt.f32 @p2 v11, v14;
	v0 =	vsel @p0 vm1, v0, v1;
	v62 =	vld [tilespmem:$0x1FE90]  }
0x400: {  	[tilespmem:v7+s14+$0x0] =	vst.idx.msk @p0 $0xffff, v0;
	v9 =	vsub.f32 @p1 v54, v15;
	v2 =	vsub.f32 v20, v2;
	v10 =	vld.idx.msk @p0 [tilespmem:v10+s4+$0x0], $0xffff  }
0x401: {  	v63 =	vor.u32 $0x10, v29;
	vm0 =	vmmov @p1 vm0;
	v1 =	vsel @p2 vm3, v11, v14;
	v7 =	vld [tilespmem:$0x1FDD0]  }
0x402: {  	v14 =	vpsel p1, v17, v0;
	v9 =	vpsel p1, v9, v0;
	v2 =	vand.u32 $0x7FFFFFFF, v2  }
0x403: {  	v15 =	vpsel p1, v23, v0;
	v3 =	vld.idx.msk [tilespmem:v3+s4+$0x0], $0xffff;
	v9 =	vand.u32 @p1 $0x7FFFFFFF, v9;
	v5 =	vsel vm13, v2, v5  }
0x404: {  	v2 =	vsel vm13, v4, v2;
	v4 =	vor.u32 $0x10, v31;
	v14 =	vsel @p1 vm0, v9, v14  }
0x405: {  	v9 =	vsel @p1 vm0, v15, v9;
	vm0 =	vlt.f32 v5, v2;
	v6 =	vsub.f32 @p0 v6, v10  }
0x406: {  	v11 =	vpsel p0, v60, v61;
	vm1 =	vlt.f32 @p1 v14, v9;
	v2 =	vsel vm0, v5, v2  }
0x407: {  	v5 =	vsel @p1 vm1, v14, v9;
	v9 =	vpsel p1, v62, v0;
	v0 =	vpsel p0, v6, v0  }
0x408: {  	vm0 =	vmmov @p0 vm5;
	v3 =	vsub.f32 v18, v3;
	v6 =	vpsel p0, v11, v0  }
0x409: {  	[tilespmem:v7+s14+$0x0] =	vst.idx.msk @p2 $0xffff, v1;
	v1 =	vpsel p0, v19, v0;
	v7 =	vpsel p0, v12, v0;
	v0 =	vand.u32 @p0 $0x7FFFFFFF, v0  }
0x40a: {  	[tilespmem:v4+s14+$0x0] =	vst.idx.msk $0xffff, v2;
	v1 =	vsel @p0 vm0, v0, v1;
	v0 =	vsel @p0 vm0, v7, v0;
	v2 =	vand.u32 $0x7FFFFFFF, v3  }
0x40b: {  	v3 =	vsel vm14, v2, v8;
	v2 =	vsel vm14, v13, v2;
	vm0 =	vlt.f32 @p0 v1, v0  }
0x40c: {  	[tilespmem:v9+s14+$0x0] =	vst.idx.msk @p1 $0xffff, v5;
	v0 =	vsel @p0 vm0, v1, v0;
	vm15 =	vlt.f32 v3, v2  }
0x40d: {  	s16 =	sadd.s32 $0x1, s16;
	[tilespmem:v6+s14+$0x0] =	vst.idx.msk @p0 $0xffff, v0;
	v0 =	vsel vm15, v3, v2  }
0x40e: {  	p0 =	sne.s32 s16, s7;
	[tilespmem:v63+s14+$0x0] =	vst.idx.msk $0xffff, v0  }
0x40f: {  	[hbm4b:s6+s4] =	stream.linear.scatter [tilespmem:s14], [sflag:$0x4], $0x10000, $0x38;
	[tilespmem:$0x11A80] =	vst v63  }
.Ltmp6:
0x410: {  	_ = 	snop;
	(pc) =	sbr.rel @p0 .LBB2_1-.Ltmp6, $4  }
.Ltmp7:
0x411: {  	_ = 	snop;
	(pc) =	sbr.rel @!p0 .LBB2_14-.Ltmp7, $4  }
0x412: {  	_ =	swait.ge [sflag:s15], $0x10000  }
0x413: {  	[sflag:s15] =	ssyncset.done $0x0  }
0x414: {  	v2 =	vimm.s32 $0x40F;
	v3 =	vimm.s32 $0x10;
	[sflag:s15] =	ssyncadd.s32 $0xFFFF0000  }
0x415: {  	_ = 	snop  }
.LBB2_4:
0x416: {  	_ = 	snop  }
0x417: {  	_ = 	snop  }
0x418: {  	_ = 	snop  }
0x419: {  	_ = 	snop  }
0x41a: {  	_ = 	snop  }
0x41b: {  	_ = 	snop  }
0x41c: {  	_ = 	snop  }
0x41d: {  	_ = 	snop  }
0x41e: {  	_ = 	snop  }
0x41f: {  	_ = 	snop  }
0x420: {  	_ = 	snop  }
0x421: {  	_ = 	snop  }
0x422: {  	_ = 	snop  }
0x423: {  	_ = 	snop  }
0x424: {  	_ = 	snop  }
.Ltmp8:
0x425: {  	(pc) =	sbr.rel .LBB2_13-.Ltmp8, $4  }
0x426: {  	_ = 	snop  }
0x427: {  	_ = 	snop  }
0x428: {  	_ = 	snop  }
0x429: {  	v18 =	vmov v4;
	v20 =	vmov v32;
	s18 =	simm.s32 $0x10  }
.LBB2_6:
0x42a: {  	v2 =	vld [tilespmem:$0x1FFD0];
	_ =	sdelay $0x4  }
0x42b: {  	[tilespmem:$0x1FFA0] =	vst v2;
	v2 =	vld [tilespmem:$0x1FFE0];
	_ =	sdelay $0x4  }
0x42c: {  	[tilespmem:$0x1FFB0] =	vst v2  }
0x42d: {  	_ = 	snop  }
0x42e: {  	_ = 	snop  }
0x42f: {  	_ = 	snop  }
0x430: {  	_ = 	snop  }
0x431: {  	_ = 	snop  }
0x432: {  	_ = 	snop  }
0x433: {  	_ = 	snop  }
0x434: {  	_ = 	snop  }
0x435: {  	_ = 	snop  }
.Ltmp9:
0x436: {  	(pc) =	sbr.rel .LBB2_13-.Ltmp9, $4  }
0x437: {  	_ = 	snop  }
0x438: {  	[tilespmem:$0x1FF80] =	vst v19  }
0x439: {  	[tilespmem:$0x1FF90] =	vst v16  }
0x43a: {  	v44 =	vmovc v17;
	v43 =	vmovc v24;
	v18 =	vmov v8;
	v42 =	vmov v4;
	[tilespmem:$0x1FFC0] =	vst v15;
	s18 =	simm.s32 $0x10;
	v20 =	vmov v33  }
.LBB2_8:
0x43b: {  	v2 =	vld [tilespmem:$0x1FFD0];
	_ =	sdelay $0x4  }
0x43c: {  	[tilespmem:$0x1FE70] =	vst v2;
	v2 =	vld [tilespmem:$0x1FEE0];
	_ =	sdelay $0x4  }
0x43d: {  	[tilespmem:$0x1FF80] =	vst v2;
	v2 =	vld [tilespmem:$0x1FEF0];
	_ =	sdelay $0x4  }
0x43e: {  	[tilespmem:$0x1FF90] =	vst v2;
	v2 =	vld [tilespmem:$0x1FFE0];
	_ =	sdelay $0x4  }
0x43f: {  	[tilespmem:$0x1FE80] =	vst v2  }
0x440: {  	v2 =	vld [tilespmem:$0x1FEA0]  }
.Ltmp10:
0x441: {  	_ = 	snop;
	(pc) =	sbr.rel .LBB2_13-.Ltmp10, $4  }
0x442: {  	_ = 	snop  }
0x443: {  	v18 =	vmov v31;
	v54 =	vmov v4;
	v44 =	vld [tilespmem:$0x1FEC0];
	[tilespmem:$0x1FFC0] =	vst v14  }
0x444: {  	vm2 =	vmmov vm0;
	v20 =	vmovc v29;
	v32 =	vmovc v33;
	v7 =	vmov v34;
	v43 =	vld [tilespmem:$0x1FED0];
	v37 =	vmov v12;
	[tilespmem:$0x1FFA0] =	vst v13  }
0x445: {  	v36 =	vmovc v17;
	v35 =	vmovc v23;
	v34 =	vmov v21;
	v45 =	vmov v42;
	v42 =	vmov v8;
	v30 =	vld [tilespmem:$0x1FEB0];
	[tilespmem:$0x1FE90] =	vst v2  }
.LBB2_10:
0x446: {  	v2 =	vld [tilespmem:$0x1FEA0];
	_ =	sdelay $0x3  }
0x447: {  	[tilespmem:$0x1FE70] =	vst v13  }
0x448: {  	[tilespmem:$0x1FDD0] =	vst v2;
	v2 =	vld [tilespmem:$0x1FE00]  }
.Ltmp11:
0x449: {  	[tilespmem:$0x1FE90] =	vst v14;
	(pc) =	sbr.rel .LBB2_13-.Ltmp11, $4  }
0x44a: {  	[tilespmem:$0x1FFA0] =	vst v32  }
0x44b: {  	[tilespmem:$0x1FFB0] =	vst v41  }
0x44c: {  	v44 =	vld [tilespmem:$0x1FDE0];
	[tilespmem:$0x1FE80] =	vst v45  }
0x44d: {  	v43 =	vld [tilespmem:$0x1FDF0];
	v54 =	vmovc v8;
	v42 =	vmovc v31;
	v32 =	vmov v29;
	v6 =	vimm.s32 $0x0;
	v45 =	vmov v24;
	[tilespmem:$0x1FFC0] =	vst v2  }
.LBB2_14:
0x44e: {  	_ =	sfence.sel $0x180000  }
0x44f: {  	[bflag:$0x0] =	sbarrier.arrive $0xFFFF  }
0x450: {  	p0 =	sne.s32 s2, $0x0;
	_ =	strace $0x90000047  }
0x451: {  	s0 =	sadd.s32 @!p0 $0x100000, s0;
	[bflag:$0x2] =	sbarrier.arrive $0xFFFF  }
0x452: {  	[sflag:s0] =	ssyncadd.tile.s32 @!p0 $0x1;
	_ =	shalt  }
.Lfunc_end2:
_tile_overlayer_lowered:
.L_overlay_start_2:
0x453: {  	(tag) =	ssettag $0x2  }
0x454: {  	s0 =	rddreg [dreg:$0x0];
	s2 =	stileid.u32  }
0x455: {  	s1 =	rddreg [dreg:$0x1];
	p0 =	sne.s32 s2, $0x0  }
0x456: {  	s3 =	rddreg [dreg:$0x2];
	[bflag:$0x3] =	sbarrier.arrive $0xFFFF;
	s2 =	simm.s32 @!p0 $0x1C04  }
0x457: {  	[timem:s3], [sflag:s2] =	dma.local @!p0 [hbm:s0], s1  }
0x458: {  	s0 =	simm.s32 @!p0 $0x4  }
0x459: {  	_ =	swait.ge @!p0 [sflag:s0], s1  }
0x45a: {  	s1 =	ssub.s32 @!p0 $0x0, s1;
	[sflag:s0] =	ssyncset.done @!p0 $0x0  }
0x45b: {  	[sflag:s0] =	ssyncadd.s32 @!p0 s1  }
0x45c: {  	[bflag:$0x3] =	sbarrier.arrive $0xFFFF  }
0x45d: {  	_ =	shalt  }

</sc_bundles>
